<compile_context>
chip_gen: v7x
topology: tpu7x:2x2x1
jax: 0.10.2.dev20260603
libtpu: 0.0.44.dev20260713+nightly
codegen_flags: <defaults>
</compile_context>

<pallas_src>
import functools

import jax
import jax.numpy as jnp
from jax import lax
from jax.experimental import pallas as pl
from jax.experimental.pallas import tpu as pltpu
from jax.experimental.pallas import tpu_sc as plsc

_P = 20
_C, _H, _W = 3, 4000, 4000
_LK = _H // _P
_L = _LK * _LK
_M = _L // 2
_NT = 16
_IDX_PAD = 20480
_CHUNKS = _IDX_PAD // (_NT * 128)
_GW = 16
_RPT = _L // _NT
_FILL = 125


def _mask_body(idx_hbm, mask_hbm, buf_v, idx_v, z_v, sem):
    cid = lax.axis_index("c")
    sid = lax.axis_index("s")

    @pl.when(cid == 0)
    def _():
        for i in range(_FILL):
            buf_v[i] = jnp.ones((_GW,), jnp.float32)
        for i in range(128):
            z_v[i] = jnp.zeros((_GW,), jnp.float32)

        init = [
            pltpu.async_copy(
                buf_v, mask_hbm.at[pl.ds(sid * _RPT + k * _FILL, _FILL)], sem
            )
            for k in range(_RPT // _FILL)
        ]
        pltpu.sync_copy(idx_hbm.at[pl.ds(sid * _CHUNKS, _CHUNKS)], idx_v)
        for c in init:
            c.wait()
        plsc.subcore_barrier()
        copies = [
            pltpu.async_copy(z_v, mask_hbm.at[idx_v.at[j]], sem)
            for j in range(_CHUNKS)
        ]
        for c in copies:
            c.wait()


@functools.cache
def _get_build_mask():
    return functools.partial(
        pl.kernel,
        out_type=jax.ShapeDtypeStruct((_L, _GW), jnp.float32),
        mesh=plsc.VectorSubcoreMesh(core_axis_name="c", subcore_axis_name="s"),
        scratch_types=[
            pltpu.VMEM((_FILL, _GW), jnp.float32),
            pltpu.VMEM((_CHUNKS, 128), jnp.int32),
            pltpu.VMEM((128, _GW), jnp.float32),
            pltpu.SemaphoreType.DMA,
        ],
        compiler_params=pltpu.CompilerParams(use_tc_tiling_on_sc=False),
    )(_mask_body)


_RB = 800
_PR = _RB // _P


def _mul_body(img_ref, mask_ref, out_ref, sel_ref, rep_ref, oneh_ref):
    r = pl.program_id(0)
    c = pl.program_id(1)

    @pl.when(jnp.logical_and(c == 0, r == 0))
    def _():
        i1 = lax.broadcasted_iota(jnp.int32, (_LK * _GW, _LK), 0)
        c1 = lax.broadcasted_iota(jnp.int32, (_LK * _GW, _LK), 1) * _GW
        sel_ref[...] = (i1 == c1).astype(jnp.float32)
        i2 = lax.broadcasted_iota(jnp.int32, (_LK, _W), 0)
        c2 = lax.broadcasted_iota(jnp.int32, (_LK, _W), 1) // _P
        rep_ref[...] = (i2 == c2).astype(jnp.float32)
        i3 = lax.broadcasted_iota(jnp.int32, (_RB, _PR), 0) // _P
        c3 = lax.broadcasted_iota(jnp.int32, (_RB, _PR), 1)
        oneh_ref[...] = (i3 == c3).astype(jnp.float32)

    mc = jnp.dot(mask_ref[0], sel_ref[...],
                 preferred_element_type=jnp.float32)
    mw = jnp.dot(mc, rep_ref[...],
                 preferred_element_type=jnp.float32)
    mexp = jnp.dot(oneh_ref[...], mw,
                   preferred_element_type=jnp.float32)
    out_ref[0] = img_ref[0] * mexp


def _apply_mask(image, mask3d):
    grid = (_H // _RB, _C)
    return pl.pallas_call(
        _mul_body,
        grid=grid,
        in_specs=[
            pl.BlockSpec((1, _RB, _W), lambda r, c: (c, r, 0)),
            pl.BlockSpec((1, _PR, _LK * _GW), lambda r, c: (r, 0, 0)),
        ],
        out_specs=pl.BlockSpec((1, _RB, _W), lambda r, c: (c, r, 0)),
        out_shape=jax.ShapeDtypeStruct((_C, _H, _W), jnp.float32),
        scratch_shapes=[
            pltpu.VMEM((_LK * _GW, _LK), jnp.float32),
            pltpu.VMEM((_LK, _W), jnp.float32),
            pltpu.VMEM((_RB, _PR), jnp.float32),
        ],
        compiler_params=pltpu.CompilerParams(
            dimension_semantics=("arbitrary", "arbitrary"),
            vmem_limit_bytes=120 * 1024 * 1024,
        ),
    )(image, mask3d)


@jax.jit
def kernel(image, rand_idx):
    pad = jnp.broadcast_to(rand_idx[:1], (_IDX_PAD - _M,))
    idx2d = jnp.concatenate([rand_idx, pad]).reshape(_IDX_PAD // 128, 128)
    mask = _get_build_mask()(idx2d)
    return _apply_mask(image, mask.reshape(_H // _RB, _PR, _LK * _GW))

# --- scband reference (transcript-rebuilt; emitter-appended) ---
"""Pipeline reference for scband-zero-mask-patched-image-3375844295153 (READ-ONLY COPY).

The authoritative reference and input builder live on the scoring server;
editing this copy changes nothing except your own understanding.
"""

import jax, jax.numpy as jnp
import numpy as np

PATCH = 20
MASK_RATIO = 0.5
C, H, W = 3, 4000, 4000


def setup_inputs(seed: int = 0) -> dict:
    key = jax.random.key(seed)
    k1, k2 = jax.random.split(key)
    image = jax.random.normal(k1, (C, H, W), dtype=jnp.float32)
    l, k = H // PATCH, W // PATCH
    L = l * k
    m = int(L * MASK_RATIO)
    # deterministic stand-in for torch.randperm(L)[:m] inside the torch forward
    rand_idx = jax.random.permutation(k2, L)[:m].astype(jnp.int32)
    return {"image": image, "rand_idx": rand_idx}


def reference(image, rand_idx):
    p = PATCH
    c, h, w = image.shape
    l, k = h // p, w // p
    # image.unfold(1,p,p).unfold(2,p,p) -> (c, l, k, p, p); rearrange 'c l k h w -> (l k) c h w'
    patches = image.reshape(c, l, p, k, p)              # c, l, ph, k, pw
    patches = jnp.transpose(patches, (1, 3, 0, 2, 4))   # l, k, c, ph, pw
    patches = patches.reshape(l * k, c, p, p)           # (l k) c h w
    # image[rand_idx] = zeros_like(...)  -> scatter-overwrite
    patches = patches.at[rand_idx].set(0.0)
    # rearrange '(l k) c h w -> c l h k w' then 'c l h k w -> c (l h) (k w)'
    out = patches.reshape(l, k, c, p, p)
    out = jnp.transpose(out, (2, 0, 3, 1, 4))           # c, l, ph, k, pw
    out = out.reshape(c, l * p, k * p)
    return out

if __name__ == "__main__":
    import jax
    _d = setup_inputs()
    print(jax.jit(kernel)(*tuple(_d.values())))

</pallas_src>

<mosaic_0001>
#map = affine_map<(d0, d1) -> (0, 0)>
module attributes {stable_mosaic.version = 14 : i64} {
  func.func @_mask_body(%arg0: i32, %arg1: i32, %arg2: memref<160x128xi32, #tpu.memory_space<hbm>>, %arg3: memref<40000x16xf32, #tpu.memory_space<hbm>>, %arg4: memref<125x16xf32, #tpu.memory_space<vmem>>, %arg5: memref<10x128xi32, #tpu.memory_space<vmem>>, %arg6: memref<128x16xf32, #tpu.memory_space<vmem>>, %arg7: memref<!tpu.dma_semaphore, #tpu.memory_space<semaphore_mem>>) attributes {dimension_semantics = [#tpu.dimension_semantics<core_parallel>, #tpu.dimension_semantics<subcore_parallel>], iteration_bounds = array<i64: 2, 16>, scalar_prefetch = 0 : i64, scratch_operands = 4 : i64, tpu.core_type = #tpu.core_type<sc_vector_subcore>, window_params = [{transform_indices = #map}, {transform_indices = #map}]} {
    %eq3A = arith.constant 0 : i32
    %eq3A_0 = arith.cmpi eq, %arg0, %eq3A : i32
    %convert_element_type3A = arith.extui %eq3A_0 : i1 to i32
    %cond3A = arith.constant 0 : i32
    %cond3A_1 = arith.cmpi ne, %convert_element_type3A, %cond3A : i32
    scf.if %cond3A_1 {
      %broadcast_in_dim3A = arith.constant 1.000000e+00 : f32
      %broadcast_in_dim3A_2 = vector.broadcast %broadcast_in_dim3A : f32 to vector<16xf32>
      %swap3A = arith.constant 0 : i32
      %swap3A_3 = arith.index_cast %swap3A : i32 to index
      %swap3A_4 = arith.constant 0 : index
      %swap3A_5 = tpu.vector_load %arg4[%swap3A_3, %swap3A_4] {strides = array<i32>} : memref<125x16xf32, #tpu.memory_space<vmem>>, vector<1x16xf32>,
      %swap3A_6 = vector.shape_cast %swap3A_5 : vector<1x16xf32> to vector<16xf32>
      %swap3A_7 = vector.shape_cast %broadcast_in_dim3A_2 : vector<16xf32> to vector<1x16xf32>
      tpu.vector_store %arg4[%swap3A_3, %swap3A_4], %swap3A_7 {strides = array<i32>} : memref<125x16xf32, #tpu.memory_space<vmem>>, vector<1x16xf32>,
      %broadcast_in_dim3A_8 = arith.constant 1.000000e+00 : f32
      %broadcast_in_dim3A_9 = vector.broadcast %broadcast_in_dim3A_8 : f32 to vector<16xf32>
      %swap3A_10 = arith.constant 1 : i32
      %swap3A_11 = arith.index_cast %swap3A_10 : i32 to index
      %swap3A_12 = arith.constant 0 : index
      %swap3A_13 = tpu.vector_load %arg4[%swap3A_11, %swap3A_12] {strides = array<i32>} : memref<125x16xf32, #tpu.memory_space<vmem>>, vector<1x16xf32>,
      %swap3A_14 = vector.shape_cast %swap3A_13 : vector<1x16xf32> to vector<16xf32>
      %swap3A_15 = vector.shape_cast %broadcast_in_dim3A_9 : vector<16xf32> to vector<1x16xf32>
      tpu.vector_store %arg4[%swap3A_11, %swap3A_12], %swap3A_15 {strides = array<i32>} : memref<125x16xf32, #tpu.memory_space<vmem>>, vector<1x16xf32>,
      %broadcast_in_dim3A_16 = arith.constant 1.000000e+00 : f32
      %broadcast_in_dim3A_17 = vector.broadcast %broadcast_in_dim3A_16 : f32 to vector<16xf32>
      %swap3A_18 = arith.constant 2 : i32
      %swap3A_19 = arith.index_cast %swap3A_18 : i32 to index
      %swap3A_20 = arith.constant 0 : index
      %swap3A_21 = tpu.vector_load %arg4[%swap3A_19, %swap3A_20] {strides = array<i32>} : memref<125x16xf32, #tpu.memory_space<vmem>>, vector<1x16xf32>,
      %swap3A_22 = vector.shape_cast %swap3A_21 : vector<1x16xf32> to vector<16xf32>
      %swap3A_23 = vector.shape_cast %broadcast_in_dim3A_17 : vector<16xf32> to vector<1x16xf32>
      tpu.vector_store %arg4[%swap3A_19, %swap3A_20], %swap3A_23 {strides = array<i32>} : memref<125x16xf32, #tpu.memory_space<vmem>>, vector<1x16xf32>,
      %broadcast_in_dim3A_24 = arith.constant 1.000000e+00 : f32
      %broadcast_in_dim3A_25 = vector.broadcast %broadcast_in_dim3A_24 : f32 to vector<16xf32>
      %swap3A_26 = arith.constant 3 : i32
      %swap3A_27 = arith.index_cast %swap3A_26 : i32 to index
      %swap3A_28 = arith.constant 0 : index
      %swap3A_29 = tpu.vector_load %arg4[%swap3A_27, %swap3A_28] {strides = array<i32>} : memref<125x16xf32, #tpu.memory_space<vmem>>, vector<1x16xf32>,
      %swap3A_30 = vector.shape_cast %swap3A_29 : vector<1x16xf32> to vector<16xf32>
      %swap3A_31 = vector.shape_cast %broadcast_in_dim3A_25 : vector<16xf32> to vector<1x16xf32>
      tpu.vector_store %arg4[%swap3A_27, %swap3A_28], %swap3A_31 {strides = array<i32>} : memref<125x16xf32, #tpu.memory_space<vmem>>, vector<1x16xf32>,
      %broadcast_in_dim3A_32 = arith.constant 1.000000e+00 : f32
      %broadcast_in_dim3A_33 = vector.broadcast %broadcast_in_dim3A_32 : f32 to vector<16xf32>
      %swap3A_34 = arith.constant 4 : i32
      %swap3A_35 = arith.index_cast %swap3A_34 : i32 to index
      %swap3A_36 = arith.constant 0 : index
      %swap3A_37 = tpu.vector_load %arg4[%swap3A_35, %swap3A_36] {strides = array<i32>} : memref<125x16xf32, #tpu.memory_space<vmem>>, vector<1x16xf32>,
      %swap3A_38 = vector.shape_cast %swap3A_37 : vector<1x16xf32> to vector<16xf32>
      %swap3A_39 = vector.shape_cast %broadcast_in_dim3A_33 : vector<16xf32> to vector<1x16xf32>
      tpu.vector_store %arg4[%swap3A_35, %swap3A_36], %swap3A_39 {strides = array<i32>} : memref<125x16xf32, #tpu.memory_space<vmem>>, vector<1x16xf32>,
      %broadcast_in_dim3A_40 = arith.constant 1.000000e+00 : f32
      %broadcast_in_dim3A_41 = vector.broadcast %broadcast_in_dim3A_40 : f32 to vector<16xf32>
      %swap3A_42 = arith.constant 5 : i32
      %swap3A_43 = arith.index_cast %swap3A_42 : i32 to index
      %swap3A_44 = arith.constant 0 : index
      %swap3A_45 = tpu.vector_load %arg4[%swap3A_43, %swap3A_44] {strides = array<i32>} : memref<125x16xf32, #tpu.memory_space<vmem>>, vector<1x16xf32>,
      %swap3A_46 = vector.shape_cast %swap3A_45 : vector<1x16xf32> to vector<16xf32>
      %swap3A_47 = vector.shape_cast %broadcast_in_dim3A_41 : vector<16xf32> to vector<1x16xf32>
      tpu.vector_store %arg4[%swap3A_43, %swap3A_44], %swap3A_47 {strides = array<i32>} : memref<125x16xf32, #tpu.memory_space<vmem>>, vector<1x16xf32>,
      %broadcast_in_dim3A_48 = arith.constant 1.000000e+00 : f32
      %broadcast_in_dim3A_49 = vector.broadcast %broadcast_in_dim3A_48 : f32 to vector<16xf32>
      %swap3A_50 = arith.constant 6 : i32
      %swap3A_51 = arith.index_cast %swap3A_50 : i32 to index
      %swap3A_52 = arith.constant 0 : index
      %swap3A_53 = tpu.vector_load %arg4[%swap3A_51, %swap3A_52] {strides = array<i32>} : memref<125x16xf32, #tpu.memory_space<vmem>>, vector<1x16xf32>,
      %swap3A_54 = vector.shape_cast %swap3A_53 : vector<1x16xf32> to vector<16xf32>
      %swap3A_55 = vector.shape_cast %broadcast_in_dim3A_49 : vector<16xf32> to vector<1x16xf32>
      tpu.vector_store %arg4[%swap3A_51, %swap3A_52], %swap3A_55 {strides = array<i32>} : memref<125x16xf32, #tpu.memory_space<vmem>>, vector<1x16xf32>,
      %broadcast_in_dim3A_56 = arith.constant 1.000000e+00 : f32
      %broadcast_in_dim3A_57 = vector.broadcast %broadcast_in_dim3A_56 : f32 to vector<16xf32>
      %swap3A_58 = arith.constant 7 : i32
      %swap3A_59 = arith.index_cast %swap3A_58 : i32 to index
      %swap3A_60 = arith.constant 0 : index
      %swap3A_61 = tpu.vector_load %arg4[%swap3A_59, %swap3A_60] {strides = array<i32>} : memref<125x16xf32, #tpu.memory_space<vmem>>, vector<1x16xf32>,
      %swap3A_62 = vector.shape_cast %swap3A_61 : vector<1x16xf32> to vector<16xf32>
      %swap3A_63 = vector.shape_cast %broadcast_in_dim3A_57 : vector<16xf32> to vector<1x16xf32>
      tpu.vector_store %arg4[%swap3A_59, %swap3A_60], %swap3A_63 {strides = array<i32>} : memref<125x16xf32, #tpu.memory_space<vmem>>, vector<1x16xf32>,
      %broadcast_in_dim3A_64 = arith.constant 1.000000e+00 : f32
      %broadcast_in_dim3A_65 = vector.broadcast %broadcast_in_dim3A_64 : f32 to vector<16xf32>
      %swap3A_66 = arith.constant 8 : i32
      %swap3A_67 = arith.index_cast %swap3A_66 : i32 to index
      %swap3A_68 = arith.constant 0 : index
      %swap3A_69 = tpu.vector_load %arg4[%swap3A_67, %swap3A_68] {strides = array<i32>} : memref<125x16xf32, #tpu.memory_space<vmem>>, vector<1x16xf32>,
      %swap3A_70 = vector.shape_cast %swap3A_69 : vector<1x16xf32> to vector<16xf32>
      %swap3A_71 = vector.shape_cast %broadcast_in_dim3A_65 : vector<16xf32> to vector<1x16xf32>
      tpu.vector_store %arg4[%swap3A_67, %swap3A_68], %swap3A_71 {strides = array<i32>} : memref<125x16xf32, #tpu.memory_space<vmem>>, vector<1x16xf32>,
      %broadcast_in_dim3A_72 = arith.constant 1.000000e+00 : f32
      %broadcast_in_dim3A_73 = vector.broadcast %broadcast_in_dim3A_72 : f32 to vector<16xf32>
      %swap3A_74 = arith.constant 9 : i32
      %swap3A_75 = arith.index_cast %swap3A_74 : i32 to index
      %swap3A_76 = arith.constant 0 : index
      %swap3A_77 = tpu.vector_load %arg4[%swap3A_75, %swap3A_76] {strides = array<i32>} : memref<125x16xf32, #tpu.memory_space<vmem>>, vector<1x16xf32>,
      %swap3A_78 = vector.shape_cast %swap3A_77 : vector<1x16xf32> to vector<16xf32>
      %swap3A_79 = vector.shape_cast %broadcast_in_dim3A_73 : vector<16xf32> to vector<1x16xf32>
      tpu.vector_store %arg4[%swap3A_75, %swap3A_76], %swap3A_79 {strides = array<i32>} : memref<125x16xf32, #tpu.memory_space<vmem>>, vector<1x16xf32>,
      %broadcast_in_dim3A_80 = arith.constant 1.000000e+00 : f32
      %broadcast_in_dim3A_81 = vector.broadcast %broadcast_in_dim3A_80 : f32 to vector<16xf32>
      %swap3A_82 = arith.constant 10 : i32
      %swap3A_83 = arith.index_cast %swap3A_82 : i32 to index
      %swap3A_84 = arith.constant 0 : index
      %swap3A_85 = tpu.vector_load %arg4[%swap3A_83, %swap3A_84] {strides = array<i32>} : memref<125x16xf32, #tpu.memory_space<vmem>>, vector<1x16xf32>,
      %swap3A_86 = vector.shape_cast %swap3A_85 : vector<1x16xf32> to vector<16xf32>
      %swap3A_87 = vector.shape_cast %broadcast_in_dim3A_81 : vector<16xf32> to vector<1x16xf32>
      tpu.vector_store %arg4[%swap3A_83, %swap3A_84], %swap3A_87 {strides = array<i32>} : memref<125x16xf32, #tpu.memory_space<vmem>>, vector<1x16xf32>,
      %broadcast_in_dim3A_88 = arith.constant 1.000000e+00 : f32
      %broadcast_in_dim3A_89 = vector.broadcast %broadcast_in_dim3A_88 : f32 to vector<16xf32>
      %swap3A_90 = arith.constant 11 : i32
      %swap3A_91 = arith.index_cast %swap3A_90 : i32 to index
      %swap3A_92 = arith.constant 0 : index
      %swap3A_93 = tpu.vector_load %arg4[%swap3A_91, %swap3A_92] {strides = array<i32>} : memref<125x16xf32, #tpu.memory_space<vmem>>, vector<1x16xf32>,
      %swap3A_94 = vector.shape_cast %swap3A_93 : vector<1x16xf32> to vector<16xf32>
      %swap3A_95 = vector.shape_cast %broadcast_in_dim3A_89 : vector<16xf32> to vector<1x16xf32>
      tpu.vector_store %arg4[%swap3A_91, %swap3A_92], %swap3A_95 {strides = array<i32>} : memref<125x16xf32, #tpu.memory_space<vmem>>, vector<1x16xf32>,
      %broadcast_in_dim3A_96 = arith.constant 1.000000e+00 : f32
      %broadcast_in_dim3A_97 = vector.broadcast %broadcast_in_dim3A_96 : f32 to vector<16xf32>
      %swap3A_98 = arith.constant 12 : i32
      %swap3A_99 = arith.index_cast %swap3A_98 : i32 to index
      %swap3A_100 = arith.constant 0 : index
      %swap3A_101 = tpu.vector_load %arg4[%swap3A_99, %swap3A_100] {strides = array<i32>} : memref<125x16xf32, #tpu.memory_space<vmem>>, vector<1x16xf32>,
      %swap3A_102 = vector.shape_cast %swap3A_101 : vector<1x16xf32> to vector<16xf32>
      %swap3A_103 = vector.shape_cast %broadcast_in_dim3A_97 : vector<16xf32> to vector<1x16xf32>
      tpu.vector_store %arg4[%swap3A_99, %swap3A_100], %swap3A_103 {strides = array<i32>} : memref<125x16xf32, #tpu.memory_space<vmem>>, vector<1x16xf32>,
      %broadcast_in_dim3A_104 = arith.constant 1.000000e+00 : f32
      %broadcast_in_dim3A_105 = vector.broadcast %broadcast_in_dim3A_104 : f32 to vector<16xf32>
      %swap3A_106 = arith.constant 13 : i32
      %swap3A_107 = arith.index_cast %swap3A_106 : i32 to index
      %swap3A_108 = arith.constant 0 : index
      %swap3A_109 = tpu.vector_load %arg4[%swap3A_107, %swap3A_108] {strides = array<i32>} : memref<125x16xf32, #tpu.memory_space<vmem>>, vector<1x16xf32>,
      %swap3A_110 = vector.shape_cast %swap3A_109 : vector<1x16xf32> to vector<16xf32>
      %swap3A_111 = vector.shape_cast %broadcast_in_dim3A_105 : vector<16xf32> to vector<1x16xf32>
      tpu.vector_store %arg4[%swap3A_107, %swap3A_108], %swap3A_111 {strides = array<i32>} : memref<125x16xf32, #tpu.memory_space<vmem>>, vector<1x16xf32>,
      %broadcast_in_dim3A_112 = arith.constant 1.000000e+00 : f32
      %broadcast_in_dim3A_113 = vector.broadcast %broadcast_in_dim3A_112 : f32 to vector<16xf32>
      %swap3A_114 = arith.constant 14 : i32
      %swap3A_115 = arith.index_cast %swap3A_114 : i32 to index
      %swap3A_116 = arith.constant 0 : index
      %swap3A_117 = tpu.vector_load %arg4[%swap3A_115, %swap3A_116] {strides = array<i32>} : memref<125x16xf32, #tpu.memory_space<vmem>>, vector<1x16xf32>,
      %swap3A_118 = vector.shape_cast %swap3A_117 : vector<1x16xf32> to vector<16xf32>
      %swap3A_119 = vector.shape_cast %broadcast_in_dim3A_113 : vector<16xf32> to vector<1x16xf32>
      tpu.vector_store %arg4[%swap3A_115, %swap3A_116], %swap3A_119 {strides = array<i32>} : memref<125x16xf32, #tpu.memory_space<vmem>>, vector<1x16xf32>,
      %broadcast_in_dim3A_120 = arith.constant 1.000000e+00 : f32
      %broadcast_in_dim3A_121 = vector.broadcast %broadcast_in_dim3A_120 : f32 to vector<16xf32>
      %swap3A_122 = arith.constant 15 : i32
      %swap3A_123 = arith.index_cast %swap3A_122 : i32 to index
      %swap3A_124 = arith.constant 0 : index
      %swap3A_125 = tpu.vector_load %arg4[%swap3A_123, %swap3A_124] {strides = array<i32>} : memref<125x16xf32, #tpu.memory_space<vmem>>, vector<1x16xf32>,
      %swap3A_126 = vector.shape_cast %swap3A_125 : vector<1x16xf32> to vector<16xf32>
      %swap3A_127 = vector.shape_cast %broadcast_in_dim3A_121 : vector<16xf32> to vector<1x16xf32>
      tpu.vector_store %arg4[%swap3A_123, %swap3A_124], %swap3A_127 {strides = array<i32>} : memref<125x16xf32, #tpu.memory_space<vmem>>, vector<1x16xf32>,
      %broadcast_in_dim3A_128 = arith.constant 1.000000e+00 : f32
      %broadcast_in_dim3A_129 = vector.broadcast %broadcast_in_dim3A_128 : f32 to vector<16xf32>
      %swap3A_130 = arith.constant 16 : i32
      %swap3A_131 = arith.index_cast %swap3A_130 : i32 to index
      %swap3A_132 = arith.constant 0 : index
      %swap3A_133 = tpu.vector_load %arg4[%swap3A_131, %swap3A_132] {strides = array<i32>} : memref<125x16xf32, #tpu.memory_space<vmem>>, vector<1x16xf32>,
      %swap3A_134 = vector.shape_cast %swap3A_133 : vector<1x16xf32> to vector<16xf32>
      %swap3A_135 = vector.shape_cast %broadcast_in_dim3A_129 : vector<16xf32> to vector<1x16xf32>
      tpu.vector_store %arg4[%swap3A_131, %swap3A_132], %swap3A_135 {strides = array<i32>} : memref<125x16xf32, #tpu.memory_space<vmem>>, vector<1x16xf32>,
      %broadcast_in_dim3A_136 = arith.constant 1.000000e+00 : f32
      %broadcast_in_dim3A_137 = vector.broadcast %broadcast_in_dim3A_136 : f32 to vector<16xf32>
      %swap3A_138 = arith.constant 17 : i32
      %swap3A_139 = arith.index_cast %swap3A_138 : i32 to index
      %swap3A_140 = arith.constant 0 : index
      %swap3A_141 = tpu.vector_load %arg4[%swap3A_139, %swap3A_140] {strides = array<i32>} : memref<125x16xf32, #tpu.memory_space<vmem>>, vector<1x16xf32>,
      %swap3A_142 = vector.shape_cast %swap3A_141 : vector<1x16xf32> to vector<16xf32>
      %swap3A_143 = vector.shape_cast %broadcast_in_dim3A_137 : vector<16xf32> to vector<1x16xf32>
      tpu.vector_store %arg4[%swap3A_139, %swap3A_140], %swap3A_143 {strides = array<i32>} : memref<125x16xf32, #tpu.memory_space<vmem>>, vector<1x16xf32>,
      %broadcast_in_dim3A_144 = arith.constant 1.000000e+00 : f32
      %broadcast_in_dim3A_145 = vector.broadcast %broadcast_in_dim3A_144 : f32 to vector<16xf32>
      %swap3A_146 = arith.constant 18 : i32
      %swap3A_147 = arith.index_cast %swap3A_146 : i32 to index
      %swap3A_148 = arith.constant 0 : index
      %swap3A_149 = tpu.vector_load %arg4[%swap3A_147, %swap3A_148] {strides = array<i32>} : memref<125x16xf32, #tpu.memory_space<vmem>>, vector<1x16xf32>,
      %swap3A_150 = vector.shape_cast %swap3A_149 : vector<1x16xf32> to vector<16xf32>
      %swap3A_151 = vector.shape_cast %broadcast_in_dim3A_145 : vector<16xf32> to vector<1x16xf32>
      tpu.vector_store %arg4[%swap3A_147, %swap3A_148], %swap3A_151 {strides = array<i32>} : memref<125x16xf32, #tpu.memory_space<vmem>>, vector<1x16xf32>,
      %broadcast_in_dim3A_152 = arith.constant 1.000000e+00 : f32
      %broadcast_in_dim3A_153 = vector.broadcast %broadcast_in_dim3A_152 : f32 to vector<16xf32>
      %swap3A_154 = arith.constant 19 : i32
      %swap3A_155 = arith.index_cast %swap3A_154 : i32 to index
      %swap3A_156 = arith.constant 0 : index
      %swap3A_157 = tpu.vector_load %arg4[%swap3A_155, %swap3A_156] {strides = array<i32>} : memref<125x16xf32, #tpu.memory_space<vmem>>, vector<1x16xf32>,
      %swap3A_158 = vector.shape_cast %swap3A_157 : vector<1x16xf32> to vector<16xf32>
      %swap3A_159 = vector.shape_cast %broadcast_in_dim3A_153 : vector<16xf32> to vector<1x16xf32>
      tpu.vector_store %arg4[%swap3A_155, %swap3A_156], %swap3A_159 {strides = array<i32>} : memref<125x16xf32, #tpu.memory_space<vmem>>, vector<1x16xf32>,
      %broadcast_in_dim3A_160 = arith.constant 1.000000e+00 : f32
      %broadcast_in_dim3A_161 = vector.broadcast %broadcast_in_dim3A_160 : f32 to vector<16xf32>
      %swap3A_162 = arith.constant 20 : i32
      %swap3A_163 = arith.index_cast %swap3A_162 : i32 to index
      %swap3A_164 = arith.constant 0 : index
      %swap3A_165 = tpu.vector_load %arg4[%swap3A_163, %swap3A_164] {strides = array<i32>} : memref<125x16xf32, #tpu.memory_space<vmem>>, vector<1x16xf32>,
      %swap3A_166 = vector.shape_cast %swap3A_165 : vector<1x16xf32> to vector<16xf32>
      %swap3A_167 = vector.shape_cast %broadcast_in_dim3A_161 : vector<16xf32> to vector<1x16xf32>
      tpu.vector_store %arg4[%swap3A_163, %swap3A_164], %swap3A_167 {strides = array<i32>} : memref<125x16xf32, #tpu.memory_space<vmem>>, vector<1x16xf32>,
      %broadcast_in_dim3A_168 = arith.constant 1.000000e+00 : f32
      %broadcast_in_dim3A_169 = vector.broadcast %broadcast_in_dim3A_168 : f32 to vector<16xf32>
      %swap3A_170 = arith.constant 21 : i32
      %swap3A_171 = arith.index_cast %swap3A_170 : i32 to index
      %swap3A_172 = arith.constant 0 : index
      %swap3A_173 = tpu.vector_load %arg4[%swap3A_171, %swap3A_172] {strides = array<i32>} : memref<125x16xf32, #tpu.memory_space<vmem>>, vector<1x16xf32>,
      %swap3A_174 = vector.shape_cast %swap3A_173 : vector<1x16xf32> to vector<16xf32>
      %swap3A_175 = vector.shape_cast %broadcast_in_dim3A_169 : vector<16xf32> to vector<1x16xf32>
      tpu.vector_store %arg4[%swap3A_171, %swap3A_172], %swap3A_175 {strides = array<i32>} : memref<125x16xf32, #tpu.memory_space<vmem>>, vector<1x16xf32>,
      %broadcast_in_dim3A_176 = arith.constant 1.000000e+00 : f32
      %broadcast_in_dim3A_177 = vector.broadcast %broadcast_in_dim3A_176 : f32 to vector<16xf32>
      %swap3A_178 = arith.constant 22 : i32
      %swap3A_179 = arith.index_cast %swap3A_178 : i32 to index
      %swap3A_180 = arith.constant 0 : index
      %swap3A_181 = tpu.vector_load %arg4[%swap3A_179, %swap3A_180] {strides = array<i32>} : memref<125x16xf32, #tpu.memory_space<vmem>>, vector<1x16xf32>,
      %swap3A_182 = vector.shape_cast %swap3A_181 : vector<1x16xf32> to vector<16xf32>
      %swap3A_183 = vector.shape_cast %broadcast_in_dim3A_177 : vector<16xf32> to vector<1x16xf32>
      tpu.vector_store %arg4[%swap3A_179, %swap3A_180], %swap3A_183 {strides = array<i32>} : memref<125x16xf32, #tpu.memory_space<vmem>>, vector<1x16xf32>,
      %broadcast_in_dim3A_184 = arith.constant 1.000000e+00 : f32
      %broadcast_in_dim3A_185 = vector.broadcast %broadcast_in_dim3A_184 : f32 to vector<16xf32>
      %swap3A_186 = arith.constant 23 : i32
      %swap3A_187 = arith.index_cast %swap3A_186 : i32 to index
      %swap3A_188 = arith.constant 0 : index
      %swap3A_189 = tpu.vector_load %arg4[%swap3A_187, %swap3A_188] {strides = array<i32>} : memref<125x16xf32, #tpu.memory_space<vmem>>, vector<1x16xf32>,
      %swap3A_190 = vector.shape_cast %swap3A_189 : vector<1x16xf32> to vector<16xf32>
      %swap3A_191 = vector.shape_cast %broadcast_in_dim3A_185 : vector<16xf32> to vector<1x16xf32>
      tpu.vector_store %arg4[%swap3A_187, %swap3A_188], %swap3A_191 {strides = array<i32>} : memref<125x16xf32, #tpu.memory_space<vmem>>, vector<1x16xf32>,
      %broadcast_in_dim3A_192 = arith.constant 1.000000e+00 : f32
      %broadcast_in_dim3A_193 = vector.broadcast %broadcast_in_dim3A_192 : f32 to vector<16xf32>
      %swap3A_194 = arith.constant 24 : i32
      %swap3A_195 = arith.index_cast %swap3A_194 : i32 to index
      %swap3A_196 = arith.constant 0 : index
      %swap3A_197 = tpu.vector_load %arg4[%swap3A_195, %swap3A_196] {strides = array<i32>} : memref<125x16xf32, #tpu.memory_space<vmem>>, vector<1x16xf32>,
      %swap3A_198 = vector.shape_cast %swap3A_197 : vector<1x16xf32> to vector<16xf32>
      %swap3A_199 = vector.shape_cast %broadcast_in_dim3A_193 : vector<16xf32> to vector<1x16xf32>
      tpu.vector_store %arg4[%swap3A_195, %swap3A_196], %swap3A_199 {strides = array<i32>} : memref<125x16xf32, #tpu.memory_space<vmem>>, vector<1x16xf32>,
      %broadcast_in_dim3A_200 = arith.constant 1.000000e+00 : f32
      %broadcast_in_dim3A_201 = vector.broadcast %broadcast_in_dim3A_200 : f32 to vector<16xf32>
      %swap3A_202 = arith.constant 25 : i32
      %swap3A_203 = arith.index_cast %swap3A_202 : i32 to index
      %swap3A_204 = arith.constant 0 : index
      %swap3A_205 = tpu.vector_load %arg4[%swap3A_203, %swap3A_204] {strides = array<i32>} : memref<125x16xf32, #tpu.memory_space<vmem>>, vector<1x16xf32>,
      %swap3A_206 = vector.shape_cast %swap3A_205 : vector<1x16xf32> to vector<16xf32>
      %swap3A_207 = vector.shape_cast %broadcast_in_dim3A_201 : vector<16xf32> to vector<1x16xf32>
      tpu.vector_store %arg4[%swap3A_203, %swap3A_204], %swap3A_207 {strides = array<i32>} : memref<125x16xf32, #tpu.memory_space<vmem>>, vector<1x16xf32>,
      %broadcast_in_dim3A_208 = arith.constant 1.000000e+00 : f32
      %broadcast_in_dim3A_209 = vector.broadcast %broadcast_in_dim3A_208 : f32 to vector<16xf32>
      %swap3A_210 = arith.constant 26 : i32
      %swap3A_211 = arith.index_cast %swap3A_210 : i32 to index
      %swap3A_212 = arith.constant 0 : index
      %swap3A_213 = tpu.vector_load %arg4[%swap3A_211, %swap3A_212] {strides = array<i32>} : memref<125x16xf32, #tpu.memory_space<vmem>>, vector<1x16xf32>,
      %swap3A_214 = vector.shape_cast %swap3A_213 : vector<1x16xf32> to vector<16xf32>
      %swap3A_215 = vector.shape_cast %broadcast_in_dim3A_209 : vector<16xf32> to vector<1x16xf32>
      tpu.vector_store %arg4[%swap3A_211, %swap3A_212], %swap3A_215 {strides = array<i32>} : memref<125x16xf32, #tpu.memory_space<vmem>>, vector<1x16xf32>,
      %broadcast_in_dim3A_216 = arith.constant 1.000000e+00 : f32
      %broadcast_in_dim3A_217 = vector.broadcast %broadcast_in_dim3A_216 : f32 to vector<16xf32>
      %swap3A_218 = arith.constant 27 : i32
      %swap3A_219 = arith.index_cast %swap3A_218 : i32 to index
      %swap3A_220 = arith.constant 0 : index
      %swap3A_221 = tpu.vector_load %arg4[%swap3A_219, %swap3A_220] {strides = array<i32>} : memref<125x16xf32, #tpu.memory_space<vmem>>, vector<1x16xf32>,
      %swap3A_222 = vector.shape_cast %swap3A_221 : vector<1x16xf32> to vector<16xf32>
      %swap3A_223 = vector.shape_cast %broadcast_in_dim3A_217 : vector<16xf32> to vector<1x16xf32>
      tpu.vector_store %arg4[%swap3A_219, %swap3A_220], %swap3A_223 {strides = array<i32>} : memref<125x16xf32, #tpu.memory_space<vmem>>, vector<1x16xf32>,
      %broadcast_in_dim3A_224 = arith.constant 1.000000e+00 : f32
      %broadcast_in_dim3A_225 = vector.broadcast %broadcast_in_dim3A_224 : f32 to vector<16xf32>
      %swap3A_226 = arith.constant 28 : i32
      %swap3A_227 = arith.index_cast %swap3A_226 : i32 to index
      %swap3A_228 = arith.constant 0 : index
      %swap3A_229 = tpu.vector_load %arg4[%swap3A_227, %swap3A_228] {strides = array<i32>} : memref<125x16xf32, #tpu.memory_space<vmem>>, vector<1x16xf32>,
      %swap3A_230 = vector.shape_cast %swap3A_229 : vector<1x16xf32> to vector<16xf32>
      %swap3A_231 = vector.shape_cast %broadcast_in_dim3A_225 : vector<16xf32> to vector<1x16xf32>
      tpu.vector_store %arg4[%swap3A_227, %swap3A_228], %swap3A_231 {strides = array<i32>} : memref<125x16xf32, #tpu.memory_space<vmem>>, vector<1x16xf32>,
      %broadcast_in_dim3A_232 = arith.constant 1.000000e+00 : f32
      %broadcast_in_dim3A_233 = vector.broadcast %broadcast_in_dim3A_232 : f32 to vector<16xf32>
      %swap3A_234 = arith.constant 29 : i32
      %swap3A_235 = arith.index_cast %swap3A_234 : i32 to index
      %swap3A_236 = arith.constant 0 : index
      %swap3A_237 = tpu.vector_load %arg4[%swap3A_235, %swap3A_236] {strides = array<i32>} : memref<125x16xf32, #tpu.memory_space<vmem>>, vector<1x16xf32>,
      %swap3A_238 = vector.shape_cast %swap3A_237 : vector<1x16xf32> to vector<16xf32>
      %swap3A_239 = vector.shape_cast %broadcast_in_dim3A_233 : vector<16xf32> to vector<1x16xf32>
      tpu.vector_store %arg4[%swap3A_235, %swap3A_236], %swap3A_239 {strides = array<i32>} : memref<125x16xf32, #tpu.memory_space<vmem>>, vector<1x16xf32>,
      %broadcast_in_dim3A_240 = arith.constant 1.000000e+00 : f32
      %broadcast_in_dim3A_241 = vector.broadcast %broadcast_in_dim3A_240 : f32 to vector<16xf32>
      %swap3A_242 = arith.constant 30 : i32
      %swap3A_243 = arith.index_cast %swap3A_242 : i32 to index
      %swap3A_244 = arith.constant 0 : index
      %swap3A_245 = tpu.vector_load %arg4[%swap3A_243, %swap3A_244] {strides = array<i32>} : memref<125x16xf32, #tpu.memory_space<vmem>>, vector<1x16xf32>,
      %swap3A_246 = vector.shape_cast %swap3A_245 : vector<1x16xf32> to vector<16xf32>
      %swap3A_247 = vector.shape_cast %broadcast_in_dim3A_241 : vector<16xf32> to vector<1x16xf32>
      tpu.vector_store %arg4[%swap3A_243, %swap3A_244], %swap3A_247 {strides = array<i32>} : memref<125x16xf32, #tpu.memory_space<vmem>>, vector<1x16xf32>,
      %broadcast_in_dim3A_248 = arith.constant 1.000000e+00 : f32
      %broadcast_in_dim3A_249 = vector.broadcast %broadcast_in_dim3A_248 : f32 to vector<16xf32>
      %swap3A_250 = arith.constant 31 : i32
      %swap3A_251 = arith.index_cast %swap3A_250 : i32 to index
      %swap3A_252 = arith.constant 0 : index
      %swap3A_253 = tpu.vector_load %arg4[%swap3A_251, %swap3A_252] {strides = array<i32>} : memref<125x16xf32, #tpu.memory_space<vmem>>, vector<1x16xf32>,
      %swap3A_254 = vector.shape_cast %swap3A_253 : vector<1x16xf32> to vector<16xf32>
      %swap3A_255 = vector.shape_cast %broadcast_in_dim3A_249 : vector<16xf32> to vector<1x16xf32>
      tpu.vector_store %arg4[%swap3A_251, %swap3A_252], %swap3A_255 {strides = array<i32>} : memref<125x16xf32, #tpu.memory_space<vmem>>, vector<1x16xf32>,
      %broadcast_in_dim3A_256 = arith.constant 1.000000e+00 : f32
      %broadcast_in_dim3A_257 = vector.broadcast %broadcast_in_dim3A_256 : f32 to vector<16xf32>
      %swap3A_258 = arith.constant 32 : i32
      %swap3A_259 = arith.index_cast %swap3A_258 : i32 to index
      %swap3A_260 = arith.constant 0 : index
      %swap3A_261 = tpu.vector_load %arg4[%swap3A_259, %swap3A_260] {strides = array<i32>} : memref<125x16xf32, #tpu.memory_space<vmem>>, vector<1x16xf32>,
      %swap3A_262 = vector.shape_cast %swap3A_261 : vector<1x16xf32> to vector<16xf32>
      %swap3A_263 = vector.shape_cast %broadcast_in_dim3A_257 : vector<16xf32> to vector<1x16xf32>
      tpu.vector_store %arg4[%swap3A_259, %swap3A_260], %swap3A_263 {strides = array<i32>} : memref<125x16xf32, #tpu.memory_space<vmem>>, vector<1x16xf32>,
      %broadcast_in_dim3A_264 = arith.constant 1.000000e+00 : f32
      %broadcast_in_dim3A_265 = vector.broadcast %broadcast_in_dim3A_264 : f32 to vector<16xf32>
      %swap3A_266 = arith.constant 33 : i32
      %swap3A_267 = arith.index_cast %swap3A_266 : i32 to index
      %swap3A_268 = arith.constant 0 : index
      %swap3A_269 = tpu.vector_load %arg4[%swap3A_267, %swap3A_268] {strides = array<i32>} : memref<125x16xf32, #tpu.memory_space<vmem>>, vector<1x16xf32>,
      %swap3A_270 = vector.shape_cast %swap3A_269 : vector<1x16xf32> to vector<16xf32>
      %swap3A_271 = vector.shape_cast %broadcast_in_dim3A_265 : vector<16xf32> to vector<1x16xf32>
      tpu.vector_store %arg4[%swap3A_267, %swap3A_268], %swap3A_271 {strides = array<i32>} : memref<125x16xf32, #tpu.memory_space<vmem>>, vector<1x16xf32>,
      %broadcast_in_dim3A_272 = arith.constant 1.000000e+00 : f32
      %broadcast_in_dim3A_273 = vector.broadcast %broadcast_in_dim3A_272 : f32 to vector<16xf32>
      %swap3A_274 = arith.constant 34 : i32
      %swap3A_275 = arith.index_cast %swap3A_274 : i32 to index
      %swap3A_276 = arith.constant 0 : index
      %swap3A_277 = tpu.vector_load %arg4[%swap3A_275, %swap3A_276] {strides = array<i32>} : memref<125x16xf32, #tpu.memory_space<vmem>>, vector<1x16xf32>,
      %swap3A_278 = vector.shape_cast %swap3A_277 : vector<1x16xf32> to vector<16xf32>
      %swap3A_279 = vector.shape_cast %broadcast_in_dim3A_273 : vector<16xf32> to vector<1x16xf32>
      tpu.vector_store %arg4[%swap3A_275, %swap3A_276], %swap3A_279 {strides = array<i32>} : memref<125x16xf32, #tpu.memory_space<vmem>>, vector<1x16xf32>,
      %broadcast_in_dim3A_280 = arith.constant 1.000000e+00 : f32
      %broadcast_in_dim3A_281 = vector.broadcast %broadcast_in_dim3A_280 : f32 to vector<16xf32>
      %swap3A_282 = arith.constant 35 : i32
      %swap3A_283 = arith.index_cast %swap3A_282 : i32 to index
      %swap3A_284 = arith.constant 0 : index
      %swap3A_285 = tpu.vector_load %arg4[%swap3A_283, %swap3A_284] {strides = array<i32>} : memref<125x16xf32, #tpu.memory_space<vmem>>, vector<1x16xf32>,
      %swap3A_286 = vector.shape_cast %swap3A_285 : vector<1x16xf32> to vector<16xf32>
      %swap3A_287 = vector.shape_cast %broadcast_in_dim3A_281 : vector<16xf32> to vector<1x16xf32>
      tpu.vector_store %arg4[%swap3A_283, %swap3A_284], %swap3A_287 {strides = array<i32>} : memref<125x16xf32, #tpu.memory_space<vmem>>, vector<1x16xf32>,
      %broadcast_in_dim3A_288 = arith.constant 1.000000e+00 : f32
      %broadcast_in_dim3A_289 = vector.broadcast %broadcast_in_dim3A_288 : f32 to vector<16xf32>
      %swap3A_290 = arith.constant 36 : i32
      %swap3A_291 = arith.index_cast %swap3A_290 : i32 to index
      %swap3A_292 = arith.constant 0 : index
      %swap3A_293 = tpu.vector_load %arg4[%swap3A_291, %swap3A_292] {strides = array<i32>} : memref<125x16xf32, #tpu.memory_space<vmem>>, vector<1x16xf32>,
      %swap3A_294 = vector.shape_cast %swap3A_293 : vector<1x16xf32> to vector<16xf32>
      %swap3A_295 = vector.shape_cast %broadcast_in_dim3A_289 : vector<16xf32> to vector<1x16xf32>
      tpu.vector_store %arg4[%swap3A_291, %swap3A_292], %swap3A_295 {strides = array<i32>} : memref<125x16xf32, #tpu.memory_space<vmem>>, vector<1x16xf32>,
      %broadcast_in_dim3A_296 = arith.constant 1.000000e+00 : f32
      %broadcast_in_dim3A_297 = vector.broadcast %broadcast_in_dim3A_296 : f32 to vector<16xf32>
      %swap3A_298 = arith.constant 37 : i32
      %swap3A_299 = arith.index_cast %swap3A_298 : i32 to index
      %swap3A_300 = arith.constant 0 : index
      %swap3A_301 = tpu.vector_load %arg4[%swap3A_299, %swap3A_300] {strides = array<i32>} : memref<125x16xf32, #tpu.memory_space<vmem>>, vector<1x16xf32>,
      %swap3A_302 = vector.shape_cast %swap3A_301 : vector<1x16xf32> to vector<16xf32>
      %swap3A_303 = vector.shape_cast %broadcast_in_dim3A_297 : vector<16xf32> to vector<1x16xf32>
      tpu.vector_store %arg4[%swap3A_299, %swap3A_300], %swap3A_303 {strides = array<i32>} : memref<125x16xf32, #tpu.memory_space<vmem>>, vector<1x16xf32>,
      %broadcast_in_dim3A_304 = arith.constant 1.000000e+00 : f32
      %broadcast_in_dim3A_305 = vector.broadcast %broadcast_in_dim3A_304 : f32 to vector<16xf32>
      %swap3A_306 = arith.constant 38 : i32
      %swap3A_307 = arith.index_cast %swap3A_306 : i32 to index
      %swap3A_308 = arith.constant 0 : index
      %swap3A_309 = tpu.vector_load %arg4[%swap3A_307, %swap3A_308] {strides = array<i32>} : memref<125x16xf32, #tpu.memory_space<vmem>>, vector<1x16xf32>,
      %swap3A_310 = vector.shape_cast %swap3A_309 : vector<1x16xf32> to vector<16xf32>
      %swap3A_311 = vector.shape_cast %broadcast_in_dim3A_305 : vector<16xf32> to vector<1x16xf32>
      tpu.vector_store %arg4[%swap3A_307, %swap3A_308], %swap3A_311 {strides = array<i32>} : memref<125x16xf32, #tpu.memory_space<vmem>>, vector<1x16xf32>,
      %broadcast_in_dim3A_312 = arith.constant 1.000000e+00 : f32
      %broadcast_in_dim3A_313 = vector.broadcast %broadcast_in_dim3A_312 : f32 to vector<16xf32>
      %swap3A_314 = arith.constant 39 : i32
      %swap3A_315 = arith.index_cast %swap3A_314 : i32 to index
      %swap3A_316 = arith.constant 0 : index
      %swap3A_317 = tpu.vector_load %arg4[%swap3A_315, %swap3A_316] {strides = array<i32>} : memref<125x16xf32, #tpu.memory_space<vmem>>, vector<1x16xf32>,
      %swap3A_318 = vector.shape_cast %swap3A_317 : vector<1x16xf32> to vector<16xf32>
      %swap3A_319 = vector.shape_cast %broadcast_in_dim3A_313 : vector<16xf32> to vector<1x16xf32>
      tpu.vector_store %arg4[%swap3A_315, %swap3A_316], %swap3A_319 {strides = array<i32>} : memref<125x16xf32, #tpu.memory_space<vmem>>, vector<1x16xf32>,
      %broadcast_in_dim3A_320 = arith.constant 1.000000e+00 : f32
      %broadcast_in_dim3A_321 = vector.broadcast %broadcast_in_dim3A_320 : f32 to vector<16xf32>
      %swap3A_322 = arith.constant 40 : i32
      %swap3A_323 = arith.index_cast %swap3A_322 : i32 to index
      %swap3A_324 = arith.constant 0 : index
      %swap3A_325 = tpu.vector_load %arg4[%swap3A_323, %swap3A_324] {strides = array<i32>} : memref<125x16xf32, #tpu.memory_space<vmem>>, vector<1x16xf32>,
      %swap3A_326 = vector.shape_cast %swap3A_325 : vector<1x16xf32> to vector<16xf32>
      %swap3A_327 = vector.shape_cast %broadcast_in_dim3A_321 : vector<16xf32> to vector<1x16xf32>
      tpu.vector_store %arg4[%swap3A_323, %swap3A_324], %swap3A_327 {strides = array<i32>} : memref<125x16xf32, #tpu.memory_space<vmem>>, vector<1x16xf32>,
      %broadcast_in_dim3A_328 = arith.constant 1.000000e+00 : f32
      %broadcast_in_dim3A_329 = vector.broadcast %broadcast_in_dim3A_328 : f32 to vector<16xf32>
      %swap3A_330 = arith.constant 41 : i32
      %swap3A_331 = arith.index_cast %swap3A_330 : i32 to index
      %swap3A_332 = arith.constant 0 : index
      %swap3A_333 = tpu.vector_load %arg4[%swap3A_331, %swap3A_332] {strides = array<i32>} : memref<125x16xf32, #tpu.memory_space<vmem>>, vector<1x16xf32>,
      %swap3A_334 = vector.shape_cast %swap3A_333 : vector<1x16xf32> to vector<16xf32>
      %swap3A_335 = vector.shape_cast %broadcast_in_dim3A_329 : vector<16xf32> to vector<1x16xf32>
      tpu.vector_store %arg4[%swap3A_331, %swap3A_332], %swap3A_335 {strides = array<i32>} : memref<125x16xf32, #tpu.memory_space<vmem>>, vector<1x16xf32>,
      %broadcast_in_dim3A_336 = arith.constant 1.000000e+00 : f32
      %broadcast_in_dim3A_337 = vector.broadcast %broadcast_in_dim3A_336 : f32 to vector<16xf32>
      %swap3A_338 = arith.constant 42 : i32
      %swap3A_339 = arith.index_cast %swap3A_338 : i32 to index
      %swap3A_340 = arith.constant 0 : index
      %swap3A_341 = tpu.vector_load %arg4[%swap3A_339, %swap3A_340] {strides = array<i32>} : memref<125x16xf32, #tpu.memory_space<vmem>>, vector<1x16xf32>,
      %swap3A_342 = vector.shape_cast %swap3A_341 : vector<1x16xf32> to vector<16xf32>
      %swap3A_343 = vector.shape_cast %broadcast_in_dim3A_337 : vector<16xf32> to vector<1x16xf32>
      tpu.vector_store %arg4[%swap3A_339, %swap3A_340], %swap3A_343 {strides = array<i32>} : memref<125x16xf32, #tpu.memory_space<vmem>>, vector<1x16xf32>,
      %broadcast_in_dim3A_344 = arith.constant 1.000000e+00 : f32
      %broadcast_in_dim3A_345 = vector.broadcast %broadcast_in_dim3A_344 : f32 to vector<16xf32>
      %swap3A_346 = arith.constant 43 : i32
      %swap3A_347 = arith.index_cast %swap3A_346 : i32 to index
      %swap3A_348 = arith.constant 0 : index
      %swap3A_349 = tpu.vector_load %arg4[%swap3A_347, %swap3A_348] {strides = array<i32>} : memref<125x16xf32, #tpu.memory_space<vmem>>, vector<1x16xf32>,
      %swap3A_350 = vector.shape_cast %swap3A_349 : vector<1x16xf32> to vector<16xf32>
      %swap3A_351 = vector.shape_cast %broadcast_in_dim3A_345 : vector<16xf32> to vector<1x16xf32>
      tpu.vector_store %arg4[%swap3A_347, %swap3A_348], %swap3A_351 {strides = array<i32>} : memref<125x16xf32, #tpu.memory_space<vmem>>, vector<1x16xf32>,
      %broadcast_in_dim3A_352 = arith.constant 1.000000e+00 : f32
      %broadcast_in_dim3A_353 = vector.broadcast %broadcast_in_dim3A_352 : f32 to vector<16xf32>
      %swap3A_354 = arith.constant 44 : i32
      %swap3A_355 = arith.index_cast %swap3A_354 : i32 to index
      %swap3A_356 = arith.constant 0 : index
      %swap3A_357 = tpu.vector_load %arg4[%swap3A_355, %swap3A_356] {strides = array<i32>} : memref<125x16xf32, #tpu.memory_space<vmem>>, vector<1x16xf32>,
      %swap3A_358 = vector.shape_cast %swap3A_357 : vector<1x16xf32> to vector<16xf32>
      %swap3A_359 = vector.shape_cast %broadcast_in_dim3A_353 : vector<16xf32> to vector<1x16xf32>
      tpu.vector_store %arg4[%swap3A_355, %swap3A_356], %swap3A_359 {strides = array<i32>} : memref<125x16xf32, #tpu.memory_space<vmem>>, vector<1x16xf32>,
      %broadcast_in_dim3A_360 = arith.constant 1.000000e+00 : f32
      %broadcast_in_dim3A_361 = vector.broadcast %broadcast_in_dim3A_360 : f32 to vector<16xf32>
      %swap3A_362 = arith.constant 45 : i32
      %swap3A_363 = arith.index_cast %swap3A_362 : i32 to index
      %swap3A_364 = arith.constant 0 : index
      %swap3A_365 = tpu.vector_load %arg4[%swap3A_363, %swap3A_364] {strides = array<i32>} : memref<125x16xf32, #tpu.memory_space<vmem>>, vector<1x16xf32>,
      %swap3A_366 = vector.shape_cast %swap3A_365 : vector<1x16xf32> to vector<16xf32>
      %swap3A_367 = vector.shape_cast %broadcast_in_dim3A_361 : vector<16xf32> to vector<1x16xf32>
      tpu.vector_store %arg4[%swap3A_363, %swap3A_364], %swap3A_367 {strides = array<i32>} : memref<125x16xf32, #tpu.memory_space<vmem>>, vector<1x16xf32>,
      %broadcast_in_dim3A_368 = arith.constant 1.000000e+00 : f32
      %broadcast_in_dim3A_369 = vector.broadcast %broadcast_in_dim3A_368 : f32 to vector<16xf32>
      %swap3A_370 = arith.constant 46 : i32
      %swap3A_371 = arith.index_cast %swap3A_370 : i32 to index
      %swap3A_372 = arith.constant 0 : index
      %swap3A_373 = tpu.vector_load %arg4[%swap3A_371, %swap3A_372] {strides = array<i32>} : memref<125x16xf32, #tpu.memory_space<vmem>>, vector<1x16xf32>,
      %swap3A_374 = vector.shape_cast %swap3A_373 : vector<1x16xf32> to vector<16xf32>
      %swap3A_375 = vector.shape_cast %broadcast_in_dim3A_369 : vector<16xf32> to vector<1x16xf32>
      tpu.vector_store %arg4[%swap3A_371, %swap3A_372], %swap3A_375 {strides = array<i32>} : memref<125x16xf32, #tpu.memory_space<vmem>>, vector<1x16xf32>,
      %broadcast_in_dim3A_376 = arith.constant 1.000000e+00 : f32
      %broadcast_in_dim3A_377 = vector.broadcast %broadcast_in_dim3A_376 : f32 to vector<16xf32>
      %swap3A_378 = arith.constant 47 : i32
      %swap3A_379 = arith.index_cast %swap3A_378 : i32 to index
      %swap3A_380 = arith.constant 0 : index
      %swap3A_381 = tpu.vector_load %arg4[%swap3A_379, %swap3A_380] {strides = array<i32>} : memref<125x16xf32, #tpu.memory_space<vmem>>, vector<1x16xf32>,
      %swap3A_382 = vector.shape_cast %swap3A_381 : vector<1x16xf32> to vector<16xf32>
      %swap3A_383 = vector.shape_cast %broadcast_in_dim3A_377 : vector<16xf32> to vector<1x16xf32>
      tpu.vector_store %arg4[%swap3A_379, %swap3A_380], %swap3A_383 {strides = array<i32>} : memref<125x16xf32, #tpu.memory_space<vmem>>, vector<1x16xf32>,
      %broadcast_in_dim3A_384 = arith.constant 1.000000e+00 : f32
      %broadcast_in_dim3A_385 = vector.broadcast %broadcast_in_dim3A_384 : f32 to vector<16xf32>
      %swap3A_386 = arith.constant 48 : i32
      %swap3A_387 = arith.index_cast %swap3A_386 : i32 to index
      %swap3A_388 = arith.constant 0 : index
      %swap3A_389 = tpu.vector_load %arg4[%swap3A_387, %swap3A_388] {strides = array<i32>} : memref<125x16xf32, #tpu.memory_space<vmem>>, vector<1x16xf32>,
      %swap3A_390 = vector.shape_cast %swap3A_389 : vector<1x16xf32> to vector<16xf32>
      %swap3A_391 = vector.shape_cast %broadcast_in_dim3A_385 : vector<16xf32> to vector<1x16xf32>
      tpu.vector_store %arg4[%swap3A_387, %swap3A_388], %swap3A_391 {strides = array<i32>} : memref<125x16xf32, #tpu.memory_space<vmem>>, vector<1x16xf32>,
      %broadcast_in_dim3A_392 = arith.constant 1.000000e+00 : f32
      %broadcast_in_dim3A_393 = vector.broadcast %broadcast_in_dim3A_392 : f32 to vector<16xf32>
      %swap3A_394 = arith.constant 49 : i32
      %swap3A_395 = arith.index_cast %swap3A_394 : i32 to index
      %swap3A_396 = arith.constant 0 : index
      %swap3A_397 = tpu.vector_load %arg4[%swap3A_395, %swap3A_396] {strides = array<i32>} : memref<125x16xf32, #tpu.memory_space<vmem>>, vector<1x16xf32>,
      %swap3A_398 = vector.shape_cast %swap3A_397 : vector<1x16xf32> to vector<16xf32>
      %swap3A_399 = vector.shape_cast %broadcast_in_dim3A_393 : vector<16xf32> to vector<1x16xf32>
      tpu.vector_store %arg4[%swap3A_395, %swap3A_396], %swap3A_399 {strides = array<i32>} : memref<125x16xf32, #tpu.memory_space<vmem>>, vector<1x16xf32>,
      %broadcast_in_dim3A_400 = arith.constant 1.000000e+00 : f32
      %broadcast_in_dim3A_401 = vector.broadcast %broadcast_in_dim3A_400 : f32 to vector<16xf32>
      %swap3A_402 = arith.constant 50 : i32
      %swap3A_403 = arith.index_cast %swap3A_402 : i32 to index
      %swap3A_404 = arith.constant 0 : index
      %swap3A_405 = tpu.vector_load %arg4[%swap3A_403, %swap3A_404] {strides = array<i32>} : memref<125x16xf32, #tpu.memory_space<vmem>>, vector<1x16xf32>,
      %swap3A_406 = vector.shape_cast %swap3A_405 : vector<1x16xf32> to vector<16xf32>
      %swap3A_407 = vector.shape_cast %broadcast_in_dim3A_401 : vector<16xf32> to vector<1x16xf32>
      tpu.vector_store %arg4[%swap3A_403, %swap3A_404], %swap3A_407 {strides = array<i32>} : memref<125x16xf32, #tpu.memory_space<vmem>>, vector<1x16xf32>,
      %broadcast_in_dim3A_408 = arith.constant 1.000000e+00 : f32
      %broadcast_in_dim3A_409 = vector.broadcast %broadcast_in_dim3A_408 : f32 to vector<16xf32>
      %swap3A_410 = arith.constant 51 : i32
      %swap3A_411 = arith.index_cast %swap3A_410 : i32 to index
      %swap3A_412 = arith.constant 0 : index
      %swap3A_413 = tpu.vector_load %arg4[%swap3A_411, %swap3A_412] {strides = array<i32>} : memref<125x16xf32, #tpu.memory_space<vmem>>, vector<1x16xf32>,
      %swap3A_414 = vector.shape_cast %swap3A_413 : vector<1x16xf32> to vector<16xf32>
      %swap3A_415 = vector.shape_cast %broadcast_in_dim3A_409 : vector<16xf32> to vector<1x16xf32>
      tpu.vector_store %arg4[%swap3A_411, %swap3A_412], %swap3A_415 {strides = array<i32>} : memref<125x16xf32, #tpu.memory_space<vmem>>, vector<1x16xf32>,
      %broadcast_in_dim3A_416 = arith.constant 1.000000e+00 : f32
      %broadcast_in_dim3A_417 = vector.broadcast %broadcast_in_dim3A_416 : f32 to vector<16xf32>
      %swap3A_418 = arith.constant 52 : i32
      %swap3A_419 = arith.index_cast %swap3A_418 : i32 to index
      %swap3A_420 = arith.constant 0 : index
      %swap3A_421 = tpu.vector_load %arg4[%swap3A_419, %swap3A_420] {strides = array<i32>} : memref<125x16xf32, #tpu.memory_space<vmem>>, vector<1x16xf32>,
      %swap3A_422 = vector.shape_cast %swap3A_421 : vector<1x16xf32> to vector<16xf32>
      %swap3A_423 = vector.shape_cast %broadcast_in_dim3A_417 : vector<16xf32> to vector<1x16xf32>
      tpu.vector_store %arg4[%swap3A_419, %swap3A_420], %swap3A_423 {strides = array<i32>} : memref<125x16xf32, #tpu.memory_space<vmem>>, vector<1x16xf32>,
      %broadcast_in_dim3A_424 = arith.constant 1.000000e+00 : f32
      %broadcast_in_dim3A_425 = vector.broadcast %broadcast_in_dim3A_424 : f32 to vector<16xf32>
      %swap3A_426 = arith.constant 53 : i32
      %swap3A_427 = arith.index_cast %swap3A_426 : i32 to index
      %swap3A_428 = arith.constant 0 : index
      %swap3A_429 = tpu.vector_load %arg4[%swap3A_427, %swap3A_428] {strides = array<i32>} : memref<125x16xf32, #tpu.memory_space<vmem>>, vector<1x16xf32>,
      %swap3A_430 = vector.shape_cast %swap3A_429 : vector<1x16xf32> to vector<16xf32>
      %swap3A_431 = vector.shape_cast %broadcast_in_dim3A_425 : vector<16xf32> to vector<1x16xf32>
      tpu.vector_store %arg4[%swap3A_427, %swap3A_428], %swap3A_431 {strides = array<i32>} : memref<125x16xf32, #tpu.memory_space<vmem>>, vector<1x16xf32>,
      %broadcast_in_dim3A_432 = arith.constant 1.000000e+00 : f32
      %broadcast_in_dim3A_433 = vector.broadcast %broadcast_in_dim3A_432 : f32 to vector<16xf32>
      %swap3A_434 = arith.constant 54 : i32
      %swap3A_435 = arith.index_cast %swap3A_434 : i32 to index
      %swap3A_436 = arith.constant 0 : index
      %swap3A_437 = tpu.vector_load %arg4[%swap3A_435, %swap3A_436] {strides = array<i32>} : memref<125x16xf32, #tpu.memory_space<vmem>>, vector<1x16xf32>,
      %swap3A_438 = vector.shape_cast %swap3A_437 : vector<1x16xf32> to vector<16xf32>
      %swap3A_439 = vector.shape_cast %broadcast_in_dim3A_433 : vector<16xf32> to vector<1x16xf32>
      tpu.vector_store %arg4[%swap3A_435, %swap3A_436], %swap3A_439 {strides = array<i32>} : memref<125x16xf32, #tpu.memory_space<vmem>>, vector<1x16xf32>,
      %broadcast_in_dim3A_440 = arith.constant 1.000000e+00 : f32
      %broadcast_in_dim3A_441 = vector.broadcast %broadcast_in_dim3A_440 : f32 to vector<16xf32>
      %swap3A_442 = arith.constant 55 : i32
      %swap3A_443 = arith.index_cast %swap3A_442 : i32 to index
      %swap3A_444 = arith.constant 0 : index
      %swap3A_445 = tpu.vector_load %arg4[%swap3A_443, %swap3A_444] {strides = array<i32>} : memref<125x16xf32, #tpu.memory_space<vmem>>, vector<1x16xf32>,
      %swap3A_446 = vector.shape_cast %swap3A_445 : vector<1x16xf32> to vector<16xf32>
      %swap3A_447 = vector.shape_cast %broadcast_in_dim3A_441 : vector<16xf32> to vector<1x16xf32>
      tpu.vector_store %arg4[%swap3A_443, %swap3A_444], %swap3A_447 {strides = array<i32>} : memref<125x16xf32, #tpu.memory_space<vmem>>, vector<1x16xf32>,
      %broadcast_in_dim3A_448 = arith.constant 1.000000e+00 : f32
      %broadcast_in_dim3A_449 = vector.broadcast %broadcast_in_dim3A_448 : f32 to vector<16xf32>
      %swap3A_450 = arith.constant 56 : i32
      %swap3A_451 = arith.index_cast %swap3A_450 : i32 to index
      %swap3A_452 = arith.constant 0 : index
      %swap3A_453 = tpu.vector_load %arg4[%swap3A_451, %swap3A_452] {strides = array<i32>} : memref<125x16xf32, #tpu.memory_space<vmem>>, vector<1x16xf32>,
      %swap3A_454 = vector.shape_cast %swap3A_453 : vector<1x16xf32> to vector<16xf32>
      %swap3A_455 = vector.shape_cast %broadcast_in_dim3A_449 : vector<16xf32> to vector<1x16xf32>
      tpu.vector_store %arg4[%swap3A_451, %swap3A_452], %swap3A_455 {strides = array<i32>} : memref<125x16xf32, #tpu.memory_space<vmem>>, vector<1x16xf32>,
      %broadcast_in_dim3A_456 = arith.constant 1.000000e+00 : f32
      %broadcast_in_dim3A_457 = vector.broadcast %broadcast_in_dim3A_456 : f32 to vector<16xf32>
      %swap3A_458 = arith.constant 57 : i32
      %swap3A_459 = arith.index_cast %swap3A_458 : i32 to index
      %swap3A_460 = arith.constant 0 : index
      %swap3A_461 = tpu.vector_load %arg4[%swap3A_459, %swap3A_460] {strides = array<i32>} : memref<125x16xf32, #tpu.memory_space<vmem>>, vector<1x16xf32>,
      %swap3A_462 = vector.shape_cast %swap3A_461 : vector<1x16xf32> to vector<16xf32>
      %swap3A_463 = vector.shape_cast %broadcast_in_dim3A_457 : vector<16xf32> to vector<1x16xf32>
      tpu.vector_store %arg4[%swap3A_459, %swap3A_460], %swap3A_463 {strides = array<i32>} : memref<125x16xf32, #tpu.memory_space<vmem>>, vector<1x16xf32>,
      %broadcast_in_dim3A_464 = arith.constant 1.000000e+00 : f32
      %broadcast_in_dim3A_465 = vector.broadcast %broadcast_in_dim3A_464 : f32 to vector<16xf32>
      %swap3A_466 = arith.constant 58 : i32
      %swap3A_467 = arith.index_cast %swap3A_466 : i32 to index
      %swap3A_468 = arith.constant 0 : index
      %swap3A_469 = tpu.vector_load %arg4[%swap3A_467, %swap3A_468] {strides = array<i32>} : memref<125x16xf32, #tpu.memory_space<vmem>>, vector<1x16xf32>,
      %swap3A_470 = vector.shape_cast %swap3A_469 : vector<1x16xf32> to vector<16xf32>
      %swap3A_471 = vector.shape_cast %broadcast_in_dim3A_465 : vector<16xf32> to vector<1x16xf32>
      tpu.vector_store %arg4[%swap3A_467, %swap3A_468], %swap3A_471 {strides = array<i32>} : memref<125x16xf32, #tpu.memory_space<vmem>>, vector<1x16xf32>,
      %broadcast_in_dim3A_472 = arith.constant 1.000000e+00 : f32
      %broadcast_in_dim3A_473 = vector.broadcast %broadcast_in_dim3A_472 : f32 to vector<16xf32>
      %swap3A_474 = arith.constant 59 : i32
      %swap3A_475 = arith.index_cast %swap3A_474 : i32 to index
      %swap3A_476 = arith.constant 0 : index
      %swap3A_477 = tpu.vector_load %arg4[%swap3A_475, %swap3A_476] {strides = array<i32>} : memref<125x16xf32, #tpu.memory_space<vmem>>, vector<1x16xf32>,
      %swap3A_478 = vector.shape_cast %swap3A_477 : vector<1x16xf32> to vector<16xf32>
      %swap3A_479 = vector.shape_cast %broadcast_in_dim3A_473 : vector<16xf32> to vector<1x16xf32>
      tpu.vector_store %arg4[%swap3A_475, %swap3A_476], %swap3A_479 {strides = array<i32>} : memref<125x16xf32, #tpu.memory_space<vmem>>, vector<1x16xf32>,
      %broadcast_in_dim3A_480 = arith.constant 1.000000e+00 : f32
      %broadcast_in_dim3A_481 = vector.broadcast %broadcast_in_dim3A_480 : f32 to vector<16xf32>
      %swap3A_482 = arith.constant 60 : i32
      %swap3A_483 = arith.index_cast %swap3A_482 : i32 to index
      %swap3A_484 = arith.constant 0 : index
      %swap3A_485 = tpu.vector_load %arg4[%swap3A_483, %swap3A_484] {strides = array<i32>} : memref<125x16xf32, #tpu.memory_space<vmem>>, vector<1x16xf32>,
      %swap3A_486 = vector.shape_cast %swap3A_485 : vector<1x16xf32> to vector<16xf32>
      %swap3A_487 = vector.shape_cast %broadcast_in_dim3A_481 : vector<16xf32> to vector<1x16xf32>
      tpu.vector_store %arg4[%swap3A_483, %swap3A_484], %swap3A_487 {strides = array<i32>} : memref<125x16xf32, #tpu.memory_space<vmem>>, vector<1x16xf32>,
      %broadcast_in_dim3A_488 = arith.constant 1.000000e+00 : f32
      %broadcast_in_dim3A_489 = vector.broadcast %broadcast_in_dim3A_488 : f32 to vector<16xf32>
      %swap3A_490 = arith.constant 61 : i32
      %swap3A_491 = arith.index_cast %swap3A_490 : i32 to index
      %swap3A_492 = arith.constant 0 : index
      %swap3A_493 = tpu.vector_load %arg4[%swap3A_491, %swap3A_492] {strides = array<i32>} : memref<125x16xf32, #tpu.memory_space<vmem>>, vector<1x16xf32>,
      %swap3A_494 = vector.shape_cast %swap3A_493 : vector<1x16xf32> to vector<16xf32>
      %swap3A_495 = vector.shape_cast %broadcast_in_dim3A_489 : vector<16xf32> to vector<1x16xf32>
      tpu.vector_store %arg4[%swap3A_491, %swap3A_492], %swap3A_495 {strides = array<i32>} : memref<125x16xf32, #tpu.memory_space<vmem>>, vector<1x16xf32>,
      %broadcast_in_dim3A_496 = arith.constant 1.000000e+00 : f32
      %broadcast_in_dim3A_497 = vector.broadcast %broadcast_in_dim3A_496 : f32 to vector<16xf32>
      %swap3A_498 = arith.constant 62 : i32
      %swap3A_499 = arith.index_cast %swap3A_498 : i32 to index
      %swap3A_500 = arith.constant 0 : index
      %swap3A_501 = tpu.vector_load %arg4[%swap3A_499, %swap3A_500] {strides = array<i32>} : memref<125x16xf32, #tpu.memory_space<vmem>>, vector<1x16xf32>,
      %swap3A_502 = vector.shape_cast %swap3A_501 : vector<1x16xf32> to vector<16xf32>
      %swap3A_503 = vector.shape_cast %broadcast_in_dim3A_497 : vector<16xf32> to vector<1x16xf32>
      tpu.vector_store %arg4[%swap3A_499, %swap3A_500], %swap3A_503 {strides = array<i32>} : memref<125x16xf32, #tpu.memory_space<vmem>>, vector<1x16xf32>,
      %broadcast_in_dim3A_504 = arith.constant 1.000000e+00 : f32
      %broadcast_in_dim3A_505 = vector.broadcast %broadcast_in_dim3A_504 : f32 to vector<16xf32>
      %swap3A_506 = arith.constant 63 : i32
      %swap3A_507 = arith.index_cast %swap3A_506 : i32 to index
      %swap3A_508 = arith.constant 0 : index
      %swap3A_509 = tpu.vector_load %arg4[%swap3A_507, %swap3A_508] {strides = array<i32>} : memref<125x16xf32, #tpu.memory_space<vmem>>, vector<1x16xf32>,
      %swap3A_510 = vector.shape_cast %swap3A_509 : vector<1x16xf32> to vector<16xf32>
      %swap3A_511 = vector.shape_cast %broadcast_in_dim3A_505 : vector<16xf32> to vector<1x16xf32>
      tpu.vector_store %arg4[%swap3A_507, %swap3A_508], %swap3A_511 {strides = array<i32>} : memref<125x16xf32, #tpu.memory_space<vmem>>, vector<1x16xf32>,
      %broadcast_in_dim3A_512 = arith.constant 1.000000e+00 : f32
      %broadcast_in_dim3A_513 = vector.broadcast %broadcast_in_dim3A_512 : f32 to vector<16xf32>
      %swap3A_514 = arith.constant 64 : i32
      %swap3A_515 = arith.index_cast %swap3A_514 : i32 to index
      %swap3A_516 = arith.constant 0 : index
      %swap3A_517 = tpu.vector_load %arg4[%swap3A_515, %swap3A_516] {strides = array<i32>} : memref<125x16xf32, #tpu.memory_space<vmem>>, vector<1x16xf32>,
      %swap3A_518 = vector.shape_cast %swap3A_517 : vector<1x16xf32> to vector<16xf32>
      %swap3A_519 = vector.shape_cast %broadcast_in_dim3A_513 : vector<16xf32> to vector<1x16xf32>
      tpu.vector_store %arg4[%swap3A_515, %swap3A_516], %swap3A_519 {strides = array<i32>} : memref<125x16xf32, #tpu.memory_space<vmem>>, vector<1x16xf32>,
      %broadcast_in_dim3A_520 = arith.constant 1.000000e+00 : f32
      %broadcast_in_dim3A_521 = vector.broadcast %broadcast_in_dim3A_520 : f32 to vector<16xf32>
      %swap3A_522 = arith.constant 65 : i32
      %swap3A_523 = arith.index_cast %swap3A_522 : i32 to index
      %swap3A_524 = arith.constant 0 : index
      %swap3A_525 = tpu.vector_load %arg4[%swap3A_523, %swap3A_524] {strides = array<i32>} : memref<125x16xf32, #tpu.memory_space<vmem>>, vector<1x16xf32>,
      %swap3A_526 = vector.shape_cast %swap3A_525 : vector<1x16xf32> to vector<16xf32>
      %swap3A_527 = vector.shape_cast %broadcast_in_dim3A_521 : vector<16xf32> to vector<1x16xf32>
      tpu.vector_store %arg4[%swap3A_523, %swap3A_524], %swap3A_527 {strides = array<i32>} : memref<125x16xf32, #tpu.memory_space<vmem>>, vector<1x16xf32>,
      %broadcast_in_dim3A_528 = arith.constant 1.000000e+00 : f32
      %broadcast_in_dim3A_529 = vector.broadcast %broadcast_in_dim3A_528 : f32 to vector<16xf32>
      %swap3A_530 = arith.constant 66 : i32
      %swap3A_531 = arith.index_cast %swap3A_530 : i32 to index
      %swap3A_532 = arith.constant 0 : index
      %swap3A_533 = tpu.vector_load %arg4[%swap3A_531, %swap3A_532] {strides = array<i32>} : memref<125x16xf32, #tpu.memory_space<vmem>>, vector<1x16xf32>,
      %swap3A_534 = vector.shape_cast %swap3A_533 : vector<1x16xf32> to vector<16xf32>
      %swap3A_535 = vector.shape_cast %broadcast_in_dim3A_529 : vector<16xf32> to vector<1x16xf32>
      tpu.vector_store %arg4[%swap3A_531, %swap3A_532], %swap3A_535 {strides = array<i32>} : memref<125x16xf32, #tpu.memory_space<vmem>>, vector<1x16xf32>,
      %broadcast_in_dim3A_536 = arith.constant 1.000000e+00 : f32
      %broadcast_in_dim3A_537 = vector.broadcast %broadcast_in_dim3A_536 : f32 to vector<16xf32>
      %swap3A_538 = arith.constant 67 : i32
      %swap3A_539 = arith.index_cast %swap3A_538 : i32 to index
      %swap3A_540 = arith.constant 0 : index
      %swap3A_541 = tpu.vector_load %arg4[%swap3A_539, %swap3A_540] {strides = array<i32>} : memref<125x16xf32, #tpu.memory_space<vmem>>, vector<1x16xf32>,
      %swap3A_542 = vector.shape_cast %swap3A_541 : vector<1x16xf32> to vector<16xf32>
      %swap3A_543 = vector.shape_cast %broadcast_in_dim3A_537 : vector<16xf32> to vector<1x16xf32>
      tpu.vector_store %arg4[%swap3A_539, %swap3A_540], %swap3A_543 {strides = array<i32>} : memref<125x16xf32, #tpu.memory_space<vmem>>, vector<1x16xf32>,
      %broadcast_in_dim3A_544 = arith.constant 1.000000e+00 : f32
      %broadcast_in_dim3A_545 = vector.broadcast %broadcast_in_dim3A_544 : f32 to vector<16xf32>
      %swap3A_546 = arith.constant 68 : i32
      %swap3A_547 = arith.index_cast %swap3A_546 : i32 to index
      %swap3A_548 = arith.constant 0 : index
      %swap3A_549 = tpu.vector_load %arg4[%swap3A_547, %swap3A_548] {strides = array<i32>} : memref<125x16xf32, #tpu.memory_space<vmem>>, vector<1x16xf32>,
      %swap3A_550 = vector.shape_cast %swap3A_549 : vector<1x16xf32> to vector<16xf32>
      %swap3A_551 = vector.shape_cast %broadcast_in_dim3A_545 : vector<16xf32> to vector<1x16xf32>
      tpu.vector_store %arg4[%swap3A_547, %swap3A_548], %swap3A_551 {strides = array<i32>} : memref<125x16xf32, #tpu.memory_space<vmem>>, vector<1x16xf32>,
      %broadcast_in_dim3A_552 = arith.constant 1.000000e+00 : f32
      %broadcast_in_dim3A_553 = vector.broadcast %broadcast_in_dim3A_552 : f32 to vector<16xf32>
      %swap3A_554 = arith.constant 69 : i32
      %swap3A_555 = arith.index_cast %swap3A_554 : i32 to index
      %swap3A_556 = arith.constant 0 : index
      %swap3A_557 = tpu.vector_load %arg4[%swap3A_555, %swap3A_556] {strides = array<i32>} : memref<125x16xf32, #tpu.memory_space<vmem>>, vector<1x16xf32>,
      %swap3A_558 = vector.shape_cast %swap3A_557 : vector<1x16xf32> to vector<16xf32>
      %swap3A_559 = vector.shape_cast %broadcast_in_dim3A_553 : vector<16xf32> to vector<1x16xf32>
      tpu.vector_store %arg4[%swap3A_555, %swap3A_556], %swap3A_559 {strides = array<i32>} : memref<125x16xf32, #tpu.memory_space<vmem>>, vector<1x16xf32>,
      %broadcast_in_dim3A_560 = arith.constant 1.000000e+00 : f32
      %broadcast_in_dim3A_561 = vector.broadcast %broadcast_in_dim3A_560 : f32 to vector<16xf32>
      %swap3A_562 = arith.constant 70 : i32
      %swap3A_563 = arith.index_cast %swap3A_562 : i32 to index
      %swap3A_564 = arith.constant 0 : index
      %swap3A_565 = tpu.vector_load %arg4[%swap3A_563, %swap3A_564] {strides = array<i32>} : memref<125x16xf32, #tpu.memory_space<vmem>>, vector<1x16xf32>,
      %swap3A_566 = vector.shape_cast %swap3A_565 : vector<1x16xf32> to vector<16xf32>
      %swap3A_567 = vector.shape_cast %broadcast_in_dim3A_561 : vector<16xf32> to vector<1x16xf32>
      tpu.vector_store %arg4[%swap3A_563, %swap3A_564], %swap3A_567 {strides = array<i32>} : memref<125x16xf32, #tpu.memory_space<vmem>>, vector<1x16xf32>,
      %broadcast_in_dim3A_568 = arith.constant 1.000000e+00 : f32
      %broadcast_in_dim3A_569 = vector.broadcast %broadcast_in_dim3A_568 : f32 to vector<16xf32>
      %swap3A_570 = arith.constant 71 : i32
      %swap3A_571 = arith.index_cast %swap3A_570 : i32 to index
      %swap3A_572 = arith.constant 0 : index
      %swap3A_573 = tpu.vector_load %arg4[%swap3A_571, %swap3A_572] {strides = array<i32>} : memref<125x16xf32, #tpu.memory_space<vmem>>, vector<1x16xf32>,
      %swap3A_574 = vector.shape_cast %swap3A_573 : vector<1x16xf32> to vector<16xf32>
      %swap3A_575 = vector.shape_cast %broadcast_in_dim3A_569 : vector<16xf32> to vector<1x16xf32>
      tpu.vector_store %arg4[%swap3A_571, %swap3A_572], %swap3A_575 {strides = array<i32>} : memref<125x16xf32, #tpu.memory_space<vmem>>, vector<1x16xf32>,
      %broadcast_in_dim3A_576 = arith.constant 1.000000e+00 : f32
      %broadcast_in_dim3A_577 = vector.broadcast %broadcast_in_dim3A_576 : f32 to vector<16xf32>
      %swap3A_578 = arith.constant 72 : i32
      %swap3A_579 = arith.index_cast %swap3A_578 : i32 to index
      %swap3A_580 = arith.constant 0 : index
      %swap3A_581 = tpu.vector_load %arg4[%swap3A_579, %swap3A_580] {strides = array<i32>} : memref<125x16xf32, #tpu.memory_space<vmem>>, vector<1x16xf32>,
      %swap3A_582 = vector.shape_cast %swap3A_581 : vector<1x16xf32> to vector<16xf32>
      %swap3A_583 = vector.shape_cast %broadcast_in_dim3A_577 : vector<16xf32> to vector<1x16xf32>
      tpu.vector_store %arg4[%swap3A_579, %swap3A_580], %swap3A_583 {strides = array<i32>} : memref<125x16xf32, #tpu.memory_space<vmem>>, vector<1x16xf32>,
      %broadcast_in_dim3A_584 = arith.constant 1.000000e+00 : f32
      %broadcast_in_dim3A_585 = vector.broadcast %broadcast_in_dim3A_584 : f32 to vector<16xf32>
      %swap3A_586 = arith.constant 73 : i32
      %swap3A_587 = arith.index_cast %swap3A_586 : i32 to index
      %swap3A_588 = arith.constant 0 : index
      %swap3A_589 = tpu.vector_load %arg4[%swap3A_587, %swap3A_588] {strides = array<i32>} : memref<125x16xf32, #tpu.memory_space<vmem>>, vector<1x16xf32>,
      %swap3A_590 = vector.shape_cast %swap3A_589 : vector<1x16xf32> to vector<16xf32>
      %swap3A_591 = vector.shape_cast %broadcast_in_dim3A_585 : vector<16xf32> to vector<1x16xf32>
      tpu.vector_store %arg4[%swap3A_587, %swap3A_588], %swap3A_591 {strides = array<i32>} : memref<125x16xf32, #tpu.memory_space<vmem>>, vector<1x16xf32>,
      %broadcast_in_dim3A_592 = arith.constant 1.000000e+00 : f32
      %broadcast_in_dim3A_593 = vector.broadcast %broadcast_in_dim3A_592 : f32 to vector<16xf32>
      %swap3A_594 = arith.constant 74 : i32
      %swap3A_595 = arith.index_cast %swap3A_594 : i32 to index
      %swap3A_596 = arith.constant 0 : index
      %swap3A_597 = tpu.vector_load %arg4[%swap3A_595, %swap3A_596] {strides = array<i32>} : memref<125x16xf32, #tpu.memory_space<vmem>>, vector<1x16xf32>,
      %swap3A_598 = vector.shape_cast %swap3A_597 : vector<1x16xf32> to vector<16xf32>
      %swap3A_599 = vector.shape_cast %broadcast_in_dim3A_593 : vector<16xf32> to vector<1x16xf32>
      tpu.vector_store %arg4[%swap3A_595, %swap3A_596], %swap3A_599 {strides = array<i32>} : memref<125x16xf32, #tpu.memory_space<vmem>>, vector<1x16xf32>,
      %broadcast_in_dim3A_600 = arith.constant 1.000000e+00 : f32
      %broadcast_in_dim3A_601 = vector.broadcast %broadcast_in_dim3A_600 : f32 to vector<16xf32>
      %swap3A_602 = arith.constant 75 : i32
      %swap3A_603 = arith.index_cast %swap3A_602 : i32 to index
      %swap3A_604 = arith.constant 0 : index
      %swap3A_605 = tpu.vector_load %arg4[%swap3A_603, %swap3A_604] {strides = array<i32>} : memref<125x16xf32, #tpu.memory_space<vmem>>, vector<1x16xf32>,
      %swap3A_606 = vector.shape_cast %swap3A_605 : vector<1x16xf32> to vector<16xf32>
      %swap3A_607 = vector.shape_cast %broadcast_in_dim3A_601 : vector<16xf32> to vector<1x16xf32>
      tpu.vector_store %arg4[%swap3A_603, %swap3A_604], %swap3A_607 {strides = array<i32>} : memref<125x16xf32, #tpu.memory_space<vmem>>, vector<1x16xf32>,
      %broadcast_in_dim3A_608 = arith.constant 1.000000e+00 : f32
      %broadcast_in_dim3A_609 = vector.broadcast %broadcast_in_dim3A_608 : f32 to vector<16xf32>
      %swap3A_610 = arith.constant 76 : i32
      %swap3A_611 = arith.index_cast %swap3A_610 : i32 to index
      %swap3A_612 = arith.constant 0 : index
      %swap3A_613 = tpu.vector_load %arg4[%swap3A_611, %swap3A_612] {strides = array<i32>} : memref<125x16xf32, #tpu.memory_space<vmem>>, vector<1x16xf32>,
      %swap3A_614 = vector.shape_cast %swap3A_613 : vector<1x16xf32> to vector<16xf32>
      %swap3A_615 = vector.shape_cast %broadcast_in_dim3A_609 : vector<16xf32> to vector<1x16xf32>
      tpu.vector_store %arg4[%swap3A_611, %swap3A_612], %swap3A_615 {strides = array<i32>} : memref<125x16xf32, #tpu.memory_space<vmem>>, vector<1x16xf32>,
      %broadcast_in_dim3A_616 = arith.constant 1.000000e+00 : f32
      %broadcast_in_dim3A_617 = vector.broadcast %broadcast_in_dim3A_616 : f32 to vector<16xf32>
      %swap3A_618 = arith.constant 77 : i32
      %swap3A_619 = arith.index_cast %swap3A_618 : i32 to index
      %swap3A_620 = arith.constant 0 : index
      %swap3A_621 = tpu.vector_load %arg4[%swap3A_619, %swap3A_620] {strides = array<i32>} : memref<125x16xf32, #tpu.memory_space<vmem>>, vector<1x16xf32>,
      %swap3A_622 = vector.shape_cast %swap3A_621 : vector<1x16xf32> to vector<16xf32>
      %swap3A_623 = vector.shape_cast %broadcast_in_dim3A_617 : vector<16xf32> to vector<1x16xf32>
      tpu.vector_store %arg4[%swap3A_619, %swap3A_620], %swap3A_623 {strides = array<i32>} : memref<125x16xf32, #tpu.memory_space<vmem>>, vector<1x16xf32>,
      %broadcast_in_dim3A_624 = arith.constant 1.000000e+00 : f32
      %broadcast_in_dim3A_625 = vector.broadcast %broadcast_in_dim3A_624 : f32 to vector<16xf32>
      %swap3A_626 = arith.constant 78 : i32
      %swap3A_627 = arith.index_cast %swap3A_626 : i32 to index
      %swap3A_628 = arith.constant 0 : index
      %swap3A_629 = tpu.vector_load %arg4[%swap3A_627, %swap3A_628] {strides = array<i32>} : memref<125x16xf32, #tpu.memory_space<vmem>>, vector<1x16xf32>,
      %swap3A_630 = vector.shape_cast %swap3A_629 : vector<1x16xf32> to vector<16xf32>
      %swap3A_631 = vector.shape_cast %broadcast_in_dim3A_625 : vector<16xf32> to vector<1x16xf32>
      tpu.vector_store %arg4[%swap3A_627, %swap3A_628], %swap3A_631 {strides = array<i32>} : memref<125x16xf32, #tpu.memory_space<vmem>>, vector<1x16xf32>,
      %broadcast_in_dim3A_632 = arith.constant 1.000000e+00 : f32
      %broadcast_in_dim3A_633 = vector.broadcast %broadcast_in_dim3A_632 : f32 to vector<16xf32>
      %swap3A_634 = arith.constant 79 : i32
      %swap3A_635 = arith.index_cast %swap3A_634 : i32 to index
      %swap3A_636 = arith.constant 0 : index
      %swap3A_637 = tpu.vector_load %arg4[%swap3A_635, %swap3A_636] {strides = array<i32>} : memref<125x16xf32, #tpu.memory_space<vmem>>, vector<1x16xf32>,
      %swap3A_638 = vector.shape_cast %swap3A_637 : vector<1x16xf32> to vector<16xf32>
      %swap3A_639 = vector.shape_cast %broadcast_in_dim3A_633 : vector<16xf32> to vector<1x16xf32>
      tpu.vector_store %arg4[%swap3A_635, %swap3A_636], %swap3A_639 {strides = array<i32>} : memref<125x16xf32, #tpu.memory_space<vmem>>, vector<1x16xf32>,
      %broadcast_in_dim3A_640 = arith.constant 1.000000e+00 : f32
      %broadcast_in_dim3A_641 = vector.broadcast %broadcast_in_dim3A_640 : f32 to vector<16xf32>
      %swap3A_642 = arith.constant 80 : i32
      %swap3A_643 = arith.index_cast %swap3A_642 : i32 to index
      %swap3A_644 = arith.constant 0 : index
      %swap3A_645 = tpu.vector_load %arg4[%swap3A_643, %swap3A_644] {strides = array<i32>} : memref<125x16xf32, #tpu.memory_space<vmem>>, vector<1x16xf32>,
      %swap3A_646 = vector.shape_cast %swap3A_645 : vector<1x16xf32> to vector<16xf32>
      %swap3A_647 = vector.shape_cast %broadcast_in_dim3A_641 : vector<16xf32> to vector<1x16xf32>
      tpu.vector_store %arg4[%swap3A_643, %swap3A_644], %swap3A_647 {strides = array<i32>} : memref<125x16xf32, #tpu.memory_space<vmem>>, vector<1x16xf32>,
      %broadcast_in_dim3A_648 = arith.constant 1.000000e+00 : f32
      %broadcast_in_dim3A_649 = vector.broadcast %broadcast_in_dim3A_648 : f32 to vector<16xf32>
      %swap3A_650 = arith.constant 81 : i32
      %swap3A_651 = arith.index_cast %swap3A_650 : i32 to index
      %swap3A_652 = arith.constant 0 : index
      %swap3A_653 = tpu.vector_load %arg4[%swap3A_651, %swap3A_652] {strides = array<i32>} : memref<125x16xf32, #tpu.memory_space<vmem>>, vector<1x16xf32>,
      %swap3A_654 = vector.shape_cast %swap3A_653 : vector<1x16xf32> to vector<16xf32>
      %swap3A_655 = vector.shape_cast %broadcast_in_dim3A_649 : vector<16xf32> to vector<1x16xf32>
      tpu.vector_store %arg4[%swap3A_651, %swap3A_652], %swap3A_655 {strides = array<i32>} : memref<125x16xf32, #tpu.memory_space<vmem>>, vector<1x16xf32>,
      %broadcast_in_dim3A_656 = arith.constant 1.000000e+00 : f32
      %broadcast_in_dim3A_657 = vector.broadcast %broadcast_in_dim3A_656 : f32 to vector<16xf32>
      %swap3A_658 = arith.constant 82 : i32
      %swap3A_659 = arith.index_cast %swap3A_658 : i32 to index
      %swap3A_660 = arith.constant 0 : index
      %swap3A_661 = tpu.vector_load %arg4[%swap3A_659, %swap3A_660] {strides = array<i32>} : memref<125x16xf32, #tpu.memory_space<vmem>>, vector<1x16xf32>,
      %swap3A_662 = vector.shape_cast %swap3A_661 : vector<1x16xf32> to vector<16xf32>
      %swap3A_663 = vector.shape_cast %broadcast_in_dim3A_657 : vector<16xf32> to vector<1x16xf32>
      tpu.vector_store %arg4[%swap3A_659, %swap3A_660], %swap3A_663 {strides = array<i32>} : memref<125x16xf32, #tpu.memory_space<vmem>>, vector<1x16xf32>,
      %broadcast_in_dim3A_664 = arith.constant 1.000000e+00 : f32
      %broadcast_in_dim3A_665 = vector.broadcast %broadcast_in_dim3A_664 : f32 to vector<16xf32>
      %swap3A_666 = arith.constant 83 : i32
      %swap3A_667 = arith.index_cast %swap3A_666 : i32 to index
      %swap3A_668 = arith.constant 0 : index
      %swap3A_669 = tpu.vector_load %arg4[%swap3A_667, %swap3A_668] {strides = array<i32>} : memref<125x16xf32, #tpu.memory_space<vmem>>, vector<1x16xf32>,
      %swap3A_670 = vector.shape_cast %swap3A_669 : vector<1x16xf32> to vector<16xf32>
      %swap3A_671 = vector.shape_cast %broadcast_in_dim3A_665 : vector<16xf32> to vector<1x16xf32>
      tpu.vector_store %arg4[%swap3A_667, %swap3A_668], %swap3A_671 {strides = array<i32>} : memref<125x16xf32, #tpu.memory_space<vmem>>, vector<1x16xf32>,
      %broadcast_in_dim3A_672 = arith.constant 1.000000e+00 : f32
      %broadcast_in_dim3A_673 = vector.broadcast %broadcast_in_dim3A_672 : f32 to vector<16xf32>
      %swap3A_674 = arith.constant 84 : i32
      %swap3A_675 = arith.index_cast %swap3A_674 : i32 to index
      %swap3A_676 = arith.constant 0 : index
      %swap3A_677 = tpu.vector_load %arg4[%swap3A_675, %swap3A_676] {strides = array<i32>} : memref<125x16xf32, #tpu.memory_space<vmem>>, vector<1x16xf32>,
      %swap3A_678 = vector.shape_cast %swap3A_677 : vector<1x16xf32> to vector<16xf32>
      %swap3A_679 = vector.shape_cast %broadcast_in_dim3A_673 : vector<16xf32> to vector<1x16xf32>
      tpu.vector_store %arg4[%swap3A_675, %swap3A_676], %swap3A_679 {strides = array<i32>} : memref<125x16xf32, #tpu.memory_space<vmem>>, vector<1x16xf32>,
      %broadcast_in_dim3A_680 = arith.constant 1.000000e+00 : f32
      %broadcast_in_dim3A_681 = vector.broadcast %broadcast_in_dim3A_680 : f32 to vector<16xf32>
      %swap3A_682 = arith.constant 85 : i32
      %swap3A_683 = arith.index_cast %swap3A_682 : i32 to index
      %swap3A_684 = arith.constant 0 : index
      %swap3A_685 = tpu.vector_load %arg4[%swap3A_683, %swap3A_684] {strides = array<i32>} : memref<125x16xf32, #tpu.memory_space<vmem>>, vector<1x16xf32>,
      %swap3A_686 = vector.shape_cast %swap3A_685 : vector<1x16xf32> to vector<16xf32>
      %swap3A_687 = vector.shape_cast %broadcast_in_dim3A_681 : vector<16xf32> to vector<1x16xf32>
      tpu.vector_store %arg4[%swap3A_683, %swap3A_684], %swap3A_687 {strides = array<i32>} : memref<125x16xf32, #tpu.memory_space<vmem>>, vector<1x16xf32>,
      %broadcast_in_dim3A_688 = arith.constant 1.000000e+00 : f32
      %broadcast_in_dim3A_689 = vector.broadcast %broadcast_in_dim3A_688 : f32 to vector<16xf32>
      %swap3A_690 = arith.constant 86 : i32
      %swap3A_691 = arith.index_cast %swap3A_690 : i32 to index
      %swap3A_692 = arith.constant 0 : index
      %swap3A_693 = tpu.vector_load %arg4[%swap3A_691, %swap3A_692] {strides = array<i32>} : memref<125x16xf32, #tpu.memory_space<vmem>>, vector<1x16xf32>,
      %swap3A_694 = vector.shape_cast %swap3A_693 : vector<1x16xf32> to vector<16xf32>
      %swap3A_695 = vector.shape_cast %broadcast_in_dim3A_689 : vector<16xf32> to vector<1x16xf32>
      tpu.vector_store %arg4[%swap3A_691, %swap3A_692], %swap3A_695 {strides = array<i32>} : memref<125x16xf32, #tpu.memory_space<vmem>>, vector<1x16xf32>,
      %broadcast_in_dim3A_696 = arith.constant 1.000000e+00 : f32
      %broadcast_in_dim3A_697 = vector.broadcast %broadcast_in_dim3A_696 : f32 to vector<16xf32>
      %swap3A_698 = arith.constant 87 : i32
      %swap3A_699 = arith.index_cast %swap3A_698 : i32 to index
      %swap3A_700 = arith.constant 0 : index
      %swap3A_701 = tpu.vector_load %arg4[%swap3A_699, %swap3A_700] {strides = array<i32>} : memref<125x16xf32, #tpu.memory_space<vmem>>, vector<1x16xf32>,
      %swap3A_702 = vector.shape_cast %swap3A_701 : vector<1x16xf32> to vector<16xf32>
      %swap3A_703 = vector.shape_cast %broadcast_in_dim3A_697 : vector<16xf32> to vector<1x16xf32>
      tpu.vector_store %arg4[%swap3A_699, %swap3A_700], %swap3A_703 {strides = array<i32>} : memref<125x16xf32, #tpu.memory_space<vmem>>, vector<1x16xf32>,
      %broadcast_in_dim3A_704 = arith.constant 1.000000e+00 : f32
      %broadcast_in_dim3A_705 = vector.broadcast %broadcast_in_dim3A_704 : f32 to vector<16xf32>
      %swap3A_706 = arith.constant 88 : i32
      %swap3A_707 = arith.index_cast %swap3A_706 : i32 to index
      %swap3A_708 = arith.constant 0 : index
      %swap3A_709 = tpu.vector_load %arg4[%swap3A_707, %swap3A_708] {strides = array<i32>} : memref<125x16xf32, #tpu.memory_space<vmem>>, vector<1x16xf32>,
      %swap3A_710 = vector.shape_cast %swap3A_709 : vector<1x16xf32> to vector<16xf32>
      %swap3A_711 = vector.shape_cast %broadcast_in_dim3A_705 : vector<16xf32> to vector<1x16xf32>
      tpu.vector_store %arg4[%swap3A_707, %swap3A_708], %swap3A_711 {strides = array<i32>} : memref<125x16xf32, #tpu.memory_space<vmem>>, vector<1x16xf32>,
      %broadcast_in_dim3A_712 = arith.constant 1.000000e+00 : f32
      %broadcast_in_dim3A_713 = vector.broadcast %broadcast_in_dim3A_712 : f32 to vector<16xf32>
      %swap3A_714 = arith.constant 89 : i32
      %swap3A_715 = arith.index_cast %swap3A_714 : i32 to index
      %swap3A_716 = arith.constant 0 : index
      %swap3A_717 = tpu.vector_load %arg4[%swap3A_715, %swap3A_716] {strides = array<i32>} : memref<125x16xf32, #tpu.memory_space<vmem>>, vector<1x16xf32>,
      %swap3A_718 = vector.shape_cast %swap3A_717 : vector<1x16xf32> to vector<16xf32>
      %swap3A_719 = vector.shape_cast %broadcast_in_dim3A_713 : vector<16xf32> to vector<1x16xf32>
      tpu.vector_store %arg4[%swap3A_715, %swap3A_716], %swap3A_719 {strides = array<i32>} : memref<125x16xf32, #tpu.memory_space<vmem>>, vector<1x16xf32>,
      %broadcast_in_dim3A_720 = arith.constant 1.000000e+00 : f32
      %broadcast_in_dim3A_721 = vector.broadcast %broadcast_in_dim3A_720 : f32 to vector<16xf32>
      %swap3A_722 = arith.constant 90 : i32
      %swap3A_723 = arith.index_cast %swap3A_722 : i32 to index
      %swap3A_724 = arith.constant 0 : index
      %swap3A_725 = tpu.vector_load %arg4[%swap3A_723, %swap3A_724] {strides = array<i32>} : memref<125x16xf32, #tpu.memory_space<vmem>>, vector<1x16xf32>,
      %swap3A_726 = vector.shape_cast %swap3A_725 : vector<1x16xf32> to vector<16xf32>
      %swap3A_727 = vector.shape_cast %broadcast_in_dim3A_721 : vector<16xf32> to vector<1x16xf32>
      tpu.vector_store %arg4[%swap3A_723, %swap3A_724], %swap3A_727 {strides = array<i32>} : memref<125x16xf32, #tpu.memory_space<vmem>>, vector<1x16xf32>,
      %broadcast_in_dim3A_728 = arith.constant 1.000000e+00 : f32
      %broadcast_in_dim3A_729 = vector.broadcast %broadcast_in_dim3A_728 : f32 to vector<16xf32>
      %swap3A_730 = arith.constant 91 : i32
      %swap3A_731 = arith.index_cast %swap3A_730 : i32 to index
      %swap3A_732 = arith.constant 0 : index
      %swap3A_733 = tpu.vector_load %arg4[%swap3A_731, %swap3A_732] {strides = array<i32>} : memref<125x16xf32, #tpu.memory_space<vmem>>, vector<1x16xf32>,
      %swap3A_734 = vector.shape_cast %swap3A_733 : vector<1x16xf32> to vector<16xf32>
      %swap3A_735 = vector.shape_cast %broadcast_in_dim3A_729 : vector<16xf32> to vector<1x16xf32>
      tpu.vector_store %arg4[%swap3A_731, %swap3A_732], %swap3A_735 {strides = array<i32>} : memref<125x16xf32, #tpu.memory_space<vmem>>, vector<1x16xf32>,
      %broadcast_in_dim3A_736 = arith.constant 1.000000e+00 : f32
      %broadcast_in_dim3A_737 = vector.broadcast %broadcast_in_dim3A_736 : f32 to vector<16xf32>
      %swap3A_738 = arith.constant 92 : i32
      %swap3A_739 = arith.index_cast %swap3A_738 : i32 to index
      %swap3A_740 = arith.constant 0 : index
      %swap3A_741 = tpu.vector_load %arg4[%swap3A_739, %swap3A_740] {strides = array<i32>} : memref<125x16xf32, #tpu.memory_space<vmem>>, vector<1x16xf32>,
      %swap3A_742 = vector.shape_cast %swap3A_741 : vector<1x16xf32> to vector<16xf32>
      %swap3A_743 = vector.shape_cast %broadcast_in_dim3A_737 : vector<16xf32> to vector<1x16xf32>
      tpu.vector_store %arg4[%swap3A_739, %swap3A_740], %swap3A_743 {strides = array<i32>} : memref<125x16xf32, #tpu.memory_space<vmem>>, vector<1x16xf32>,
      %broadcast_in_dim3A_744 = arith.constant 1.000000e+00 : f32
      %broadcast_in_dim3A_745 = vector.broadcast %broadcast_in_dim3A_744 : f32 to vector<16xf32>
      %swap3A_746 = arith.constant 93 : i32
      %swap3A_747 = arith.index_cast %swap3A_746 : i32 to index
      %swap3A_748 = arith.constant 0 : index
      %swap3A_749 = tpu.vector_load %arg4[%swap3A_747, %swap3A_748] {strides = array<i32>} : memref<125x16xf32, #tpu.memory_space<vmem>>, vector<1x16xf32>,
      %swap3A_750 = vector.shape_cast %swap3A_749 : vector<1x16xf32> to vector<16xf32>
      %swap3A_751 = vector.shape_cast %broadcast_in_dim3A_745 : vector<16xf32> to vector<1x16xf32>
      tpu.vector_store %arg4[%swap3A_747, %swap3A_748], %swap3A_751 {strides = array<i32>} : memref<125x16xf32, #tpu.memory_space<vmem>>, vector<1x16xf32>,
      %broadcast_in_dim3A_752 = arith.constant 1.000000e+00 : f32
      %broadcast_in_dim3A_753 = vector.broadcast %broadcast_in_dim3A_752 : f32 to vector<16xf32>
      %swap3A_754 = arith.constant 94 : i32
      %swap3A_755 = arith.index_cast %swap3A_754 : i32 to index
      %swap3A_756 = arith.constant 0 : index
      %swap3A_757 = tpu.vector_load %arg4[%swap3A_755, %swap3A_756] {strides = array<i32>} : memref<125x16xf32, #tpu.memory_space<vmem>>, vector<1x16xf32>,
      %swap3A_758 = vector.shape_cast %swap3A_757 : vector<1x16xf32> to vector<16xf32>
      %swap3A_759 = vector.shape_cast %broadcast_in_dim3A_753 : vector<16xf32> to vector<1x16xf32>
      tpu.vector_store %arg4[%swap3A_755, %swap3A_756], %swap3A_759 {strides = array<i32>} : memref<125x16xf32, #tpu.memory_space<vmem>>, vector<1x16xf32>,
      %broadcast_in_dim3A_760 = arith.constant 1.000000e+00 : f32
      %broadcast_in_dim3A_761 = vector.broadcast %broadcast_in_dim3A_760 : f32 to vector<16xf32>
      %swap3A_762 = arith.constant 95 : i32
      %swap3A_763 = arith.index_cast %swap3A_762 : i32 to index
      %swap3A_764 = arith.constant 0 : index
      %swap3A_765 = tpu.vector_load %arg4[%swap3A_763, %swap3A_764] {strides = array<i32>} : memref<125x16xf32, #tpu.memory_space<vmem>>, vector<1x16xf32>,
      %swap3A_766 = vector.shape_cast %swap3A_765 : vector<1x16xf32> to vector<16xf32>
      %swap3A_767 = vector.shape_cast %broadcast_in_dim3A_761 : vector<16xf32> to vector<1x16xf32>
      tpu.vector_store %arg4[%swap3A_763, %swap3A_764], %swap3A_767 {strides = array<i32>} : memref<125x16xf32, #tpu.memory_space<vmem>>, vector<1x16xf32>,
      %broadcast_in_dim3A_768 = arith.constant 1.000000e+00 : f32
      %broadcast_in_dim3A_769 = vector.broadcast %broadcast_in_dim3A_768 : f32 to vector<16xf32>
      %swap3A_770 = arith.constant 96 : i32
      %swap3A_771 = arith.index_cast %swap3A_770 : i32 to index
      %swap3A_772 = arith.constant 0 : index
      %swap3A_773 = tpu.vector_load %arg4[%swap3A_771, %swap3A_772] {strides = array<i32>} : memref<125x16xf32, #tpu.memory_space<vmem>>, vector<1x16xf32>,
      %swap3A_774 = vector.shape_cast %swap3A_773 : vector<1x16xf32> to vector<16xf32>
      %swap3A_775 = vector.shape_cast %broadcast_in_dim3A_769 : vector<16xf32> to vector<1x16xf32>
      tpu.vector_store %arg4[%swap3A_771, %swap3A_772], %swap3A_775 {strides = array<i32>} : memref<125x16xf32, #tpu.memory_space<vmem>>, vector<1x16xf32>,
      %broadcast_in_dim3A_776 = arith.constant 1.000000e+00 : f32
      %broadcast_in_dim3A_777 = vector.broadcast %broadcast_in_dim3A_776 : f32 to vector<16xf32>
      %swap3A_778 = arith.constant 97 : i32
      %swap3A_779 = arith.index_cast %swap3A_778 : i32 to index
      %swap3A_780 = arith.constant 0 : index
      %swap3A_781 = tpu.vector_load %arg4[%swap3A_779, %swap3A_780] {strides = array<i32>} : memref<125x16xf32, #tpu.memory_space<vmem>>, vector<1x16xf32>,
      %swap3A_782 = vector.shape_cast %swap3A_781 : vector<1x16xf32> to vector<16xf32>
      %swap3A_783 = vector.shape_cast %broadcast_in_dim3A_777 : vector<16xf32> to vector<1x16xf32>
      tpu.vector_store %arg4[%swap3A_779, %swap3A_780], %swap3A_783 {strides = array<i32>} : memref<125x16xf32, #tpu.memory_space<vmem>>, vector<1x16xf32>,
      %broadcast_in_dim3A_784 = arith.constant 1.000000e+00 : f32
      %broadcast_in_dim3A_785 = vector.broadcast %broadcast_in_dim3A_784 : f32 to vector<16xf32>
      %swap3A_786 = arith.constant 98 : i32
      %swap3A_787 = arith.index_cast %swap3A_786 : i32 to index
      %swap3A_788 = arith.constant 0 : index
      %swap3A_789 = tpu.vector_load %arg4[%swap3A_787, %swap3A_788] {strides = array<i32>} : memref<125x16xf32, #tpu.memory_space<vmem>>, vector<1x16xf32>,
      %swap3A_790 = vector.shape_cast %swap3A_789 : vector<1x16xf32> to vector<16xf32>
      %swap3A_791 = vector.shape_cast %broadcast_in_dim3A_785 : vector<16xf32> to vector<1x16xf32>
      tpu.vector_store %arg4[%swap3A_787, %swap3A_788], %swap3A_791 {strides = array<i32>} : memref<125x16xf32, #tpu.memory_space<vmem>>, vector<1x16xf32>,
      %broadcast_in_dim3A_792 = arith.constant 1.000000e+00 : f32
      %broadcast_in_dim3A_793 = vector.broadcast %broadcast_in_dim3A_792 : f32 to vector<16xf32>
      %swap3A_794 = arith.constant 99 : i32
      %swap3A_795 = arith.index_cast %swap3A_794 : i32 to index
      %swap3A_796 = arith.constant 0 : index
      %swap3A_797 = tpu.vector_load %arg4[%swap3A_795, %swap3A_796] {strides = array<i32>} : memref<125x16xf32, #tpu.memory_space<vmem>>, vector<1x16xf32>,
      %swap3A_798 = vector.shape_cast %swap3A_797 : vector<1x16xf32> to vector<16xf32>
      %swap3A_799 = vector.shape_cast %broadcast_in_dim3A_793 : vector<16xf32> to vector<1x16xf32>
      tpu.vector_store %arg4[%swap3A_795, %swap3A_796], %swap3A_799 {strides = array<i32>} : memref<125x16xf32, #tpu.memory_space<vmem>>, vector<1x16xf32>,
      %broadcast_in_dim3A_800 = arith.constant 1.000000e+00 : f32
      %broadcast_in_dim3A_801 = vector.broadcast %broadcast_in_dim3A_800 : f32 to vector<16xf32>
      %swap3A_802 = arith.constant 100 : i32
      %swap3A_803 = arith.index_cast %swap3A_802 : i32 to index
      %swap3A_804 = arith.constant 0 : index
      %swap3A_805 = tpu.vector_load %arg4[%swap3A_803, %swap3A_804] {strides = array<i32>} : memref<125x16xf32, #tpu.memory_space<vmem>>, vector<1x16xf32>,
      %swap3A_806 = vector.shape_cast %swap3A_805 : vector<1x16xf32> to vector<16xf32>
      %swap3A_807 = vector.shape_cast %broadcast_in_dim3A_801 : vector<16xf32> to vector<1x16xf32>
      tpu.vector_store %arg4[%swap3A_803, %swap3A_804], %swap3A_807 {strides = array<i32>} : memref<125x16xf32, #tpu.memory_space<vmem>>, vector<1x16xf32>,
      %broadcast_in_dim3A_808 = arith.constant 1.000000e+00 : f32
      %broadcast_in_dim3A_809 = vector.broadcast %broadcast_in_dim3A_808 : f32 to vector<16xf32>
      %swap3A_810 = arith.constant 101 : i32
      %swap3A_811 = arith.index_cast %swap3A_810 : i32 to index
      %swap3A_812 = arith.constant 0 : index
      %swap3A_813 = tpu.vector_load %arg4[%swap3A_811, %swap3A_812] {strides = array<i32>} : memref<125x16xf32, #tpu.memory_space<vmem>>, vector<1x16xf32>,
      %swap3A_814 = vector.shape_cast %swap3A_813 : vector<1x16xf32> to vector<16xf32>
      %swap3A_815 = vector.shape_cast %broadcast_in_dim3A_809 : vector<16xf32> to vector<1x16xf32>
      tpu.vector_store %arg4[%swap3A_811, %swap3A_812], %swap3A_815 {strides = array<i32>} : memref<125x16xf32, #tpu.memory_space<vmem>>, vector<1x16xf32>,
      %broadcast_in_dim3A_816 = arith.constant 1.000000e+00 : f32
      %broadcast_in_dim3A_817 = vector.broadcast %broadcast_in_dim3A_816 : f32 to vector<16xf32>
      %swap3A_818 = arith.constant 102 : i32
      %swap3A_819 = arith.index_cast %swap3A_818 : i32 to index
      %swap3A_820 = arith.constant 0 : index
      %swap3A_821 = tpu.vector_load %arg4[%swap3A_819, %swap3A_820] {strides = array<i32>} : memref<125x16xf32, #tpu.memory_space<vmem>>, vector<1x16xf32>,
      %swap3A_822 = vector.shape_cast %swap3A_821 : vector<1x16xf32> to vector<16xf32>
      %swap3A_823 = vector.shape_cast %broadcast_in_dim3A_817 : vector<16xf32> to vector<1x16xf32>
      tpu.vector_store %arg4[%swap3A_819, %swap3A_820], %swap3A_823 {strides = array<i32>} : memref<125x16xf32, #tpu.memory_space<vmem>>, vector<1x16xf32>,
      %broadcast_in_dim3A_824 = arith.constant 1.000000e+00 : f32
      %broadcast_in_dim3A_825 = vector.broadcast %broadcast_in_dim3A_824 : f32 to vector<16xf32>
      %swap3A_826 = arith.constant 103 : i32
      %swap3A_827 = arith.index_cast %swap3A_826 : i32 to index
      %swap3A_828 = arith.constant 0 : index
      %swap3A_829 = tpu.vector_load %arg4[%swap3A_827, %swap3A_828] {strides = array<i32>} : memref<125x16xf32, #tpu.memory_space<vmem>>, vector<1x16xf32>,
      %swap3A_830 = vector.shape_cast %swap3A_829 : vector<1x16xf32> to vector<16xf32>
      %swap3A_831 = vector.shape_cast %broadcast_in_dim3A_825 : vector<16xf32> to vector<1x16xf32>
      tpu.vector_store %arg4[%swap3A_827, %swap3A_828], %swap3A_831 {strides = array<i32>} : memref<125x16xf32, #tpu.memory_space<vmem>>, vector<1x16xf32>,
      %broadcast_in_dim3A_832 = arith.constant 1.000000e+00 : f32
      %broadcast_in_dim3A_833 = vector.broadcast %broadcast_in_dim3A_832 : f32 to vector<16xf32>
      %swap3A_834 = arith.constant 104 : i32
      %swap3A_835 = arith.index_cast %swap3A_834 : i32 to index
      %swap3A_836 = arith.constant 0 : index
      %swap3A_837 = tpu.vector_load %arg4[%swap3A_835, %swap3A_836] {strides = array<i32>} : memref<125x16xf32, #tpu.memory_space<vmem>>, vector<1x16xf32>,
      %swap3A_838 = vector.shape_cast %swap3A_837 : vector<1x16xf32> to vector<16xf32>
      %swap3A_839 = vector.shape_cast %broadcast_in_dim3A_833 : vector<16xf32> to vector<1x16xf32>
      tpu.vector_store %arg4[%swap3A_835, %swap3A_836], %swap3A_839 {strides = array<i32>} : memref<125x16xf32, #tpu.memory_space<vmem>>, vector<1x16xf32>,
      %broadcast_in_dim3A_840 = arith.constant 1.000000e+00 : f32
      %broadcast_in_dim3A_841 = vector.broadcast %broadcast_in_dim3A_840 : f32 to vector<16xf32>
      %swap3A_842 = arith.constant 105 : i32
      %swap3A_843 = arith.index_cast %swap3A_842 : i32 to index
      %swap3A_844 = arith.constant 0 : index
      %swap3A_845 = tpu.vector_load %arg4[%swap3A_843, %swap3A_844] {strides = array<i32>} : memref<125x16xf32, #tpu.memory_space<vmem>>, vector<1x16xf32>,
      %swap3A_846 = vector.shape_cast %swap3A_845 : vector<1x16xf32> to vector<16xf32>
      %swap3A_847 = vector.shape_cast %broadcast_in_dim3A_841 : vector<16xf32> to vector<1x16xf32>
      tpu.vector_store %arg4[%swap3A_843, %swap3A_844], %swap3A_847 {strides = array<i32>} : memref<125x16xf32, #tpu.memory_space<vmem>>, vector<1x16xf32>,
      %broadcast_in_dim3A_848 = arith.constant 1.000000e+00 : f32
      %broadcast_in_dim3A_849 = vector.broadcast %broadcast_in_dim3A_848 : f32 to vector<16xf32>
      %swap3A_850 = arith.constant 106 : i32
      %swap3A_851 = arith.index_cast %swap3A_850 : i32 to index
      %swap3A_852 = arith.constant 0 : index
      %swap3A_853 = tpu.vector_load %arg4[%swap3A_851, %swap3A_852] {strides = array<i32>} : memref<125x16xf32, #tpu.memory_space<vmem>>, vector<1x16xf32>,
      %swap3A_854 = vector.shape_cast %swap3A_853 : vector<1x16xf32> to vector<16xf32>
      %swap3A_855 = vector.shape_cast %broadcast_in_dim3A_849 : vector<16xf32> to vector<1x16xf32>
      tpu.vector_store %arg4[%swap3A_851, %swap3A_852], %swap3A_855 {strides = array<i32>} : memref<125x16xf32, #tpu.memory_space<vmem>>, vector<1x16xf32>,
      %broadcast_in_dim3A_856 = arith.constant 1.000000e+00 : f32
      %broadcast_in_dim3A_857 = vector.broadcast %broadcast_in_dim3A_856 : f32 to vector<16xf32>
      %swap3A_858 = arith.constant 107 : i32
      %swap3A_859 = arith.index_cast %swap3A_858 : i32 to index
      %swap3A_860 = arith.constant 0 : index
      %swap3A_861 = tpu.vector_load %arg4[%swap3A_859, %swap3A_860] {strides = array<i32>} : memref<125x16xf32, #tpu.memory_space<vmem>>, vector<1x16xf32>,
      %swap3A_862 = vector.shape_cast %swap3A_861 : vector<1x16xf32> to vector<16xf32>
      %swap3A_863 = vector.shape_cast %broadcast_in_dim3A_857 : vector<16xf32> to vector<1x16xf32>
      tpu.vector_store %arg4[%swap3A_859, %swap3A_860], %swap3A_863 {strides = array<i32>} : memref<125x16xf32, #tpu.memory_space<vmem>>, vector<1x16xf32>,
      %broadcast_in_dim3A_864 = arith.constant 1.000000e+00 : f32
      %broadcast_in_dim3A_865 = vector.broadcast %broadcast_in_dim3A_864 : f32 to vector<16xf32>
      %swap3A_866 = arith.constant 108 : i32
      %swap3A_867 = arith.index_cast %swap3A_866 : i32 to index
      %swap3A_868 = arith.constant 0 : index
      %swap3A_869 = tpu.vector_load %arg4[%swap3A_867, %swap3A_868] {strides = array<i32>} : memref<125x16xf32, #tpu.memory_space<vmem>>, vector<1x16xf32>,
      %swap3A_870 = vector.shape_cast %swap3A_869 : vector<1x16xf32> to vector<16xf32>
      %swap3A_871 = vector.shape_cast %broadcast_in_dim3A_865 : vector<16xf32> to vector<1x16xf32>
      tpu.vector_store %arg4[%swap3A_867, %swap3A_868], %swap3A_871 {strides = array<i32>} : memref<125x16xf32, #tpu.memory_space<vmem>>, vector<1x16xf32>,
      %broadcast_in_dim3A_872 = arith.constant 1.000000e+00 : f32
      %broadcast_in_dim3A_873 = vector.broadcast %broadcast_in_dim3A_872 : f32 to vector<16xf32>
      %swap3A_874 = arith.constant 109 : i32
      %swap3A_875 = arith.index_cast %swap3A_874 : i32 to index
      %swap3A_876 = arith.constant 0 : index
      %swap3A_877 = tpu.vector_load %arg4[%swap3A_875, %swap3A_876] {strides = array<i32>} : memref<125x16xf32, #tpu.memory_space<vmem>>, vector<1x16xf32>,
      %swap3A_878 = vector.shape_cast %swap3A_877 : vector<1x16xf32> to vector<16xf32>
      %swap3A_879 = vector.shape_cast %broadcast_in_dim3A_873 : vector<16xf32> to vector<1x16xf32>
      tpu.vector_store %arg4[%swap3A_875, %swap3A_876], %swap3A_879 {strides = array<i32>} : memref<125x16xf32, #tpu.memory_space<vmem>>, vector<1x16xf32>,
      %broadcast_in_dim3A_880 = arith.constant 1.000000e+00 : f32
      %broadcast_in_dim3A_881 = vector.broadcast %broadcast_in_dim3A_880 : f32 to vector<16xf32>
      %swap3A_882 = arith.constant 110 : i32
      %swap3A_883 = arith.index_cast %swap3A_882 : i32 to index
      %swap3A_884 = arith.constant 0 : index
      %swap3A_885 = tpu.vector_load %arg4[%swap3A_883, %swap3A_884] {strides = array<i32>} : memref<125x16xf32, #tpu.memory_space<vmem>>, vector<1x16xf32>,
      %swap3A_886 = vector.shape_cast %swap3A_885 : vector<1x16xf32> to vector<16xf32>
      %swap3A_887 = vector.shape_cast %broadcast_in_dim3A_881 : vector<16xf32> to vector<1x16xf32>
      tpu.vector_store %arg4[%swap3A_883, %swap3A_884], %swap3A_887 {strides = array<i32>} : memref<125x16xf32, #tpu.memory_space<vmem>>, vector<1x16xf32>,
      %broadcast_in_dim3A_888 = arith.constant 1.000000e+00 : f32
      %broadcast_in_dim3A_889 = vector.broadcast %broadcast_in_dim3A_888 : f32 to vector<16xf32>
      %swap3A_890 = arith.constant 111 : i32
      %swap3A_891 = arith.index_cast %swap3A_890 : i32 to index
      %swap3A_892 = arith.constant 0 : index
      %swap3A_893 = tpu.vector_load %arg4[%swap3A_891, %swap3A_892] {strides = array<i32>} : memref<125x16xf32, #tpu.memory_space<vmem>>, vector<1x16xf32>,
      %swap3A_894 = vector.shape_cast %swap3A_893 : vector<1x16xf32> to vector<16xf32>
      %swap3A_895 = vector.shape_cast %broadcast_in_dim3A_889 : vector<16xf32> to vector<1x16xf32>
      tpu.vector_store %arg4[%swap3A_891, %swap3A_892], %swap3A_895 {strides = array<i32>} : memref<125x16xf32, #tpu.memory_space<vmem>>, vector<1x16xf32>,
      %broadcast_in_dim3A_896 = arith.constant 1.000000e+00 : f32
      %broadcast_in_dim3A_897 = vector.broadcast %broadcast_in_dim3A_896 : f32 to vector<16xf32>
      %swap3A_898 = arith.constant 112 : i32
      %swap3A_899 = arith.index_cast %swap3A_898 : i32 to index
      %swap3A_900 = arith.constant 0 : index
      %swap3A_901 = tpu.vector_load %arg4[%swap3A_899, %swap3A_900] {strides = array<i32>} : memref<125x16xf32, #tpu.memory_space<vmem>>, vector<1x16xf32>,
      %swap3A_902 = vector.shape_cast %swap3A_901 : vector<1x16xf32> to vector<16xf32>
      %swap3A_903 = vector.shape_cast %broadcast_in_dim3A_897 : vector<16xf32> to vector<1x16xf32>
      tpu.vector_store %arg4[%swap3A_899, %swap3A_900], %swap3A_903 {strides = array<i32>} : memref<125x16xf32, #tpu.memory_space<vmem>>, vector<1x16xf32>,
      %broadcast_in_dim3A_904 = arith.constant 1.000000e+00 : f32
      %broadcast_in_dim3A_905 = vector.broadcast %broadcast_in_dim3A_904 : f32 to vector<16xf32>
      %swap3A_906 = arith.constant 113 : i32
      %swap3A_907 = arith.index_cast %swap3A_906 : i32 to index
      %swap3A_908 = arith.constant 0 : index
      %swap3A_909 = tpu.vector_load %arg4[%swap3A_907, %swap3A_908] {strides = array<i32>} : memref<125x16xf32, #tpu.memory_space<vmem>>, vector<1x16xf32>,
      %swap3A_910 = vector.shape_cast %swap3A_909 : vector<1x16xf32> to vector<16xf32>
      %swap3A_911 = vector.shape_cast %broadcast_in_dim3A_905 : vector<16xf32> to vector<1x16xf32>
      tpu.vector_store %arg4[%swap3A_907, %swap3A_908], %swap3A_911 {strides = array<i32>} : memref<125x16xf32, #tpu.memory_space<vmem>>, vector<1x16xf32>,
      %broadcast_in_dim3A_912 = arith.constant 1.000000e+00 : f32
      %broadcast_in_dim3A_913 = vector.broadcast %broadcast_in_dim3A_912 : f32 to vector<16xf32>
      %swap3A_914 = arith.constant 114 : i32
      %swap3A_915 = arith.index_cast %swap3A_914 : i32 to index
      %swap3A_916 = arith.constant 0 : index
      %swap3A_917 = tpu.vector_load %arg4[%swap3A_915, %swap3A_916] {strides = array<i32>} : memref<125x16xf32, #tpu.memory_space<vmem>>, vector<1x16xf32>,
      %swap3A_918 = vector.shape_cast %swap3A_917 : vector<1x16xf32> to vector<16xf32>
      %swap3A_919 = vector.shape_cast %broadcast_in_dim3A_913 : vector<16xf32> to vector<1x16xf32>
      tpu.vector_store %arg4[%swap3A_915, %swap3A_916], %swap3A_919 {strides = array<i32>} : memref<125x16xf32, #tpu.memory_space<vmem>>, vector<1x16xf32>,
      %broadcast_in_dim3A_920 = arith.constant 1.000000e+00 : f32
      %broadcast_in_dim3A_921 = vector.broadcast %broadcast_in_dim3A_920 : f32 to vector<16xf32>
      %swap3A_922 = arith.constant 115 : i32
      %swap3A_923 = arith.index_cast %swap3A_922 : i32 to index
      %swap3A_924 = arith.constant 0 : index
      %swap3A_925 = tpu.vector_load %arg4[%swap3A_923, %swap3A_924] {strides = array<i32>} : memref<125x16xf32, #tpu.memory_space<vmem>>, vector<1x16xf32>,
      %swap3A_926 = vector.shape_cast %swap3A_925 : vector<1x16xf32> to vector<16xf32>
      %swap3A_927 = vector.shape_cast %broadcast_in_dim3A_921 : vector<16xf32> to vector<1x16xf32>
      tpu.vector_store %arg4[%swap3A_923, %swap3A_924], %swap3A_927 {strides = array<i32>} : memref<125x16xf32, #tpu.memory_space<vmem>>, vector<1x16xf32>,
      %broadcast_in_dim3A_928 = arith.constant 1.000000e+00 : f32
      %broadcast_in_dim3A_929 = vector.broadcast %broadcast_in_dim3A_928 : f32 to vector<16xf32>
      %swap3A_930 = arith.constant 116 : i32
      %swap3A_931 = arith.index_cast %swap3A_930 : i32 to index
      %swap3A_932 = arith.constant 0 : index
      %swap3A_933 = tpu.vector_load %arg4[%swap3A_931, %swap3A_932] {strides = array<i32>} : memref<125x16xf32, #tpu.memory_space<vmem>>, vector<1x16xf32>,
      %swap3A_934 = vector.shape_cast %swap3A_933 : vector<1x16xf32> to vector<16xf32>
      %swap3A_935 = vector.shape_cast %broadcast_in_dim3A_929 : vector<16xf32> to vector<1x16xf32>
      tpu.vector_store %arg4[%swap3A_931, %swap3A_932], %swap3A_935 {strides = array<i32>} : memref<125x16xf32, #tpu.memory_space<vmem>>, vector<1x16xf32>,
      %broadcast_in_dim3A_936 = arith.constant 1.000000e+00 : f32
      %broadcast_in_dim3A_937 = vector.broadcast %broadcast_in_dim3A_936 : f32 to vector<16xf32>
      %swap3A_938 = arith.constant 117 : i32
      %swap3A_939 = arith.index_cast %swap3A_938 : i32 to index
      %swap3A_940 = arith.constant 0 : index
      %swap3A_941 = tpu.vector_load %arg4[%swap3A_939, %swap3A_940] {strides = array<i32>} : memref<125x16xf32, #tpu.memory_space<vmem>>, vector<1x16xf32>,
      %swap3A_942 = vector.shape_cast %swap3A_941 : vector<1x16xf32> to vector<16xf32>
      %swap3A_943 = vector.shape_cast %broadcast_in_dim3A_937 : vector<16xf32> to vector<1x16xf32>
      tpu.vector_store %arg4[%swap3A_939, %swap3A_940], %swap3A_943 {strides = array<i32>} : memref<125x16xf32, #tpu.memory_space<vmem>>, vector<1x16xf32>,
      %broadcast_in_dim3A_944 = arith.constant 1.000000e+00 : f32
      %broadcast_in_dim3A_945 = vector.broadcast %broadcast_in_dim3A_944 : f32 to vector<16xf32>
      %swap3A_946 = arith.constant 118 : i32
      %swap3A_947 = arith.index_cast %swap3A_946 : i32 to index
      %swap3A_948 = arith.constant 0 : index
      %swap3A_949 = tpu.vector_load %arg4[%swap3A_947, %swap3A_948] {strides = array<i32>} : memref<125x16xf32, #tpu.memory_space<vmem>>, vector<1x16xf32>,
      %swap3A_950 = vector.shape_cast %swap3A_949 : vector<1x16xf32> to vector<16xf32>
      %swap3A_951 = vector.shape_cast %broadcast_in_dim3A_945 : vector<16xf32> to vector<1x16xf32>
      tpu.vector_store %arg4[%swap3A_947, %swap3A_948], %swap3A_951 {strides = array<i32>} : memref<125x16xf32, #tpu.memory_space<vmem>>, vector<1x16xf32>,
      %broadcast_in_dim3A_952 = arith.constant 1.000000e+00 : f32
      %broadcast_in_dim3A_953 = vector.broadcast %broadcast_in_dim3A_952 : f32 to vector<16xf32>
      %swap3A_954 = arith.constant 119 : i32
      %swap3A_955 = arith.index_cast %swap3A_954 : i32 to index
      %swap3A_956 = arith.constant 0 : index
      %swap3A_957 = tpu.vector_load %arg4[%swap3A_955, %swap3A_956] {strides = array<i32>} : memref<125x16xf32, #tpu.memory_space<vmem>>, vector<1x16xf32>,
      %swap3A_958 = vector.shape_cast %swap3A_957 : vector<1x16xf32> to vector<16xf32>
      %swap3A_959 = vector.shape_cast %broadcast_in_dim3A_953 : vector<16xf32> to vector<1x16xf32>
      tpu.vector_store %arg4[%swap3A_955, %swap3A_956], %swap3A_959 {strides = array<i32>} : memref<125x16xf32, #tpu.memory_space<vmem>>, vector<1x16xf32>,
      %broadcast_in_dim3A_960 = arith.constant 1.000000e+00 : f32
      %broadcast_in_dim3A_961 = vector.broadcast %broadcast_in_dim3A_960 : f32 to vector<16xf32>
      %swap3A_962 = arith.constant 120 : i32
      %swap3A_963 = arith.index_cast %swap3A_962 : i32 to index
      %swap3A_964 = arith.constant 0 : index
      %swap3A_965 = tpu.vector_load %arg4[%swap3A_963, %swap3A_964] {strides = array<i32>} : memref<125x16xf32, #tpu.memory_space<vmem>>, vector<1x16xf32>,
      %swap3A_966 = vector.shape_cast %swap3A_965 : vector<1x16xf32> to vector<16xf32>
      %swap3A_967 = vector.shape_cast %broadcast_in_dim3A_961 : vector<16xf32> to vector<1x16xf32>
      tpu.vector_store %arg4[%swap3A_963, %swap3A_964], %swap3A_967 {strides = array<i32>} : memref<125x16xf32, #tpu.memory_space<vmem>>, vector<1x16xf32>,
      %broadcast_in_dim3A_968 = arith.constant 1.000000e+00 : f32
      %broadcast_in_dim3A_969 = vector.broadcast %broadcast_in_dim3A_968 : f32 to vector<16xf32>
      %swap3A_970 = arith.constant 121 : i32
      %swap3A_971 = arith.index_cast %swap3A_970 : i32 to index
      %swap3A_972 = arith.constant 0 : index
      %swap3A_973 = tpu.vector_load %arg4[%swap3A_971, %swap3A_972] {strides = array<i32>} : memref<125x16xf32, #tpu.memory_space<vmem>>, vector<1x16xf32>,
      %swap3A_974 = vector.shape_cast %swap3A_973 : vector<1x16xf32> to vector<16xf32>
      %swap3A_975 = vector.shape_cast %broadcast_in_dim3A_969 : vector<16xf32> to vector<1x16xf32>
      tpu.vector_store %arg4[%swap3A_971, %swap3A_972], %swap3A_975 {strides = array<i32>} : memref<125x16xf32, #tpu.memory_space<vmem>>, vector<1x16xf32>,
      %broadcast_in_dim3A_976 = arith.constant 1.000000e+00 : f32
      %broadcast_in_dim3A_977 = vector.broadcast %broadcast_in_dim3A_976 : f32 to vector<16xf32>
      %swap3A_978 = arith.constant 122 : i32
      %swap3A_979 = arith.index_cast %swap3A_978 : i32 to index
      %swap3A_980 = arith.constant 0 : index
      %swap3A_981 = tpu.vector_load %arg4[%swap3A_979, %swap3A_980] {strides = array<i32>} : memref<125x16xf32, #tpu.memory_space<vmem>>, vector<1x16xf32>,
      %swap3A_982 = vector.shape_cast %swap3A_981 : vector<1x16xf32> to vector<16xf32>
      %swap3A_983 = vector.shape_cast %broadcast_in_dim3A_977 : vector<16xf32> to vector<1x16xf32>
      tpu.vector_store %arg4[%swap3A_979, %swap3A_980], %swap3A_983 {strides = array<i32>} : memref<125x16xf32, #tpu.memory_space<vmem>>, vector<1x16xf32>,
      %broadcast_in_dim3A_984 = arith.constant 1.000000e+00 : f32
      %broadcast_in_dim3A_985 = vector.broadcast %broadcast_in_dim3A_984 : f32 to vector<16xf32>
      %swap3A_986 = arith.constant 123 : i32
      %swap3A_987 = arith.index_cast %swap3A_986 : i32 to index
      %swap3A_988 = arith.constant 0 : index
      %swap3A_989 = tpu.vector_load %arg4[%swap3A_987, %swap3A_988] {strides = array<i32>} : memref<125x16xf32, #tpu.memory_space<vmem>>, vector<1x16xf32>,
      %swap3A_990 = vector.shape_cast %swap3A_989 : vector<1x16xf32> to vector<16xf32>
      %swap3A_991 = vector.shape_cast %broadcast_in_dim3A_985 : vector<16xf32> to vector<1x16xf32>
      tpu.vector_store %arg4[%swap3A_987, %swap3A_988], %swap3A_991 {strides = array<i32>} : memref<125x16xf32, #tpu.memory_space<vmem>>, vector<1x16xf32>,
      %broadcast_in_dim3A_992 = arith.constant 1.000000e+00 : f32
      %broadcast_in_dim3A_993 = vector.broadcast %broadcast_in_dim3A_992 : f32 to vector<16xf32>
      %swap3A_994 = arith.constant 124 : i32
      %swap3A_995 = arith.index_cast %swap3A_994 : i32 to index
      %swap3A_996 = arith.constant 0 : index
      %swap3A_997 = tpu.vector_load %arg4[%swap3A_995, %swap3A_996] {strides = array<i32>} : memref<125x16xf32, #tpu.memory_space<vmem>>, vector<1x16xf32>,
      %swap3A_998 = vector.shape_cast %swap3A_997 : vector<1x16xf32> to vector<16xf32>
      %swap3A_999 = vector.shape_cast %broadcast_in_dim3A_993 : vector<16xf32> to vector<1x16xf32>
      tpu.vector_store %arg4[%swap3A_995, %swap3A_996], %swap3A_999 {strides = array<i32>} : memref<125x16xf32, #tpu.memory_space<vmem>>, vector<1x16xf32>,
      %broadcast_in_dim3A_1000 = arith.constant 0.000000e+00 : f32
      %broadcast_in_dim3A_1001 = vector.broadcast %broadcast_in_dim3A_1000 : f32 to vector<16xf32>
      %swap3A_1002 = arith.constant 0 : i32
      %swap3A_1003 = arith.index_cast %swap3A_1002 : i32 to index
      %swap3A_1004 = arith.constant 0 : index
      %swap3A_1005 = tpu.vector_load %arg6[%swap3A_1003, %swap3A_1004] {strides = array<i32>} : memref<128x16xf32, #tpu.memory_space<vmem>>, vector<1x16xf32>,
      %swap3A_1006 = vector.shape_cast %swap3A_1005 : vector<1x16xf32> to vector<16xf32>
      %swap3A_1007 = vector.shape_cast %broadcast_in_dim3A_1001 : vector<16xf32> to vector<1x16xf32>
      tpu.vector_store %arg6[%swap3A_1003, %swap3A_1004], %swap3A_1007 {strides = array<i32>} : memref<128x16xf32, #tpu.memory_space<vmem>>, vector<1x16xf32>,
      %broadcast_in_dim3A_1008 = arith.constant 0.000000e+00 : f32
      %broadcast_in_dim3A_1009 = vector.broadcast %broadcast_in_dim3A_1008 : f32 to vector<16xf32>
      %swap3A_1010 = arith.constant 1 : i32
      %swap3A_1011 = arith.index_cast %swap3A_1010 : i32 to index
      %swap3A_1012 = arith.constant 0 : index
      %swap3A_1013 = tpu.vector_load %arg6[%swap3A_1011, %swap3A_1012] {strides = array<i32>} : memref<128x16xf32, #tpu.memory_space<vmem>>, vector<1x16xf32>,
      %swap3A_1014 = vector.shape_cast %swap3A_1013 : vector<1x16xf32> to vector<16xf32>
      %swap3A_1015 = vector.shape_cast %broadcast_in_dim3A_1009 : vector<16xf32> to vector<1x16xf32>
      tpu.vector_store %arg6[%swap3A_1011, %swap3A_1012], %swap3A_1015 {strides = array<i32>} : memref<128x16xf32, #tpu.memory_space<vmem>>, vector<1x16xf32>,
      %broadcast_in_dim3A_1016 = arith.constant 0.000000e+00 : f32
      %broadcast_in_dim3A_1017 = vector.broadcast %broadcast_in_dim3A_1016 : f32 to vector<16xf32>
      %swap3A_1018 = arith.constant 2 : i32
      %swap3A_1019 = arith.index_cast %swap3A_1018 : i32 to index
      %swap3A_1020 = arith.constant 0 : index
      %swap3A_1021 = tpu.vector_load %arg6[%swap3A_1019, %swap3A_1020] {strides = array<i32>} : memref<128x16xf32, #tpu.memory_space<vmem>>, vector<1x16xf32>,
      %swap3A_1022 = vector.shape_cast %swap3A_1021 : vector<1x16xf32> to vector<16xf32>
      %swap3A_1023 = vector.shape_cast %broadcast_in_dim3A_1017 : vector<16xf32> to vector<1x16xf32>
      tpu.vector_store %arg6[%swap3A_1019, %swap3A_1020], %swap3A_1023 {strides = array<i32>} : memref<128x16xf32, #tpu.memory_space<vmem>>, vector<1x16xf32>,
      %broadcast_in_dim3A_1024 = arith.constant 0.000000e+00 : f32
      %broadcast_in_dim3A_1025 = vector.broadcast %broadcast_in_dim3A_1024 : f32 to vector<16xf32>
      %swap3A_1026 = arith.constant 3 : i32
      %swap3A_1027 = arith.index_cast %swap3A_1026 : i32 to index
      %swap3A_1028 = arith.constant 0 : index
      %swap3A_1029 = tpu.vector_load %arg6[%swap3A_1027, %swap3A_1028] {strides = array<i32>} : memref<128x16xf32, #tpu.memory_space<vmem>>, vector<1x16xf32>,
      %swap3A_1030 = vector.shape_cast %swap3A_1029 : vector<1x16xf32> to vector<16xf32>
      %swap3A_1031 = vector.shape_cast %broadcast_in_dim3A_1025 : vector<16xf32> to vector<1x16xf32>
      tpu.vector_store %arg6[%swap3A_1027, %swap3A_1028], %swap3A_1031 {strides = array<i32>} : memref<128x16xf32, #tpu.memory_space<vmem>>, vector<1x16xf32>,
      %broadcast_in_dim3A_1032 = arith.constant 0.000000e+00 : f32
      %broadcast_in_dim3A_1033 = vector.broadcast %broadcast_in_dim3A_1032 : f32 to vector<16xf32>
      %swap3A_1034 = arith.constant 4 : i32
      %swap3A_1035 = arith.index_cast %swap3A_1034 : i32 to index
      %swap3A_1036 = arith.constant 0 : index
      %swap3A_1037 = tpu.vector_load %arg6[%swap3A_1035, %swap3A_1036] {strides = array<i32>} : memref<128x16xf32, #tpu.memory_space<vmem>>, vector<1x16xf32>,
      %swap3A_1038 = vector.shape_cast %swap3A_1037 : vector<1x16xf32> to vector<16xf32>
      %swap3A_1039 = vector.shape_cast %broadcast_in_dim3A_1033 : vector<16xf32> to vector<1x16xf32>
      tpu.vector_store %arg6[%swap3A_1035, %swap3A_1036], %swap3A_1039 {strides = array<i32>} : memref<128x16xf32, #tpu.memory_space<vmem>>, vector<1x16xf32>,
      %broadcast_in_dim3A_1040 = arith.constant 0.000000e+00 : f32
      %broadcast_in_dim3A_1041 = vector.broadcast %broadcast_in_dim3A_1040 : f32 to vector<16xf32>
      %swap3A_1042 = arith.constant 5 : i32
      %swap3A_1043 = arith.index_cast %swap3A_1042 : i32 to index
      %swap3A_1044 = arith.constant 0 : index
      %swap3A_1045 = tpu.vector_load %arg6[%swap3A_1043, %swap3A_1044] {strides = array<i32>} : memref<128x16xf32, #tpu.memory_space<vmem>>, vector<1x16xf32>,
      %swap3A_1046 = vector.shape_cast %swap3A_1045 : vector<1x16xf32> to vector<16xf32>
      %swap3A_1047 = vector.shape_cast %broadcast_in_dim3A_1041 : vector<16xf32> to vector<1x16xf32>
      tpu.vector_store %arg6[%swap3A_1043, %swap3A_1044], %swap3A_1047 {strides = array<i32>} : memref<128x16xf32, #tpu.memory_space<vmem>>, vector<1x16xf32>,
      %broadcast_in_dim3A_1048 = arith.constant 0.000000e+00 : f32
      %broadcast_in_dim3A_1049 = vector.broadcast %broadcast_in_dim3A_1048 : f32 to vector<16xf32>
      %swap3A_1050 = arith.constant 6 : i32
      %swap3A_1051 = arith.index_cast %swap3A_1050 : i32 to index
      %swap3A_1052 = arith.constant 0 : index
      %swap3A_1053 = tpu.vector_load %arg6[%swap3A_1051, %swap3A_1052] {strides = array<i32>} : memref<128x16xf32, #tpu.memory_space<vmem>>, vector<1x16xf32>,
      %swap3A_1054 = vector.shape_cast %swap3A_1053 : vector<1x16xf32> to vector<16xf32>
      %swap3A_1055 = vector.shape_cast %broadcast_in_dim3A_1049 : vector<16xf32> to vector<1x16xf32>
      tpu.vector_store %arg6[%swap3A_1051, %swap3A_1052], %swap3A_1055 {strides = array<i32>} : memref<128x16xf32, #tpu.memory_space<vmem>>, vector<1x16xf32>,
      %broadcast_in_dim3A_1056 = arith.constant 0.000000e+00 : f32
      %broadcast_in_dim3A_1057 = vector.broadcast %broadcast_in_dim3A_1056 : f32 to vector<16xf32>
      %swap3A_1058 = arith.constant 7 : i32
      %swap3A_1059 = arith.index_cast %swap3A_1058 : i32 to index
      %swap3A_1060 = arith.constant 0 : index
      %swap3A_1061 = tpu.vector_load %arg6[%swap3A_1059, %swap3A_1060] {strides = array<i32>} : memref<128x16xf32, #tpu.memory_space<vmem>>, vector<1x16xf32>,
      %swap3A_1062 = vector.shape_cast %swap3A_1061 : vector<1x16xf32> to vector<16xf32>
      %swap3A_1063 = vector.shape_cast %broadcast_in_dim3A_1057 : vector<16xf32> to vector<1x16xf32>
      tpu.vector_store %arg6[%swap3A_1059, %swap3A_1060], %swap3A_1063 {strides = array<i32>} : memref<128x16xf32, #tpu.memory_space<vmem>>, vector<1x16xf32>,
      %broadcast_in_dim3A_1064 = arith.constant 0.000000e+00 : f32
      %broadcast_in_dim3A_1065 = vector.broadcast %broadcast_in_dim3A_1064 : f32 to vector<16xf32>
      %swap3A_1066 = arith.constant 8 : i32
      %swap3A_1067 = arith.index_cast %swap3A_1066 : i32 to index
      %swap3A_1068 = arith.constant 0 : index
      %swap3A_1069 = tpu.vector_load %arg6[%swap3A_1067, %swap3A_1068] {strides = array<i32>} : memref<128x16xf32, #tpu.memory_space<vmem>>, vector<1x16xf32>,
      %swap3A_1070 = vector.shape_cast %swap3A_1069 : vector<1x16xf32> to vector<16xf32>
      %swap3A_1071 = vector.shape_cast %broadcast_in_dim3A_1065 : vector<16xf32> to vector<1x16xf32>
      tpu.vector_store %arg6[%swap3A_1067, %swap3A_1068], %swap3A_1071 {strides = array<i32>} : memref<128x16xf32, #tpu.memory_space<vmem>>, vector<1x16xf32>,
      %broadcast_in_dim3A_1072 = arith.constant 0.000000e+00 : f32
      %broadcast_in_dim3A_1073 = vector.broadcast %broadcast_in_dim3A_1072 : f32 to vector<16xf32>
      %swap3A_1074 = arith.constant 9 : i32
      %swap3A_1075 = arith.index_cast %swap3A_1074 : i32 to index
      %swap3A_1076 = arith.constant 0 : index
      %swap3A_1077 = tpu.vector_load %arg6[%swap3A_1075, %swap3A_1076] {strides = array<i32>} : memref<128x16xf32, #tpu.memory_space<vmem>>, vector<1x16xf32>,
      %swap3A_1078 = vector.shape_cast %swap3A_1077 : vector<1x16xf32> to vector<16xf32>
      %swap3A_1079 = vector.shape_cast %broadcast_in_dim3A_1073 : vector<16xf32> to vector<1x16xf32>
      tpu.vector_store %arg6[%swap3A_1075, %swap3A_1076], %swap3A_1079 {strides = array<i32>} : memref<128x16xf32, #tpu.memory_space<vmem>>, vector<1x16xf32>,
      %broadcast_in_dim3A_1080 = arith.constant 0.000000e+00 : f32
      %broadcast_in_dim3A_1081 = vector.broadcast %broadcast_in_dim3A_1080 : f32 to vector<16xf32>
      %swap3A_1082 = arith.constant 10 : i32
      %swap3A_1083 = arith.index_cast %swap3A_1082 : i32 to index
      %swap3A_1084 = arith.constant 0 : index
      %swap3A_1085 = tpu.vector_load %arg6[%swap3A_1083, %swap3A_1084] {strides = array<i32>} : memref<128x16xf32, #tpu.memory_space<vmem>>, vector<1x16xf32>,
      %swap3A_1086 = vector.shape_cast %swap3A_1085 : vector<1x16xf32> to vector<16xf32>
      %swap3A_1087 = vector.shape_cast %broadcast_in_dim3A_1081 : vector<16xf32> to vector<1x16xf32>
      tpu.vector_store %arg6[%swap3A_1083, %swap3A_1084], %swap3A_1087 {strides = array<i32>} : memref<128x16xf32, #tpu.memory_space<vmem>>, vector<1x16xf32>,
      %broadcast_in_dim3A_1088 = arith.constant 0.000000e+00 : f32
      %broadcast_in_dim3A_1089 = vector.broadcast %broadcast_in_dim3A_1088 : f32 to vector<16xf32>
      %swap3A_1090 = arith.constant 11 : i32
      %swap3A_1091 = arith.index_cast %swap3A_1090 : i32 to index
      %swap3A_1092 = arith.constant 0 : index
      %swap3A_1093 = tpu.vector_load %arg6[%swap3A_1091, %swap3A_1092] {strides = array<i32>} : memref<128x16xf32, #tpu.memory_space<vmem>>, vector<1x16xf32>,
      %swap3A_1094 = vector.shape_cast %swap3A_1093 : vector<1x16xf32> to vector<16xf32>
      %swap3A_1095 = vector.shape_cast %broadcast_in_dim3A_1089 : vector<16xf32> to vector<1x16xf32>
      tpu.vector_store %arg6[%swap3A_1091, %swap3A_1092], %swap3A_1095 {strides = array<i32>} : memref<128x16xf32, #tpu.memory_space<vmem>>, vector<1x16xf32>,
      %broadcast_in_dim3A_1096 = arith.constant 0.000000e+00 : f32
      %broadcast_in_dim3A_1097 = vector.broadcast %broadcast_in_dim3A_1096 : f32 to vector<16xf32>
      %swap3A_1098 = arith.constant 12 : i32
      %swap3A_1099 = arith.index_cast %swap3A_1098 : i32 to index
      %swap3A_1100 = arith.constant 0 : index
      %swap3A_1101 = tpu.vector_load %arg6[%swap3A_1099, %swap3A_1100] {strides = array<i32>} : memref<128x16xf32, #tpu.memory_space<vmem>>, vector<1x16xf32>,
      %swap3A_1102 = vector.shape_cast %swap3A_1101 : vector<1x16xf32> to vector<16xf32>
      %swap3A_1103 = vector.shape_cast %broadcast_in_dim3A_1097 : vector<16xf32> to vector<1x16xf32>
      tpu.vector_store %arg6[%swap3A_1099, %swap3A_1100], %swap3A_1103 {strides = array<i32>} : memref<128x16xf32, #tpu.memory_space<vmem>>, vector<1x16xf32>,
      %broadcast_in_dim3A_1104 = arith.constant 0.000000e+00 : f32
      %broadcast_in_dim3A_1105 = vector.broadcast %broadcast_in_dim3A_1104 : f32 to vector<16xf32>
      %swap3A_1106 = arith.constant 13 : i32
      %swap3A_1107 = arith.index_cast %swap3A_1106 : i32 to index
      %swap3A_1108 = arith.constant 0 : index
      %swap3A_1109 = tpu.vector_load %arg6[%swap3A_1107, %swap3A_1108] {strides = array<i32>} : memref<128x16xf32, #tpu.memory_space<vmem>>, vector<1x16xf32>,
      %swap3A_1110 = vector.shape_cast %swap3A_1109 : vector<1x16xf32> to vector<16xf32>
      %swap3A_1111 = vector.shape_cast %broadcast_in_dim3A_1105 : vector<16xf32> to vector<1x16xf32>
      tpu.vector_store %arg6[%swap3A_1107, %swap3A_1108], %swap3A_1111 {strides = array<i32>} : memref<128x16xf32, #tpu.memory_space<vmem>>, vector<1x16xf32>,
      %broadcast_in_dim3A_1112 = arith.constant 0.000000e+00 : f32
      %broadcast_in_dim3A_1113 = vector.broadcast %broadcast_in_dim3A_1112 : f32 to vector<16xf32>
      %swap3A_1114 = arith.constant 14 : i32
      %swap3A_1115 = arith.index_cast %swap3A_1114 : i32 to index
      %swap3A_1116 = arith.constant 0 : index
      %swap3A_1117 = tpu.vector_load %arg6[%swap3A_1115, %swap3A_1116] {strides = array<i32>} : memref<128x16xf32, #tpu.memory_space<vmem>>, vector<1x16xf32>,
      %swap3A_1118 = vector.shape_cast %swap3A_1117 : vector<1x16xf32> to vector<16xf32>
      %swap3A_1119 = vector.shape_cast %broadcast_in_dim3A_1113 : vector<16xf32> to vector<1x16xf32>
      tpu.vector_store %arg6[%swap3A_1115, %swap3A_1116], %swap3A_1119 {strides = array<i32>} : memref<128x16xf32, #tpu.memory_space<vmem>>, vector<1x16xf32>,
      %broadcast_in_dim3A_1120 = arith.constant 0.000000e+00 : f32
      %broadcast_in_dim3A_1121 = vector.broadcast %broadcast_in_dim3A_1120 : f32 to vector<16xf32>
      %swap3A_1122 = arith.constant 15 : i32
      %swap3A_1123 = arith.index_cast %swap3A_1122 : i32 to index
      %swap3A_1124 = arith.constant 0 : index
      %swap3A_1125 = tpu.vector_load %arg6[%swap3A_1123, %swap3A_1124] {strides = array<i32>} : memref<128x16xf32, #tpu.memory_space<vmem>>, vector<1x16xf32>,
      %swap3A_1126 = vector.shape_cast %swap3A_1125 : vector<1x16xf32> to vector<16xf32>
      %swap3A_1127 = vector.shape_cast %broadcast_in_dim3A_1121 : vector<16xf32> to vector<1x16xf32>
      tpu.vector_store %arg6[%swap3A_1123, %swap3A_1124], %swap3A_1127 {strides = array<i32>} : memref<128x16xf32, #tpu.memory_space<vmem>>, vector<1x16xf32>,
      %broadcast_in_dim3A_1128 = arith.constant 0.000000e+00 : f32
      %broadcast_in_dim3A_1129 = vector.broadcast %broadcast_in_dim3A_1128 : f32 to vector<16xf32>
      %swap3A_1130 = arith.constant 16 : i32
      %swap3A_1131 = arith.index_cast %swap3A_1130 : i32 to index
      %swap3A_1132 = arith.constant 0 : index
      %swap3A_1133 = tpu.vector_load %arg6[%swap3A_1131, %swap3A_1132] {strides = array<i32>} : memref<128x16xf32, #tpu.memory_space<vmem>>, vector<1x16xf32>,
      %swap3A_1134 = vector.shape_cast %swap3A_1133 : vector<1x16xf32> to vector<16xf32>
      %swap3A_1135 = vector.shape_cast %broadcast_in_dim3A_1129 : vector<16xf32> to vector<1x16xf32>
      tpu.vector_store %arg6[%swap3A_1131, %swap3A_1132], %swap3A_1135 {strides = array<i32>} : memref<128x16xf32, #tpu.memory_space<vmem>>, vector<1x16xf32>,
      %broadcast_in_dim3A_1136 = arith.constant 0.000000e+00 : f32
      %broadcast_in_dim3A_1137 = vector.broadcast %broadcast_in_dim3A_1136 : f32 to vector<16xf32>
      %swap3A_1138 = arith.constant 17 : i32
      %swap3A_1139 = arith.index_cast %swap3A_1138 : i32 to index
      %swap3A_1140 = arith.constant 0 : index
      %swap3A_1141 = tpu.vector_load %arg6[%swap3A_1139, %swap3A_1140] {strides = array<i32>} : memref<128x16xf32, #tpu.memory_space<vmem>>, vector<1x16xf32>,
      %swap3A_1142 = vector.shape_cast %swap3A_1141 : vector<1x16xf32> to vector<16xf32>
      %swap3A_1143 = vector.shape_cast %broadcast_in_dim3A_1137 : vector<16xf32> to vector<1x16xf32>
      tpu.vector_store %arg6[%swap3A_1139, %swap3A_1140], %swap3A_1143 {strides = array<i32>} : memref<128x16xf32, #tpu.memory_space<vmem>>, vector<1x16xf32>,
      %broadcast_in_dim3A_1144 = arith.constant 0.000000e+00 : f32
      %broadcast_in_dim3A_1145 = vector.broadcast %broadcast_in_dim3A_1144 : f32 to vector<16xf32>
      %swap3A_1146 = arith.constant 18 : i32
      %swap3A_1147 = arith.index_cast %swap3A_1146 : i32 to index
      %swap3A_1148 = arith.constant 0 : index
      %swap3A_1149 = tpu.vector_load %arg6[%swap3A_1147, %swap3A_1148] {strides = array<i32>} : memref<128x16xf32, #tpu.memory_space<vmem>>, vector<1x16xf32>,
      %swap3A_1150 = vector.shape_cast %swap3A_1149 : vector<1x16xf32> to vector<16xf32>
      %swap3A_1151 = vector.shape_cast %broadcast_in_dim3A_1145 : vector<16xf32> to vector<1x16xf32>
      tpu.vector_store %arg6[%swap3A_1147, %swap3A_1148], %swap3A_1151 {strides = array<i32>} : memref<128x16xf32, #tpu.memory_space<vmem>>, vector<1x16xf32>,
      %broadcast_in_dim3A_1152 = arith.constant 0.000000e+00 : f32
      %broadcast_in_dim3A_1153 = vector.broadcast %broadcast_in_dim3A_1152 : f32 to vector<16xf32>
      %swap3A_1154 = arith.constant 19 : i32
      %swap3A_1155 = arith.index_cast %swap3A_1154 : i32 to index
      %swap3A_1156 = arith.constant 0 : index
      %swap3A_1157 = tpu.vector_load %arg6[%swap3A_1155, %swap3A_1156] {strides = array<i32>} : memref<128x16xf32, #tpu.memory_space<vmem>>, vector<1x16xf32>,
      %swap3A_1158 = vector.shape_cast %swap3A_1157 : vector<1x16xf32> to vector<16xf32>
      %swap3A_1159 = vector.shape_cast %broadcast_in_dim3A_1153 : vector<16xf32> to vector<1x16xf32>
      tpu.vector_store %arg6[%swap3A_1155, %swap3A_1156], %swap3A_1159 {strides = array<i32>} : memref<128x16xf32, #tpu.memory_space<vmem>>, vector<1x16xf32>,
      %broadcast_in_dim3A_1160 = arith.constant 0.000000e+00 : f32
      %broadcast_in_dim3A_1161 = vector.broadcast %broadcast_in_dim3A_1160 : f32 to vector<16xf32>
      %swap3A_1162 = arith.constant 20 : i32
      %swap3A_1163 = arith.index_cast %swap3A_1162 : i32 to index
      %swap3A_1164 = arith.constant 0 : index
      %swap3A_1165 = tpu.vector_load %arg6[%swap3A_1163, %swap3A_1164] {strides = array<i32>} : memref<128x16xf32, #tpu.memory_space<vmem>>, vector<1x16xf32>,
      %swap3A_1166 = vector.shape_cast %swap3A_1165 : vector<1x16xf32> to vector<16xf32>
      %swap3A_1167 = vector.shape_cast %broadcast_in_dim3A_1161 : vector<16xf32> to vector<1x16xf32>
      tpu.vector_store %arg6[%swap3A_1163, %swap3A_1164], %swap3A_1167 {strides = array<i32>} : memref<128x16xf32, #tpu.memory_space<vmem>>, vector<1x16xf32>,
      %broadcast_in_dim3A_1168 = arith.constant 0.000000e+00 : f32
      %broadcast_in_dim3A_1169 = vector.broadcast %broadcast_in_dim3A_1168 : f32 to vector<16xf32>
      %swap3A_1170 = arith.constant 21 : i32
      %swap3A_1171 = arith.index_cast %swap3A_1170 : i32 to index
      %swap3A_1172 = arith.constant 0 : index
      %swap3A_1173 = tpu.vector_load %arg6[%swap3A_1171, %swap3A_1172] {strides = array<i32>} : memref<128x16xf32, #tpu.memory_space<vmem>>, vector<1x16xf32>,
      %swap3A_1174 = vector.shape_cast %swap3A_1173 : vector<1x16xf32> to vector<16xf32>
      %swap3A_1175 = vector.shape_cast %broadcast_in_dim3A_1169 : vector<16xf32> to vector<1x16xf32>
      tpu.vector_store %arg6[%swap3A_1171, %swap3A_1172], %swap3A_1175 {strides = array<i32>} : memref<128x16xf32, #tpu.memory_space<vmem>>, vector<1x16xf32>,
      %broadcast_in_dim3A_1176 = arith.constant 0.000000e+00 : f32
      %broadcast_in_dim3A_1177 = vector.broadcast %broadcast_in_dim3A_1176 : f32 to vector<16xf32>
      %swap3A_1178 = arith.constant 22 : i32
      %swap3A_1179 = arith.index_cast %swap3A_1178 : i32 to index
      %swap3A_1180 = arith.constant 0 : index
      %swap3A_1181 = tpu.vector_load %arg6[%swap3A_1179, %swap3A_1180] {strides = array<i32>} : memref<128x16xf32, #tpu.memory_space<vmem>>, vector<1x16xf32>,
      %swap3A_1182 = vector.shape_cast %swap3A_1181 : vector<1x16xf32> to vector<16xf32>
      %swap3A_1183 = vector.shape_cast %broadcast_in_dim3A_1177 : vector<16xf32> to vector<1x16xf32>
      tpu.vector_store %arg6[%swap3A_1179, %swap3A_1180], %swap3A_1183 {strides = array<i32>} : memref<128x16xf32, #tpu.memory_space<vmem>>, vector<1x16xf32>,
      %broadcast_in_dim3A_1184 = arith.constant 0.000000e+00 : f32
      %broadcast_in_dim3A_1185 = vector.broadcast %broadcast_in_dim3A_1184 : f32 to vector<16xf32>
      %swap3A_1186 = arith.constant 23 : i32
      %swap3A_1187 = arith.index_cast %swap3A_1186 : i32 to index
      %swap3A_1188 = arith.constant 0 : index
      %swap3A_1189 = tpu.vector_load %arg6[%swap3A_1187, %swap3A_1188] {strides = array<i32>} : memref<128x16xf32, #tpu.memory_space<vmem>>, vector<1x16xf32>,
      %swap3A_1190 = vector.shape_cast %swap3A_1189 : vector<1x16xf32> to vector<16xf32>
      %swap3A_1191 = vector.shape_cast %broadcast_in_dim3A_1185 : vector<16xf32> to vector<1x16xf32>
      tpu.vector_store %arg6[%swap3A_1187, %swap3A_1188], %swap3A_1191 {strides = array<i32>} : memref<128x16xf32, #tpu.memory_space<vmem>>, vector<1x16xf32>,
      %broadcast_in_dim3A_1192 = arith.constant 0.000000e+00 : f32
      %broadcast_in_dim3A_1193 = vector.broadcast %broadcast_in_dim3A_1192 : f32 to vector<16xf32>
      %swap3A_1194 = arith.constant 24 : i32
      %swap3A_1195 = arith.index_cast %swap3A_1194 : i32 to index
      %swap3A_1196 = arith.constant 0 : index
      %swap3A_1197 = tpu.vector_load %arg6[%swap3A_1195, %swap3A_1196] {strides = array<i32>} : memref<128x16xf32, #tpu.memory_space<vmem>>, vector<1x16xf32>,
      %swap3A_1198 = vector.shape_cast %swap3A_1197 : vector<1x16xf32> to vector<16xf32>
      %swap3A_1199 = vector.shape_cast %broadcast_in_dim3A_1193 : vector<16xf32> to vector<1x16xf32>
      tpu.vector_store %arg6[%swap3A_1195, %swap3A_1196], %swap3A_1199 {strides = array<i32>} : memref<128x16xf32, #tpu.memory_space<vmem>>, vector<1x16xf32>,
      %broadcast_in_dim3A_1200 = arith.constant 0.000000e+00 : f32
      %broadcast_in_dim3A_1201 = vector.broadcast %broadcast_in_dim3A_1200 : f32 to vector<16xf32>
      %swap3A_1202 = arith.constant 25 : i32
      %swap3A_1203 = arith.index_cast %swap3A_1202 : i32 to index
      %swap3A_1204 = arith.constant 0 : index
      %swap3A_1205 = tpu.vector_load %arg6[%swap3A_1203, %swap3A_1204] {strides = array<i32>} : memref<128x16xf32, #tpu.memory_space<vmem>>, vector<1x16xf32>,
      %swap3A_1206 = vector.shape_cast %swap3A_1205 : vector<1x16xf32> to vector<16xf32>
      %swap3A_1207 = vector.shape_cast %broadcast_in_dim3A_1201 : vector<16xf32> to vector<1x16xf32>
      tpu.vector_store %arg6[%swap3A_1203, %swap3A_1204], %swap3A_1207 {strides = array<i32>} : memref<128x16xf32, #tpu.memory_space<vmem>>, vector<1x16xf32>,
      %broadcast_in_dim3A_1208 = arith.constant 0.000000e+00 : f32
      %broadcast_in_dim3A_1209 = vector.broadcast %broadcast_in_dim3A_1208 : f32 to vector<16xf32>
      %swap3A_1210 = arith.constant 26 : i32
      %swap3A_1211 = arith.index_cast %swap3A_1210 : i32 to index
      %swap3A_1212 = arith.constant 0 : index
      %swap3A_1213 = tpu.vector_load %arg6[%swap3A_1211, %swap3A_1212] {strides = array<i32>} : memref<128x16xf32, #tpu.memory_space<vmem>>, vector<1x16xf32>,
      %swap3A_1214 = vector.shape_cast %swap3A_1213 : vector<1x16xf32> to vector<16xf32>
      %swap3A_1215 = vector.shape_cast %broadcast_in_dim3A_1209 : vector<16xf32> to vector<1x16xf32>
      tpu.vector_store %arg6[%swap3A_1211, %swap3A_1212], %swap3A_1215 {strides = array<i32>} : memref<128x16xf32, #tpu.memory_space<vmem>>, vector<1x16xf32>,
      %broadcast_in_dim3A_1216 = arith.constant 0.000000e+00 : f32
      %broadcast_in_dim3A_1217 = vector.broadcast %broadcast_in_dim3A_1216 : f32 to vector<16xf32>
      %swap3A_1218 = arith.constant 27 : i32
      %swap3A_1219 = arith.index_cast %swap3A_1218 : i32 to index
      %swap3A_1220 = arith.constant 0 : index
      %swap3A_1221 = tpu.vector_load %arg6[%swap3A_1219, %swap3A_1220] {strides = array<i32>} : memref<128x16xf32, #tpu.memory_space<vmem>>, vector<1x16xf32>,
      %swap3A_1222 = vector.shape_cast %swap3A_1221 : vector<1x16xf32> to vector<16xf32>
      %swap3A_1223 = vector.shape_cast %broadcast_in_dim3A_1217 : vector<16xf32> to vector<1x16xf32>
      tpu.vector_store %arg6[%swap3A_1219, %swap3A_1220], %swap3A_1223 {strides = array<i32>} : memref<128x16xf32, #tpu.memory_space<vmem>>, vector<1x16xf32>,
      %broadcast_in_dim3A_1224 = arith.constant 0.000000e+00 : f32
      %broadcast_in_dim3A_1225 = vector.broadcast %broadcast_in_dim3A_1224 : f32 to vector<16xf32>
      %swap3A_1226 = arith.constant 28 : i32
      %swap3A_1227 = arith.index_cast %swap3A_1226 : i32 to index
      %swap3A_1228 = arith.constant 0 : index
      %swap3A_1229 = tpu.vector_load %arg6[%swap3A_1227, %swap3A_1228] {strides = array<i32>} : memref<128x16xf32, #tpu.memory_space<vmem>>, vector<1x16xf32>,
      %swap3A_1230 = vector.shape_cast %swap3A_1229 : vector<1x16xf32> to vector<16xf32>
      %swap3A_1231 = vector.shape_cast %broadcast_in_dim3A_1225 : vector<16xf32> to vector<1x16xf32>
      tpu.vector_store %arg6[%swap3A_1227, %swap3A_1228], %swap3A_1231 {strides = array<i32>} : memref<128x16xf32, #tpu.memory_space<vmem>>, vector<1x16xf32>,
      %broadcast_in_dim3A_1232 = arith.constant 0.000000e+00 : f32
      %broadcast_in_dim3A_1233 = vector.broadcast %broadcast_in_dim3A_1232 : f32 to vector<16xf32>
      %swap3A_1234 = arith.constant 29 : i32
      %swap3A_1235 = arith.index_cast %swap3A_1234 : i32 to index
      %swap3A_1236 = arith.constant 0 : index
      %swap3A_1237 = tpu.vector_load %arg6[%swap3A_1235, %swap3A_1236] {strides = array<i32>} : memref<128x16xf32, #tpu.memory_space<vmem>>, vector<1x16xf32>,
      %swap3A_1238 = vector.shape_cast %swap3A_1237 : vector<1x16xf32> to vector<16xf32>
      %swap3A_1239 = vector.shape_cast %broadcast_in_dim3A_1233 : vector<16xf32> to vector<1x16xf32>
      tpu.vector_store %arg6[%swap3A_1235, %swap3A_1236], %swap3A_1239 {strides = array<i32>} : memref<128x16xf32, #tpu.memory_space<vmem>>, vector<1x16xf32>,
      %broadcast_in_dim3A_1240 = arith.constant 0.000000e+00 : f32
      %broadcast_in_dim3A_1241 = vector.broadcast %broadcast_in_dim3A_1240 : f32 to vector<16xf32>
      %swap3A_1242 = arith.constant 30 : i32
      %swap3A_1243 = arith.index_cast %swap3A_1242 : i32 to index
      %swap3A_1244 = arith.constant 0 : index
      %swap3A_1245 = tpu.vector_load %arg6[%swap3A_1243, %swap3A_1244] {strides = array<i32>} : memref<128x16xf32, #tpu.memory_space<vmem>>, vector<1x16xf32>,
      %swap3A_1246 = vector.shape_cast %swap3A_1245 : vector<1x16xf32> to vector<16xf32>
      %swap3A_1247 = vector.shape_cast %broadcast_in_dim3A_1241 : vector<16xf32> to vector<1x16xf32>
      tpu.vector_store %arg6[%swap3A_1243, %swap3A_1244], %swap3A_1247 {strides = array<i32>} : memref<128x16xf32, #tpu.memory_space<vmem>>, vector<1x16xf32>,
      %broadcast_in_dim3A_1248 = arith.constant 0.000000e+00 : f32
      %broadcast_in_dim3A_1249 = vector.broadcast %broadcast_in_dim3A_1248 : f32 to vector<16xf32>
      %swap3A_1250 = arith.constant 31 : i32
      %swap3A_1251 = arith.index_cast %swap3A_1250 : i32 to index
      %swap3A_1252 = arith.constant 0 : index
      %swap3A_1253 = tpu.vector_load %arg6[%swap3A_1251, %swap3A_1252] {strides = array<i32>} : memref<128x16xf32, #tpu.memory_space<vmem>>, vector<1x16xf32>,
      %swap3A_1254 = vector.shape_cast %swap3A_1253 : vector<1x16xf32> to vector<16xf32>
      %swap3A_1255 = vector.shape_cast %broadcast_in_dim3A_1249 : vector<16xf32> to vector<1x16xf32>
      tpu.vector_store %arg6[%swap3A_1251, %swap3A_1252], %swap3A_1255 {strides = array<i32>} : memref<128x16xf32, #tpu.memory_space<vmem>>, vector<1x16xf32>,
      %broadcast_in_dim3A_1256 = arith.constant 0.000000e+00 : f32
      %broadcast_in_dim3A_1257 = vector.broadcast %broadcast_in_dim3A_1256 : f32 to vector<16xf32>
      %swap3A_1258 = arith.constant 32 : i32
      %swap3A_1259 = arith.index_cast %swap3A_1258 : i32 to index
      %swap3A_1260 = arith.constant 0 : index
      %swap3A_1261 = tpu.vector_load %arg6[%swap3A_1259, %swap3A_1260] {strides = array<i32>} : memref<128x16xf32, #tpu.memory_space<vmem>>, vector<1x16xf32>,
      %swap3A_1262 = vector.shape_cast %swap3A_1261 : vector<1x16xf32> to vector<16xf32>
      %swap3A_1263 = vector.shape_cast %broadcast_in_dim3A_1257 : vector<16xf32> to vector<1x16xf32>
      tpu.vector_store %arg6[%swap3A_1259, %swap3A_1260], %swap3A_1263 {strides = array<i32>} : memref<128x16xf32, #tpu.memory_space<vmem>>, vector<1x16xf32>,
      %broadcast_in_dim3A_1264 = arith.constant 0.000000e+00 : f32
      %broadcast_in_dim3A_1265 = vector.broadcast %broadcast_in_dim3A_1264 : f32 to vector<16xf32>
      %swap3A_1266 = arith.constant 33 : i32
      %swap3A_1267 = arith.index_cast %swap3A_1266 : i32 to index
      %swap3A_1268 = arith.constant 0 : index
      %swap3A_1269 = tpu.vector_load %arg6[%swap3A_1267, %swap3A_1268] {strides = array<i32>} : memref<128x16xf32, #tpu.memory_space<vmem>>, vector<1x16xf32>,
      %swap3A_1270 = vector.shape_cast %swap3A_1269 : vector<1x16xf32> to vector<16xf32>
      %swap3A_1271 = vector.shape_cast %broadcast_in_dim3A_1265 : vector<16xf32> to vector<1x16xf32>
      tpu.vector_store %arg6[%swap3A_1267, %swap3A_1268], %swap3A_1271 {strides = array<i32>} : memref<128x16xf32, #tpu.memory_space<vmem>>, vector<1x16xf32>,
      %broadcast_in_dim3A_1272 = arith.constant 0.000000e+00 : f32
      %broadcast_in_dim3A_1273 = vector.broadcast %broadcast_in_dim3A_1272 : f32 to vector<16xf32>
      %swap3A_1274 = arith.constant 34 : i32
      %swap3A_1275 = arith.index_cast %swap3A_1274 : i32 to index
      %swap3A_1276 = arith.constant 0 : index
      %swap3A_1277 = tpu.vector_load %arg6[%swap3A_1275, %swap3A_1276] {strides = array<i32>} : memref<128x16xf32, #tpu.memory_space<vmem>>, vector<1x16xf32>,
      %swap3A_1278 = vector.shape_cast %swap3A_1277 : vector<1x16xf32> to vector<16xf32>
      %swap3A_1279 = vector.shape_cast %broadcast_in_dim3A_1273 : vector<16xf32> to vector<1x16xf32>
      tpu.vector_store %arg6[%swap3A_1275, %swap3A_1276], %swap3A_1279 {strides = array<i32>} : memref<128x16xf32, #tpu.memory_space<vmem>>, vector<1x16xf32>,
      %broadcast_in_dim3A_1280 = arith.constant 0.000000e+00 : f32
      %broadcast_in_dim3A_1281 = vector.broadcast %broadcast_in_dim3A_1280 : f32 to vector<16xf32>
      %swap3A_1282 = arith.constant 35 : i32
      %swap3A_1283 = arith.index_cast %swap3A_1282 : i32 to index
      %swap3A_1284 = arith.constant 0 : index
      %swap3A_1285 = tpu.vector_load %arg6[%swap3A_1283, %swap3A_1284] {strides = array<i32>} : memref<128x16xf32, #tpu.memory_space<vmem>>, vector<1x16xf32>,
      %swap3A_1286 = vector.shape_cast %swap3A_1285 : vector<1x16xf32> to vector<16xf32>
      %swap3A_1287 = vector.shape_cast %broadcast_in_dim3A_1281 : vector<16xf32> to vector<1x16xf32>
      tpu.vector_store %arg6[%swap3A_1283, %swap3A_1284], %swap3A_1287 {strides = array<i32>} : memref<128x16xf32, #tpu.memory_space<vmem>>, vector<1x16xf32>,
      %broadcast_in_dim3A_1288 = arith.constant 0.000000e+00 : f32
      %broadcast_in_dim3A_1289 = vector.broadcast %broadcast_in_dim3A_1288 : f32 to vector<16xf32>
      %swap3A_1290 = arith.constant 36 : i32
      %swap3A_1291 = arith.index_cast %swap3A_1290 : i32 to index
      %swap3A_1292 = arith.constant 0 : index
      %swap3A_1293 = tpu.vector_load %arg6[%swap3A_1291, %swap3A_1292] {strides = array<i32>} : memref<128x16xf32, #tpu.memory_space<vmem>>, vector<1x16xf32>,
      %swap3A_1294 = vector.shape_cast %swap3A_1293 : vector<1x16xf32> to vector<16xf32>
      %swap3A_1295 = vector.shape_cast %broadcast_in_dim3A_1289 : vector<16xf32> to vector<1x16xf32>
      tpu.vector_store %arg6[%swap3A_1291, %swap3A_1292], %swap3A_1295 {strides = array<i32>} : memref<128x16xf32, #tpu.memory_space<vmem>>, vector<1x16xf32>,
      %broadcast_in_dim3A_1296 = arith.constant 0.000000e+00 : f32
      %broadcast_in_dim3A_1297 = vector.broadcast %broadcast_in_dim3A_1296 : f32 to vector<16xf32>
      %swap3A_1298 = arith.constant 37 : i32
      %swap3A_1299 = arith.index_cast %swap3A_1298 : i32 to index
      %swap3A_1300 = arith.constant 0 : index
      %swap3A_1301 = tpu.vector_load %arg6[%swap3A_1299, %swap3A_1300] {strides = array<i32>} : memref<128x16xf32, #tpu.memory_space<vmem>>, vector<1x16xf32>,
      %swap3A_1302 = vector.shape_cast %swap3A_1301 : vector<1x16xf32> to vector<16xf32>
      %swap3A_1303 = vector.shape_cast %broadcast_in_dim3A_1297 : vector<16xf32> to vector<1x16xf32>
      tpu.vector_store %arg6[%swap3A_1299, %swap3A_1300], %swap3A_1303 {strides = array<i32>} : memref<128x16xf32, #tpu.memory_space<vmem>>, vector<1x16xf32>,
      %broadcast_in_dim3A_1304 = arith.constant 0.000000e+00 : f32
      %broadcast_in_dim3A_1305 = vector.broadcast %broadcast_in_dim3A_1304 : f32 to vector<16xf32>
      %swap3A_1306 = arith.constant 38 : i32
      %swap3A_1307 = arith.index_cast %swap3A_1306 : i32 to index
      %swap3A_1308 = arith.constant 0 : index
      %swap3A_1309 = tpu.vector_load %arg6[%swap3A_1307, %swap3A_1308] {strides = array<i32>} : memref<128x16xf32, #tpu.memory_space<vmem>>, vector<1x16xf32>,
      %swap3A_1310 = vector.shape_cast %swap3A_1309 : vector<1x16xf32> to vector<16xf32>
      %swap3A_1311 = vector.shape_cast %broadcast_in_dim3A_1305 : vector<16xf32> to vector<1x16xf32>
      tpu.vector_store %arg6[%swap3A_1307, %swap3A_1308], %swap3A_1311 {strides = array<i32>} : memref<128x16xf32, #tpu.memory_space<vmem>>, vector<1x16xf32>,
      %broadcast_in_dim3A_1312 = arith.constant 0.000000e+00 : f32
      %broadcast_in_dim3A_1313 = vector.broadcast %broadcast_in_dim3A_1312 : f32 to vector<16xf32>
      %swap3A_1314 = arith.constant 39 : i32
      %swap3A_1315 = arith.index_cast %swap3A_1314 : i32 to index
      %swap3A_1316 = arith.constant 0 : index
      %swap3A_1317 = tpu.vector_load %arg6[%swap3A_1315, %swap3A_1316] {strides = array<i32>} : memref<128x16xf32, #tpu.memory_space<vmem>>, vector<1x16xf32>,
      %swap3A_1318 = vector.shape_cast %swap3A_1317 : vector<1x16xf32> to vector<16xf32>
      %swap3A_1319 = vector.shape_cast %broadcast_in_dim3A_1313 : vector<16xf32> to vector<1x16xf32>
      tpu.vector_store %arg6[%swap3A_1315, %swap3A_1316], %swap3A_1319 {strides = array<i32>} : memref<128x16xf32, #tpu.memory_space<vmem>>, vector<1x16xf32>,
      %broadcast_in_dim3A_1320 = arith.constant 0.000000e+00 : f32
      %broadcast_in_dim3A_1321 = vector.broadcast %broadcast_in_dim3A_1320 : f32 to vector<16xf32>
      %swap3A_1322 = arith.constant 40 : i32
      %swap3A_1323 = arith.index_cast %swap3A_1322 : i32 to index
      %swap3A_1324 = arith.constant 0 : index
      %swap3A_1325 = tpu.vector_load %arg6[%swap3A_1323, %swap3A_1324] {strides = array<i32>} : memref<128x16xf32, #tpu.memory_space<vmem>>, vector<1x16xf32>,
      %swap3A_1326 = vector.shape_cast %swap3A_1325 : vector<1x16xf32> to vector<16xf32>
      %swap3A_1327 = vector.shape_cast %broadcast_in_dim3A_1321 : vector<16xf32> to vector<1x16xf32>
      tpu.vector_store %arg6[%swap3A_1323, %swap3A_1324], %swap3A_1327 {strides = array<i32>} : memref<128x16xf32, #tpu.memory_space<vmem>>, vector<1x16xf32>,
      %broadcast_in_dim3A_1328 = arith.constant 0.000000e+00 : f32
      %broadcast_in_dim3A_1329 = vector.broadcast %broadcast_in_dim3A_1328 : f32 to vector<16xf32>
      %swap3A_1330 = arith.constant 41 : i32
      %swap3A_1331 = arith.index_cast %swap3A_1330 : i32 to index
      %swap3A_1332 = arith.constant 0 : index
      %swap3A_1333 = tpu.vector_load %arg6[%swap3A_1331, %swap3A_1332] {strides = array<i32>} : memref<128x16xf32, #tpu.memory_space<vmem>>, vector<1x16xf32>,
      %swap3A_1334 = vector.shape_cast %swap3A_1333 : vector<1x16xf32> to vector<16xf32>
      %swap3A_1335 = vector.shape_cast %broadcast_in_dim3A_1329 : vector<16xf32> to vector<1x16xf32>
      tpu.vector_store %arg6[%swap3A_1331, %swap3A_1332], %swap3A_1335 {strides = array<i32>} : memref<128x16xf32, #tpu.memory_space<vmem>>, vector<1x16xf32>,
      %broadcast_in_dim3A_1336 = arith.constant 0.000000e+00 : f32
      %broadcast_in_dim3A_1337 = vector.broadcast %broadcast_in_dim3A_1336 : f32 to vector<16xf32>
      %swap3A_1338 = arith.constant 42 : i32
      %swap3A_1339 = arith.index_cast %swap3A_1338 : i32 to index
      %swap3A_1340 = arith.constant 0 : index
      %swap3A_1341 = tpu.vector_load %arg6[%swap3A_1339, %swap3A_1340] {strides = array<i32>} : memref<128x16xf32, #tpu.memory_space<vmem>>, vector<1x16xf32>,
      %swap3A_1342 = vector.shape_cast %swap3A_1341 : vector<1x16xf32> to vector<16xf32>
      %swap3A_1343 = vector.shape_cast %broadcast_in_dim3A_1337 : vector<16xf32> to vector<1x16xf32>
      tpu.vector_store %arg6[%swap3A_1339, %swap3A_1340], %swap3A_1343 {strides = array<i32>} : memref<128x16xf32, #tpu.memory_space<vmem>>, vector<1x16xf32>,
      %broadcast_in_dim3A_1344 = arith.constant 0.000000e+00 : f32
      %broadcast_in_dim3A_1345 = vector.broadcast %broadcast_in_dim3A_1344 : f32 to vector<16xf32>
      %swap3A_1346 = arith.constant 43 : i32
      %swap3A_1347 = arith.index_cast %swap3A_1346 : i32 to index
      %swap3A_1348 = arith.constant 0 : index
      %swap3A_1349 = tpu.vector_load %arg6[%swap3A_1347, %swap3A_1348] {strides = array<i32>} : memref<128x16xf32, #tpu.memory_space<vmem>>, vector<1x16xf32>,
      %swap3A_1350 = vector.shape_cast %swap3A_1349 : vector<1x16xf32> to vector<16xf32>
      %swap3A_1351 = vector.shape_cast %broadcast_in_dim3A_1345 : vector<16xf32> to vector<1x16xf32>
      tpu.vector_store %arg6[%swap3A_1347, %swap3A_1348], %swap3A_1351 {strides = array<i32>} : memref<128x16xf32, #tpu.memory_space<vmem>>, vector<1x16xf32>,
      %broadcast_in_dim3A_1352 = arith.constant 0.000000e+00 : f32
      %broadcast_in_dim3A_1353 = vector.broadcast %broadcast_in_dim3A_1352 : f32 to vector<16xf32>
      %swap3A_1354 = arith.constant 44 : i32
      %swap3A_1355 = arith.index_cast %swap3A_1354 : i32 to index
      %swap3A_1356 = arith.constant 0 : index
      %swap3A_1357 = tpu.vector_load %arg6[%swap3A_1355, %swap3A_1356] {strides = array<i32>} : memref<128x16xf32, #tpu.memory_space<vmem>>, vector<1x16xf32>,
      %swap3A_1358 = vector.shape_cast %swap3A_1357 : vector<1x16xf32> to vector<16xf32>
      %swap3A_1359 = vector.shape_cast %broadcast_in_dim3A_1353 : vector<16xf32> to vector<1x16xf32>
      tpu.vector_store %arg6[%swap3A_1355, %swap3A_1356], %swap3A_1359 {strides = array<i32>} : memref<128x16xf32, #tpu.memory_space<vmem>>, vector<1x16xf32>,
      %broadcast_in_dim3A_1360 = arith.constant 0.000000e+00 : f32
      %broadcast_in_dim3A_1361 = vector.broadcast %broadcast_in_dim3A_1360 : f32 to vector<16xf32>
      %swap3A_1362 = arith.constant 45 : i32
      %swap3A_1363 = arith.index_cast %swap3A_1362 : i32 to index
      %swap3A_1364 = arith.constant 0 : index
      %swap3A_1365 = tpu.vector_load %arg6[%swap3A_1363, %swap3A_1364] {strides = array<i32>} : memref<128x16xf32, #tpu.memory_space<vmem>>, vector<1x16xf32>,
      %swap3A_1366 = vector.shape_cast %swap3A_1365 : vector<1x16xf32> to vector<16xf32>
      %swap3A_1367 = vector.shape_cast %broadcast_in_dim3A_1361 : vector<16xf32> to vector<1x16xf32>
      tpu.vector_store %arg6[%swap3A_1363, %swap3A_1364], %swap3A_1367 {strides = array<i32>} : memref<128x16xf32, #tpu.memory_space<vmem>>, vector<1x16xf32>,
      %broadcast_in_dim3A_1368 = arith.constant 0.000000e+00 : f32
      %broadcast_in_dim3A_1369 = vector.broadcast %broadcast_in_dim3A_1368 : f32 to vector<16xf32>
      %swap3A_1370 = arith.constant 46 : i32
      %swap3A_1371 = arith.index_cast %swap3A_1370 : i32 to index
      %swap3A_1372 = arith.constant 0 : index
      %swap3A_1373 = tpu.vector_load %arg6[%swap3A_1371, %swap3A_1372] {strides = array<i32>} : memref<128x16xf32, #tpu.memory_space<vmem>>, vector<1x16xf32>,
      %swap3A_1374 = vector.shape_cast %swap3A_1373 : vector<1x16xf32> to vector<16xf32>
      %swap3A_1375 = vector.shape_cast %broadcast_in_dim3A_1369 : vector<16xf32> to vector<1x16xf32>
      tpu.vector_store %arg6[%swap3A_1371, %swap3A_1372], %swap3A_1375 {strides = array<i32>} : memref<128x16xf32, #tpu.memory_space<vmem>>, vector<1x16xf32>,
      %broadcast_in_dim3A_1376 = arith.constant 0.000000e+00 : f32
      %broadcast_in_dim3A_1377 = vector.broadcast %broadcast_in_dim3A_1376 : f32 to vector<16xf32>
      %swap3A_1378 = arith.constant 47 : i32
      %swap3A_1379 = arith.index_cast %swap3A_1378 : i32 to index
      %swap3A_1380 = arith.constant 0 : index
      %swap3A_1381 = tpu.vector_load %arg6[%swap3A_1379, %swap3A_1380] {strides = array<i32>} : memref<128x16xf32, #tpu.memory_space<vmem>>, vector<1x16xf32>,
      %swap3A_1382 = vector.shape_cast %swap3A_1381 : vector<1x16xf32> to vector<16xf32>
      %swap3A_1383 = vector.shape_cast %broadcast_in_dim3A_1377 : vector<16xf32> to vector<1x16xf32>
      tpu.vector_store %arg6[%swap3A_1379, %swap3A_1380], %swap3A_1383 {strides = array<i32>} : memref<128x16xf32, #tpu.memory_space<vmem>>, vector<1x16xf32>,
      %broadcast_in_dim3A_1384 = arith.constant 0.000000e+00 : f32
      %broadcast_in_dim3A_1385 = vector.broadcast %broadcast_in_dim3A_1384 : f32 to vector<16xf32>
      %swap3A_1386 = arith.constant 48 : i32
      %swap3A_1387 = arith.index_cast %swap3A_1386 : i32 to index
      %swap3A_1388 = arith.constant 0 : index
      %swap3A_1389 = tpu.vector_load %arg6[%swap3A_1387, %swap3A_1388] {strides = array<i32>} : memref<128x16xf32, #tpu.memory_space<vmem>>, vector<1x16xf32>,
      %swap3A_1390 = vector.shape_cast %swap3A_1389 : vector<1x16xf32> to vector<16xf32>
      %swap3A_1391 = vector.shape_cast %broadcast_in_dim3A_1385 : vector<16xf32> to vector<1x16xf32>
      tpu.vector_store %arg6[%swap3A_1387, %swap3A_1388], %swap3A_1391 {strides = array<i32>} : memref<128x16xf32, #tpu.memory_space<vmem>>, vector<1x16xf32>,
      %broadcast_in_dim3A_1392 = arith.constant 0.000000e+00 : f32
      %broadcast_in_dim3A_1393 = vector.broadcast %broadcast_in_dim3A_1392 : f32 to vector<16xf32>
      %swap3A_1394 = arith.constant 49 : i32
      %swap3A_1395 = arith.index_cast %swap3A_1394 : i32 to index
      %swap3A_1396 = arith.constant 0 : index
      %swap3A_1397 = tpu.vector_load %arg6[%swap3A_1395, %swap3A_1396] {strides = array<i32>} : memref<128x16xf32, #tpu.memory_space<vmem>>, vector<1x16xf32>,
      %swap3A_1398 = vector.shape_cast %swap3A_1397 : vector<1x16xf32> to vector<16xf32>
      %swap3A_1399 = vector.shape_cast %broadcast_in_dim3A_1393 : vector<16xf32> to vector<1x16xf32>
      tpu.vector_store %arg6[%swap3A_1395, %swap3A_1396], %swap3A_1399 {strides = array<i32>} : memref<128x16xf32, #tpu.memory_space<vmem>>, vector<1x16xf32>,
      %broadcast_in_dim3A_1400 = arith.constant 0.000000e+00 : f32
      %broadcast_in_dim3A_1401 = vector.broadcast %broadcast_in_dim3A_1400 : f32 to vector<16xf32>
      %swap3A_1402 = arith.constant 50 : i32
      %swap3A_1403 = arith.index_cast %swap3A_1402 : i32 to index
      %swap3A_1404 = arith.constant 0 : index
      %swap3A_1405 = tpu.vector_load %arg6[%swap3A_1403, %swap3A_1404] {strides = array<i32>} : memref<128x16xf32, #tpu.memory_space<vmem>>, vector<1x16xf32>,
      %swap3A_1406 = vector.shape_cast %swap3A_1405 : vector<1x16xf32> to vector<16xf32>
      %swap3A_1407 = vector.shape_cast %broadcast_in_dim3A_1401 : vector<16xf32> to vector<1x16xf32>
      tpu.vector_store %arg6[%swap3A_1403, %swap3A_1404], %swap3A_1407 {strides = array<i32>} : memref<128x16xf32, #tpu.memory_space<vmem>>, vector<1x16xf32>,
      %broadcast_in_dim3A_1408 = arith.constant 0.000000e+00 : f32
      %broadcast_in_dim3A_1409 = vector.broadcast %broadcast_in_dim3A_1408 : f32 to vector<16xf32>
      %swap3A_1410 = arith.constant 51 : i32
      %swap3A_1411 = arith.index_cast %swap3A_1410 : i32 to index
      %swap3A_1412 = arith.constant 0 : index
      %swap3A_1413 = tpu.vector_load %arg6[%swap3A_1411, %swap3A_1412] {strides = array<i32>} : memref<128x16xf32, #tpu.memory_space<vmem>>, vector<1x16xf32>,
      %swap3A_1414 = vector.shape_cast %swap3A_1413 : vector<1x16xf32> to vector<16xf32>
      %swap3A_1415 = vector.shape_cast %broadcast_in_dim3A_1409 : vector<16xf32> to vector<1x16xf32>
      tpu.vector_store %arg6[%swap3A_1411, %swap3A_1412], %swap3A_1415 {strides = array<i32>} : memref<128x16xf32, #tpu.memory_space<vmem>>, vector<1x16xf32>,
      %broadcast_in_dim3A_1416 = arith.constant 0.000000e+00 : f32
      %broadcast_in_dim3A_1417 = vector.broadcast %broadcast_in_dim3A_1416 : f32 to vector<16xf32>
      %swap3A_1418 = arith.constant 52 : i32
      %swap3A_1419 = arith.index_cast %swap3A_1418 : i32 to index
      %swap3A_1420 = arith.constant 0 : index
      %swap3A_1421 = tpu.vector_load %arg6[%swap3A_1419, %swap3A_1420] {strides = array<i32>} : memref<128x16xf32, #tpu.memory_space<vmem>>, vector<1x16xf32>,
      %swap3A_1422 = vector.shape_cast %swap3A_1421 : vector<1x16xf32> to vector<16xf32>
      %swap3A_1423 = vector.shape_cast %broadcast_in_dim3A_1417 : vector<16xf32> to vector<1x16xf32>
      tpu.vector_store %arg6[%swap3A_1419, %swap3A_1420], %swap3A_1423 {strides = array<i32>} : memref<128x16xf32, #tpu.memory_space<vmem>>, vector<1x16xf32>,
      %broadcast_in_dim3A_1424 = arith.constant 0.000000e+00 : f32
      %broadcast_in_dim3A_1425 = vector.broadcast %broadcast_in_dim3A_1424 : f32 to vector<16xf32>
      %swap3A_1426 = arith.constant 53 : i32
      %swap3A_1427 = arith.index_cast %swap3A_1426 : i32 to index
      %swap3A_1428 = arith.constant 0 : index
      %swap3A_1429 = tpu.vector_load %arg6[%swap3A_1427, %swap3A_1428] {strides = array<i32>} : memref<128x16xf32, #tpu.memory_space<vmem>>, vector<1x16xf32>,
      %swap3A_1430 = vector.shape_cast %swap3A_1429 : vector<1x16xf32> to vector<16xf32>
      %swap3A_1431 = vector.shape_cast %broadcast_in_dim3A_1425 : vector<16xf32> to vector<1x16xf32>
      tpu.vector_store %arg6[%swap3A_1427, %swap3A_1428], %swap3A_1431 {strides = array<i32>} : memref<128x16xf32, #tpu.memory_space<vmem>>, vector<1x16xf32>,
      %broadcast_in_dim3A_1432 = arith.constant 0.000000e+00 : f32
      %broadcast_in_dim3A_1433 = vector.broadcast %broadcast_in_dim3A_1432 : f32 to vector<16xf32>
      %swap3A_1434 = arith.constant 54 : i32
      %swap3A_1435 = arith.index_cast %swap3A_1434 : i32 to index
      %swap3A_1436 = arith.constant 0 : index
      %swap3A_1437 = tpu.vector_load %arg6[%swap3A_1435, %swap3A_1436] {strides = array<i32>} : memref<128x16xf32, #tpu.memory_space<vmem>>, vector<1x16xf32>,
      %swap3A_1438 = vector.shape_cast %swap3A_1437 : vector<1x16xf32> to vector<16xf32>
      %swap3A_1439 = vector.shape_cast %broadcast_in_dim3A_1433 : vector<16xf32> to vector<1x16xf32>
      tpu.vector_store %arg6[%swap3A_1435, %swap3A_1436], %swap3A_1439 {strides = array<i32>} : memref<128x16xf32, #tpu.memory_space<vmem>>, vector<1x16xf32>,
      %broadcast_in_dim3A_1440 = arith.constant 0.000000e+00 : f32
      %broadcast_in_dim3A_1441 = vector.broadcast %broadcast_in_dim3A_1440 : f32 to vector<16xf32>
      %swap3A_1442 = arith.constant 55 : i32
      %swap3A_1443 = arith.index_cast %swap3A_1442 : i32 to index
      %swap3A_1444 = arith.constant 0 : index
      %swap3A_1445 = tpu.vector_load %arg6[%swap3A_1443, %swap3A_1444] {strides = array<i32>} : memref<128x16xf32, #tpu.memory_space<vmem>>, vector<1x16xf32>,
      %swap3A_1446 = vector.shape_cast %swap3A_1445 : vector<1x16xf32> to vector<16xf32>
      %swap3A_1447 = vector.shape_cast %broadcast_in_dim3A_1441 : vector<16xf32> to vector<1x16xf32>
      tpu.vector_store %arg6[%swap3A_1443, %swap3A_1444], %swap3A_1447 {strides = array<i32>} : memref<128x16xf32, #tpu.memory_space<vmem>>, vector<1x16xf32>,
      %broadcast_in_dim3A_1448 = arith.constant 0.000000e+00 : f32
      %broadcast_in_dim3A_1449 = vector.broadcast %broadcast_in_dim3A_1448 : f32 to vector<16xf32>
      %swap3A_1450 = arith.constant 56 : i32
      %swap3A_1451 = arith.index_cast %swap3A_1450 : i32 to index
      %swap3A_1452 = arith.constant 0 : index
      %swap3A_1453 = tpu.vector_load %arg6[%swap3A_1451, %swap3A_1452] {strides = array<i32>} : memref<128x16xf32, #tpu.memory_space<vmem>>, vector<1x16xf32>,
      %swap3A_1454 = vector.shape_cast %swap3A_1453 : vector<1x16xf32> to vector<16xf32>
      %swap3A_1455 = vector.shape_cast %broadcast_in_dim3A_1449 : vector<16xf32> to vector<1x16xf32>
      tpu.vector_store %arg6[%swap3A_1451, %swap3A_1452], %swap3A_1455 {strides = array<i32>} : memref<128x16xf32, #tpu.memory_space<vmem>>, vector<1x16xf32>,
      %broadcast_in_dim3A_1456 = arith.constant 0.000000e+00 : f32
      %broadcast_in_dim3A_1457 = vector.broadcast %broadcast_in_dim3A_1456 : f32 to vector<16xf32>
      %swap3A_1458 = arith.constant 57 : i32
      %swap3A_1459 = arith.index_cast %swap3A_1458 : i32 to index
      %swap3A_1460 = arith.constant 0 : index
      %swap3A_1461 = tpu.vector_load %arg6[%swap3A_1459, %swap3A_1460] {strides = array<i32>} : memref<128x16xf32, #tpu.memory_space<vmem>>, vector<1x16xf32>,
      %swap3A_1462 = vector.shape_cast %swap3A_1461 : vector<1x16xf32> to vector<16xf32>
      %swap3A_1463 = vector.shape_cast %broadcast_in_dim3A_1457 : vector<16xf32> to vector<1x16xf32>
      tpu.vector_store %arg6[%swap3A_1459, %swap3A_1460], %swap3A_1463 {strides = array<i32>} : memref<128x16xf32, #tpu.memory_space<vmem>>, vector<1x16xf32>,
      %broadcast_in_dim3A_1464 = arith.constant 0.000000e+00 : f32
      %broadcast_in_dim3A_1465 = vector.broadcast %broadcast_in_dim3A_1464 : f32 to vector<16xf32>
      %swap3A_1466 = arith.constant 58 : i32
      %swap3A_1467 = arith.index_cast %swap3A_1466 : i32 to index
      %swap3A_1468 = arith.constant 0 : index
      %swap3A_1469 = tpu.vector_load %arg6[%swap3A_1467, %swap3A_1468] {strides = array<i32>} : memref<128x16xf32, #tpu.memory_space<vmem>>, vector<1x16xf32>,
      %swap3A_1470 = vector.shape_cast %swap3A_1469 : vector<1x16xf32> to vector<16xf32>
      %swap3A_1471 = vector.shape_cast %broadcast_in_dim3A_1465 : vector<16xf32> to vector<1x16xf32>
      tpu.vector_store %arg6[%swap3A_1467, %swap3A_1468], %swap3A_1471 {strides = array<i32>} : memref<128x16xf32, #tpu.memory_space<vmem>>, vector<1x16xf32>,
      %broadcast_in_dim3A_1472 = arith.constant 0.000000e+00 : f32
      %broadcast_in_dim3A_1473 = vector.broadcast %broadcast_in_dim3A_1472 : f32 to vector<16xf32>
      %swap3A_1474 = arith.constant 59 : i32
      %swap3A_1475 = arith.index_cast %swap3A_1474 : i32 to index
      %swap3A_1476 = arith.constant 0 : index
      %swap3A_1477 = tpu.vector_load %arg6[%swap3A_1475, %swap3A_1476] {strides = array<i32>} : memref<128x16xf32, #tpu.memory_space<vmem>>, vector<1x16xf32>,
      %swap3A_1478 = vector.shape_cast %swap3A_1477 : vector<1x16xf32> to vector<16xf32>
      %swap3A_1479 = vector.shape_cast %broadcast_in_dim3A_1473 : vector<16xf32> to vector<1x16xf32>
      tpu.vector_store %arg6[%swap3A_1475, %swap3A_1476], %swap3A_1479 {strides = array<i32>} : memref<128x16xf32, #tpu.memory_space<vmem>>, vector<1x16xf32>,
      %broadcast_in_dim3A_1480 = arith.constant 0.000000e+00 : f32
      %broadcast_in_dim3A_1481 = vector.broadcast %broadcast_in_dim3A_1480 : f32 to vector<16xf32>
      %swap3A_1482 = arith.constant 60 : i32
      %swap3A_1483 = arith.index_cast %swap3A_1482 : i32 to index
      %swap3A_1484 = arith.constant 0 : index
      %swap3A_1485 = tpu.vector_load %arg6[%swap3A_1483, %swap3A_1484] {strides = array<i32>} : memref<128x16xf32, #tpu.memory_space<vmem>>, vector<1x16xf32>,
      %swap3A_1486 = vector.shape_cast %swap3A_1485 : vector<1x16xf32> to vector<16xf32>
      %swap3A_1487 = vector.shape_cast %broadcast_in_dim3A_1481 : vector<16xf32> to vector<1x16xf32>
      tpu.vector_store %arg6[%swap3A_1483, %swap3A_1484], %swap3A_1487 {strides = array<i32>} : memref<128x16xf32, #tpu.memory_space<vmem>>, vector<1x16xf32>,
      %broadcast_in_dim3A_1488 = arith.constant 0.000000e+00 : f32
      %broadcast_in_dim3A_1489 = vector.broadcast %broadcast_in_dim3A_1488 : f32 to vector<16xf32>
      %swap3A_1490 = arith.constant 61 : i32
      %swap3A_1491 = arith.index_cast %swap3A_1490 : i32 to index
      %swap3A_1492 = arith.constant 0 : index
      %swap3A_1493 = tpu.vector_load %arg6[%swap3A_1491, %swap3A_1492] {strides = array<i32>} : memref<128x16xf32, #tpu.memory_space<vmem>>, vector<1x16xf32>,
      %swap3A_1494 = vector.shape_cast %swap3A_1493 : vector<1x16xf32> to vector<16xf32>
      %swap3A_1495 = vector.shape_cast %broadcast_in_dim3A_1489 : vector<16xf32> to vector<1x16xf32>
      tpu.vector_store %arg6[%swap3A_1491, %swap3A_1492], %swap3A_1495 {strides = array<i32>} : memref<128x16xf32, #tpu.memory_space<vmem>>, vector<1x16xf32>,
      %broadcast_in_dim3A_1496 = arith.constant 0.000000e+00 : f32
      %broadcast_in_dim3A_1497 = vector.broadcast %broadcast_in_dim3A_1496 : f32 to vector<16xf32>
      %swap3A_1498 = arith.constant 62 : i32
      %swap3A_1499 = arith.index_cast %swap3A_1498 : i32 to index
      %swap3A_1500 = arith.constant 0 : index
      %swap3A_1501 = tpu.vector_load %arg6[%swap3A_1499, %swap3A_1500] {strides = array<i32>} : memref<128x16xf32, #tpu.memory_space<vmem>>, vector<1x16xf32>,
      %swap3A_1502 = vector.shape_cast %swap3A_1501 : vector<1x16xf32> to vector<16xf32>
      %swap3A_1503 = vector.shape_cast %broadcast_in_dim3A_1497 : vector<16xf32> to vector<1x16xf32>
      tpu.vector_store %arg6[%swap3A_1499, %swap3A_1500], %swap3A_1503 {strides = array<i32>} : memref<128x16xf32, #tpu.memory_space<vmem>>, vector<1x16xf32>,
      %broadcast_in_dim3A_1504 = arith.constant 0.000000e+00 : f32
      %broadcast_in_dim3A_1505 = vector.broadcast %broadcast_in_dim3A_1504 : f32 to vector<16xf32>
      %swap3A_1506 = arith.constant 63 : i32
      %swap3A_1507 = arith.index_cast %swap3A_1506 : i32 to index
      %swap3A_1508 = arith.constant 0 : index
      %swap3A_1509 = tpu.vector_load %arg6[%swap3A_1507, %swap3A_1508] {strides = array<i32>} : memref<128x16xf32, #tpu.memory_space<vmem>>, vector<1x16xf32>,
      %swap3A_1510 = vector.shape_cast %swap3A_1509 : vector<1x16xf32> to vector<16xf32>
      %swap3A_1511 = vector.shape_cast %broadcast_in_dim3A_1505 : vector<16xf32> to vector<1x16xf32>
      tpu.vector_store %arg6[%swap3A_1507, %swap3A_1508], %swap3A_1511 {strides = array<i32>} : memref<128x16xf32, #tpu.memory_space<vmem>>, vector<1x16xf32>,
      %broadcast_in_dim3A_1512 = arith.constant 0.000000e+00 : f32
      %broadcast_in_dim3A_1513 = vector.broadcast %broadcast_in_dim3A_1512 : f32 to vector<16xf32>
      %swap3A_1514 = arith.constant 64 : i32
      %swap3A_1515 = arith.index_cast %swap3A_1514 : i32 to index
      %swap3A_1516 = arith.constant 0 : index
      %swap3A_1517 = tpu.vector_load %arg6[%swap3A_1515, %swap3A_1516] {strides = array<i32>} : memref<128x16xf32, #tpu.memory_space<vmem>>, vector<1x16xf32>,
      %swap3A_1518 = vector.shape_cast %swap3A_1517 : vector<1x16xf32> to vector<16xf32>
      %swap3A_1519 = vector.shape_cast %broadcast_in_dim3A_1513 : vector<16xf32> to vector<1x16xf32>
      tpu.vector_store %arg6[%swap3A_1515, %swap3A_1516], %swap3A_1519 {strides = array<i32>} : memref<128x16xf32, #tpu.memory_space<vmem>>, vector<1x16xf32>,
      %broadcast_in_dim3A_1520 = arith.constant 0.000000e+00 : f32
      %broadcast_in_dim3A_1521 = vector.broadcast %broadcast_in_dim3A_1520 : f32 to vector<16xf32>
      %swap3A_1522 = arith.constant 65 : i32
      %swap3A_1523 = arith.index_cast %swap3A_1522 : i32 to index
      %swap3A_1524 = arith.constant 0 : index
      %swap3A_1525 = tpu.vector_load %arg6[%swap3A_1523, %swap3A_1524] {strides = array<i32>} : memref<128x16xf32, #tpu.memory_space<vmem>>, vector<1x16xf32>,
      %swap3A_1526 = vector.shape_cast %swap3A_1525 : vector<1x16xf32> to vector<16xf32>
      %swap3A_1527 = vector.shape_cast %broadcast_in_dim3A_1521 : vector<16xf32> to vector<1x16xf32>
      tpu.vector_store %arg6[%swap3A_1523, %swap3A_1524], %swap3A_1527 {strides = array<i32>} : memref<128x16xf32, #tpu.memory_space<vmem>>, vector<1x16xf32>,
      %broadcast_in_dim3A_1528 = arith.constant 0.000000e+00 : f32
      %broadcast_in_dim3A_1529 = vector.broadcast %broadcast_in_dim3A_1528 : f32 to vector<16xf32>
      %swap3A_1530 = arith.constant 66 : i32
      %swap3A_1531 = arith.index_cast %swap3A_1530 : i32 to index
      %swap3A_1532 = arith.constant 0 : index
      %swap3A_1533 = tpu.vector_load %arg6[%swap3A_1531, %swap3A_1532] {strides = array<i32>} : memref<128x16xf32, #tpu.memory_space<vmem>>, vector<1x16xf32>,
      %swap3A_1534 = vector.shape_cast %swap3A_1533 : vector<1x16xf32> to vector<16xf32>
      %swap3A_1535 = vector.shape_cast %broadcast_in_dim3A_1529 : vector<16xf32> to vector<1x16xf32>
      tpu.vector_store %arg6[%swap3A_1531, %swap3A_1532], %swap3A_1535 {strides = array<i32>} : memref<128x16xf32, #tpu.memory_space<vmem>>, vector<1x16xf32>,
      %broadcast_in_dim3A_1536 = arith.constant 0.000000e+00 : f32
      %broadcast_in_dim3A_1537 = vector.broadcast %broadcast_in_dim3A_1536 : f32 to vector<16xf32>
      %swap3A_1538 = arith.constant 67 : i32
      %swap3A_1539 = arith.index_cast %swap3A_1538 : i32 to index
      %swap3A_1540 = arith.constant 0 : index
      %swap3A_1541 = tpu.vector_load %arg6[%swap3A_1539, %swap3A_1540] {strides = array<i32>} : memref<128x16xf32, #tpu.memory_space<vmem>>, vector<1x16xf32>,
      %swap3A_1542 = vector.shape_cast %swap3A_1541 : vector<1x16xf32> to vector<16xf32>
      %swap3A_1543 = vector.shape_cast %broadcast_in_dim3A_1537 : vector<16xf32> to vector<1x16xf32>
      tpu.vector_store %arg6[%swap3A_1539, %swap3A_1540], %swap3A_1543 {strides = array<i32>} : memref<128x16xf32, #tpu.memory_space<vmem>>, vector<1x16xf32>,
      %broadcast_in_dim3A_1544 = arith.constant 0.000000e+00 : f32
      %broadcast_in_dim3A_1545 = vector.broadcast %broadcast_in_dim3A_1544 : f32 to vector<16xf32>
      %swap3A_1546 = arith.constant 68 : i32
      %swap3A_1547 = arith.index_cast %swap3A_1546 : i32 to index
      %swap3A_1548 = arith.constant 0 : index
      %swap3A_1549 = tpu.vector_load %arg6[%swap3A_1547, %swap3A_1548] {strides = array<i32>} : memref<128x16xf32, #tpu.memory_space<vmem>>, vector<1x16xf32>,
      %swap3A_1550 = vector.shape_cast %swap3A_1549 : vector<1x16xf32> to vector<16xf32>
      %swap3A_1551 = vector.shape_cast %broadcast_in_dim3A_1545 : vector<16xf32> to vector<1x16xf32>
      tpu.vector_store %arg6[%swap3A_1547, %swap3A_1548], %swap3A_1551 {strides = array<i32>} : memref<128x16xf32, #tpu.memory_space<vmem>>, vector<1x16xf32>,
      %broadcast_in_dim3A_1552 = arith.constant 0.000000e+00 : f32
      %broadcast_in_dim3A_1553 = vector.broadcast %broadcast_in_dim3A_1552 : f32 to vector<16xf32>
      %swap3A_1554 = arith.constant 69 : i32
      %swap3A_1555 = arith.index_cast %swap3A_1554 : i32 to index
      %swap3A_1556 = arith.constant 0 : index
      %swap3A_1557 = tpu.vector_load %arg6[%swap3A_1555, %swap3A_1556] {strides = array<i32>} : memref<128x16xf32, #tpu.memory_space<vmem>>, vector<1x16xf32>,
      %swap3A_1558 = vector.shape_cast %swap3A_1557 : vector<1x16xf32> to vector<16xf32>
      %swap3A_1559 = vector.shape_cast %broadcast_in_dim3A_1553 : vector<16xf32> to vector<1x16xf32>
      tpu.vector_store %arg6[%swap3A_1555, %swap3A_1556], %swap3A_1559 {strides = array<i32>} : memref<128x16xf32, #tpu.memory_space<vmem>>, vector<1x16xf32>,
      %broadcast_in_dim3A_1560 = arith.constant 0.000000e+00 : f32
      %broadcast_in_dim3A_1561 = vector.broadcast %broadcast_in_dim3A_1560 : f32 to vector<16xf32>
      %swap3A_1562 = arith.constant 70 : i32
      %swap3A_1563 = arith.index_cast %swap3A_1562 : i32 to index
      %swap3A_1564 = arith.constant 0 : index
      %swap3A_1565 = tpu.vector_load %arg6[%swap3A_1563, %swap3A_1564] {strides = array<i32>} : memref<128x16xf32, #tpu.memory_space<vmem>>, vector<1x16xf32>,
      %swap3A_1566 = vector.shape_cast %swap3A_1565 : vector<1x16xf32> to vector<16xf32>
      %swap3A_1567 = vector.shape_cast %broadcast_in_dim3A_1561 : vector<16xf32> to vector<1x16xf32>
      tpu.vector_store %arg6[%swap3A_1563, %swap3A_1564], %swap3A_1567 {strides = array<i32>} : memref<128x16xf32, #tpu.memory_space<vmem>>, vector<1x16xf32>,
      %broadcast_in_dim3A_1568 = arith.constant 0.000000e+00 : f32
      %broadcast_in_dim3A_1569 = vector.broadcast %broadcast_in_dim3A_1568 : f32 to vector<16xf32>
      %swap3A_1570 = arith.constant 71 : i32
      %swap3A_1571 = arith.index_cast %swap3A_1570 : i32 to index
      %swap3A_1572 = arith.constant 0 : index
      %swap3A_1573 = tpu.vector_load %arg6[%swap3A_1571, %swap3A_1572] {strides = array<i32>} : memref<128x16xf32, #tpu.memory_space<vmem>>, vector<1x16xf32>,
      %swap3A_1574 = vector.shape_cast %swap3A_1573 : vector<1x16xf32> to vector<16xf32>
      %swap3A_1575 = vector.shape_cast %broadcast_in_dim3A_1569 : vector<16xf32> to vector<1x16xf32>
      tpu.vector_store %arg6[%swap3A_1571, %swap3A_1572], %swap3A_1575 {strides = array<i32>} : memref<128x16xf32, #tpu.memory_space<vmem>>, vector<1x16xf32>,
      %broadcast_in_dim3A_1576 = arith.constant 0.000000e+00 : f32
      %broadcast_in_dim3A_1577 = vector.broadcast %broadcast_in_dim3A_1576 : f32 to vector<16xf32>
      %swap3A_1578 = arith.constant 72 : i32
      %swap3A_1579 = arith.index_cast %swap3A_1578 : i32 to index
      %swap3A_1580 = arith.constant 0 : index
      %swap3A_1581 = tpu.vector_load %arg6[%swap3A_1579, %swap3A_1580] {strides = array<i32>} : memref<128x16xf32, #tpu.memory_space<vmem>>, vector<1x16xf32>,
      %swap3A_1582 = vector.shape_cast %swap3A_1581 : vector<1x16xf32> to vector<16xf32>
      %swap3A_1583 = vector.shape_cast %broadcast_in_dim3A_1577 : vector<16xf32> to vector<1x16xf32>
      tpu.vector_store %arg6[%swap3A_1579, %swap3A_1580], %swap3A_1583 {strides = array<i32>} : memref<128x16xf32, #tpu.memory_space<vmem>>, vector<1x16xf32>,
      %broadcast_in_dim3A_1584 = arith.constant 0.000000e+00 : f32
      %broadcast_in_dim3A_1585 = vector.broadcast %broadcast_in_dim3A_1584 : f32 to vector<16xf32>
      %swap3A_1586 = arith.constant 73 : i32
      %swap3A_1587 = arith.index_cast %swap3A_1586 : i32 to index
      %swap3A_1588 = arith.constant 0 : index
      %swap3A_1589 = tpu.vector_load %arg6[%swap3A_1587, %swap3A_1588] {strides = array<i32>} : memref<128x16xf32, #tpu.memory_space<vmem>>, vector<1x16xf32>,
      %swap3A_1590 = vector.shape_cast %swap3A_1589 : vector<1x16xf32> to vector<16xf32>
      %swap3A_1591 = vector.shape_cast %broadcast_in_dim3A_1585 : vector<16xf32> to vector<1x16xf32>
      tpu.vector_store %arg6[%swap3A_1587, %swap3A_1588], %swap3A_1591 {strides = array<i32>} : memref<128x16xf32, #tpu.memory_space<vmem>>, vector<1x16xf32>,
      %broadcast_in_dim3A_1592 = arith.constant 0.000000e+00 : f32
      %broadcast_in_dim3A_1593 = vector.broadcast %broadcast_in_dim3A_1592 : f32 to vector<16xf32>
      %swap3A_1594 = arith.constant 74 : i32
      %swap3A_1595 = arith.index_cast %swap3A_1594 : i32 to index
      %swap3A_1596 = arith.constant 0 : index
      %swap3A_1597 = tpu.vector_load %arg6[%swap3A_1595, %swap3A_1596] {strides = array<i32>} : memref<128x16xf32, #tpu.memory_space<vmem>>, vector<1x16xf32>,
      %swap3A_1598 = vector.shape_cast %swap3A_1597 : vector<1x16xf32> to vector<16xf32>
      %swap3A_1599 = vector.shape_cast %broadcast_in_dim3A_1593 : vector<16xf32> to vector<1x16xf32>
      tpu.vector_store %arg6[%swap3A_1595, %swap3A_1596], %swap3A_1599 {strides = array<i32>} : memref<128x16xf32, #tpu.memory_space<vmem>>, vector<1x16xf32>,
      %broadcast_in_dim3A_1600 = arith.constant 0.000000e+00 : f32
      %broadcast_in_dim3A_1601 = vector.broadcast %broadcast_in_dim3A_1600 : f32 to vector<16xf32>
      %swap3A_1602 = arith.constant 75 : i32
      %swap3A_1603 = arith.index_cast %swap3A_1602 : i32 to index
      %swap3A_1604 = arith.constant 0 : index
      %swap3A_1605 = tpu.vector_load %arg6[%swap3A_1603, %swap3A_1604] {strides = array<i32>} : memref<128x16xf32, #tpu.memory_space<vmem>>, vector<1x16xf32>,
      %swap3A_1606 = vector.shape_cast %swap3A_1605 : vector<1x16xf32> to vector<16xf32>
      %swap3A_1607 = vector.shape_cast %broadcast_in_dim3A_1601 : vector<16xf32> to vector<1x16xf32>
      tpu.vector_store %arg6[%swap3A_1603, %swap3A_1604], %swap3A_1607 {strides = array<i32>} : memref<128x16xf32, #tpu.memory_space<vmem>>, vector<1x16xf32>,
      %broadcast_in_dim3A_1608 = arith.constant 0.000000e+00 : f32
      %broadcast_in_dim3A_1609 = vector.broadcast %broadcast_in_dim3A_1608 : f32 to vector<16xf32>
      %swap3A_1610 = arith.constant 76 : i32
      %swap3A_1611 = arith.index_cast %swap3A_1610 : i32 to index
      %swap3A_1612 = arith.constant 0 : index
      %swap3A_1613 = tpu.vector_load %arg6[%swap3A_1611, %swap3A_1612] {strides = array<i32>} : memref<128x16xf32, #tpu.memory_space<vmem>>, vector<1x16xf32>,
      %swap3A_1614 = vector.shape_cast %swap3A_1613 : vector<1x16xf32> to vector<16xf32>
      %swap3A_1615 = vector.shape_cast %broadcast_in_dim3A_1609 : vector<16xf32> to vector<1x16xf32>
      tpu.vector_store %arg6[%swap3A_1611, %swap3A_1612], %swap3A_1615 {strides = array<i32>} : memref<128x16xf32, #tpu.memory_space<vmem>>, vector<1x16xf32>,
      %broadcast_in_dim3A_1616 = arith.constant 0.000000e+00 : f32
      %broadcast_in_dim3A_1617 = vector.broadcast %broadcast_in_dim3A_1616 : f32 to vector<16xf32>
      %swap3A_1618 = arith.constant 77 : i32
      %swap3A_1619 = arith.index_cast %swap3A_1618 : i32 to index
      %swap3A_1620 = arith.constant 0 : index
      %swap3A_1621 = tpu.vector_load %arg6[%swap3A_1619, %swap3A_1620] {strides = array<i32>} : memref<128x16xf32, #tpu.memory_space<vmem>>, vector<1x16xf32>,
      %swap3A_1622 = vector.shape_cast %swap3A_1621 : vector<1x16xf32> to vector<16xf32>
      %swap3A_1623 = vector.shape_cast %broadcast_in_dim3A_1617 : vector<16xf32> to vector<1x16xf32>
      tpu.vector_store %arg6[%swap3A_1619, %swap3A_1620], %swap3A_1623 {strides = array<i32>} : memref<128x16xf32, #tpu.memory_space<vmem>>, vector<1x16xf32>,
      %broadcast_in_dim3A_1624 = arith.constant 0.000000e+00 : f32
      %broadcast_in_dim3A_1625 = vector.broadcast %broadcast_in_dim3A_1624 : f32 to vector<16xf32>
      %swap3A_1626 = arith.constant 78 : i32
      %swap3A_1627 = arith.index_cast %swap3A_1626 : i32 to index
      %swap3A_1628 = arith.constant 0 : index
      %swap3A_1629 = tpu.vector_load %arg6[%swap3A_1627, %swap3A_1628] {strides = array<i32>} : memref<128x16xf32, #tpu.memory_space<vmem>>, vector<1x16xf32>,
      %swap3A_1630 = vector.shape_cast %swap3A_1629 : vector<1x16xf32> to vector<16xf32>
      %swap3A_1631 = vector.shape_cast %broadcast_in_dim3A_1625 : vector<16xf32> to vector<1x16xf32>
      tpu.vector_store %arg6[%swap3A_1627, %swap3A_1628], %swap3A_1631 {strides = array<i32>} : memref<128x16xf32, #tpu.memory_space<vmem>>, vector<1x16xf32>,
      %broadcast_in_dim3A_1632 = arith.constant 0.000000e+00 : f32
      %broadcast_in_dim3A_1633 = vector.broadcast %broadcast_in_dim3A_1632 : f32 to vector<16xf32>
      %swap3A_1634 = arith.constant 79 : i32
      %swap3A_1635 = arith.index_cast %swap3A_1634 : i32 to index
      %swap3A_1636 = arith.constant 0 : index
      %swap3A_1637 = tpu.vector_load %arg6[%swap3A_1635, %swap3A_1636] {strides = array<i32>} : memref<128x16xf32, #tpu.memory_space<vmem>>, vector<1x16xf32>,
      %swap3A_1638 = vector.shape_cast %swap3A_1637 : vector<1x16xf32> to vector<16xf32>
      %swap3A_1639 = vector.shape_cast %broadcast_in_dim3A_1633 : vector<16xf32> to vector<1x16xf32>
      tpu.vector_store %arg6[%swap3A_1635, %swap3A_1636], %swap3A_1639 {strides = array<i32>} : memref<128x16xf32, #tpu.memory_space<vmem>>, vector<1x16xf32>,
      %broadcast_in_dim3A_1640 = arith.constant 0.000000e+00 : f32
      %broadcast_in_dim3A_1641 = vector.broadcast %broadcast_in_dim3A_1640 : f32 to vector<16xf32>
      %swap3A_1642 = arith.constant 80 : i32
      %swap3A_1643 = arith.index_cast %swap3A_1642 : i32 to index
      %swap3A_1644 = arith.constant 0 : index
      %swap3A_1645 = tpu.vector_load %arg6[%swap3A_1643, %swap3A_1644] {strides = array<i32>} : memref<128x16xf32, #tpu.memory_space<vmem>>, vector<1x16xf32>,
      %swap3A_1646 = vector.shape_cast %swap3A_1645 : vector<1x16xf32> to vector<16xf32>
      %swap3A_1647 = vector.shape_cast %broadcast_in_dim3A_1641 : vector<16xf32> to vector<1x16xf32>
      tpu.vector_store %arg6[%swap3A_1643, %swap3A_1644], %swap3A_1647 {strides = array<i32>} : memref<128x16xf32, #tpu.memory_space<vmem>>, vector<1x16xf32>,
      %broadcast_in_dim3A_1648 = arith.constant 0.000000e+00 : f32
      %broadcast_in_dim3A_1649 = vector.broadcast %broadcast_in_dim3A_1648 : f32 to vector<16xf32>
      %swap3A_1650 = arith.constant 81 : i32
      %swap3A_1651 = arith.index_cast %swap3A_1650 : i32 to index
      %swap3A_1652 = arith.constant 0 : index
      %swap3A_1653 = tpu.vector_load %arg6[%swap3A_1651, %swap3A_1652] {strides = array<i32>} : memref<128x16xf32, #tpu.memory_space<vmem>>, vector<1x16xf32>,
      %swap3A_1654 = vector.shape_cast %swap3A_1653 : vector<1x16xf32> to vector<16xf32>
      %swap3A_1655 = vector.shape_cast %broadcast_in_dim3A_1649 : vector<16xf32> to vector<1x16xf32>
      tpu.vector_store %arg6[%swap3A_1651, %swap3A_1652], %swap3A_1655 {strides = array<i32>} : memref<128x16xf32, #tpu.memory_space<vmem>>, vector<1x16xf32>,
      %broadcast_in_dim3A_1656 = arith.constant 0.000000e+00 : f32
      %broadcast_in_dim3A_1657 = vector.broadcast %broadcast_in_dim3A_1656 : f32 to vector<16xf32>
      %swap3A_1658 = arith.constant 82 : i32
      %swap3A_1659 = arith.index_cast %swap3A_1658 : i32 to index
      %swap3A_1660 = arith.constant 0 : index
      %swap3A_1661 = tpu.vector_load %arg6[%swap3A_1659, %swap3A_1660] {strides = array<i32>} : memref<128x16xf32, #tpu.memory_space<vmem>>, vector<1x16xf32>,
      %swap3A_1662 = vector.shape_cast %swap3A_1661 : vector<1x16xf32> to vector<16xf32>
      %swap3A_1663 = vector.shape_cast %broadcast_in_dim3A_1657 : vector<16xf32> to vector<1x16xf32>
      tpu.vector_store %arg6[%swap3A_1659, %swap3A_1660], %swap3A_1663 {strides = array<i32>} : memref<128x16xf32, #tpu.memory_space<vmem>>, vector<1x16xf32>,
      %broadcast_in_dim3A_1664 = arith.constant 0.000000e+00 : f32
      %broadcast_in_dim3A_1665 = vector.broadcast %broadcast_in_dim3A_1664 : f32 to vector<16xf32>
      %swap3A_1666 = arith.constant 83 : i32
      %swap3A_1667 = arith.index_cast %swap3A_1666 : i32 to index
      %swap3A_1668 = arith.constant 0 : index
      %swap3A_1669 = tpu.vector_load %arg6[%swap3A_1667, %swap3A_1668] {strides = array<i32>} : memref<128x16xf32, #tpu.memory_space<vmem>>, vector<1x16xf32>,
      %swap3A_1670 = vector.shape_cast %swap3A_1669 : vector<1x16xf32> to vector<16xf32>
      %swap3A_1671 = vector.shape_cast %broadcast_in_dim3A_1665 : vector<16xf32> to vector<1x16xf32>
      tpu.vector_store %arg6[%swap3A_1667, %swap3A_1668], %swap3A_1671 {strides = array<i32>} : memref<128x16xf32, #tpu.memory_space<vmem>>, vector<1x16xf32>,
      %broadcast_in_dim3A_1672 = arith.constant 0.000000e+00 : f32
      %broadcast_in_dim3A_1673 = vector.broadcast %broadcast_in_dim3A_1672 : f32 to vector<16xf32>
      %swap3A_1674 = arith.constant 84 : i32
      %swap3A_1675 = arith.index_cast %swap3A_1674 : i32 to index
      %swap3A_1676 = arith.constant 0 : index
      %swap3A_1677 = tpu.vector_load %arg6[%swap3A_1675, %swap3A_1676] {strides = array<i32>} : memref<128x16xf32, #tpu.memory_space<vmem>>, vector<1x16xf32>,
      %swap3A_1678 = vector.shape_cast %swap3A_1677 : vector<1x16xf32> to vector<16xf32>
      %swap3A_1679 = vector.shape_cast %broadcast_in_dim3A_1673 : vector<16xf32> to vector<1x16xf32>
      tpu.vector_store %arg6[%swap3A_1675, %swap3A_1676], %swap3A_1679 {strides = array<i32>} : memref<128x16xf32, #tpu.memory_space<vmem>>, vector<1x16xf32>,
      %broadcast_in_dim3A_1680 = arith.constant 0.000000e+00 : f32
      %broadcast_in_dim3A_1681 = vector.broadcast %broadcast_in_dim3A_1680 : f32 to vector<16xf32>
      %swap3A_1682 = arith.constant 85 : i32
      %swap3A_1683 = arith.index_cast %swap3A_1682 : i32 to index
      %swap3A_1684 = arith.constant 0 : index
      %swap3A_1685 = tpu.vector_load %arg6[%swap3A_1683, %swap3A_1684] {strides = array<i32>} : memref<128x16xf32, #tpu.memory_space<vmem>>, vector<1x16xf32>,
      %swap3A_1686 = vector.shape_cast %swap3A_1685 : vector<1x16xf32> to vector<16xf32>
      %swap3A_1687 = vector.shape_cast %broadcast_in_dim3A_1681 : vector<16xf32> to vector<1x16xf32>
      tpu.vector_store %arg6[%swap3A_1683, %swap3A_1684], %swap3A_1687 {strides = array<i32>} : memref<128x16xf32, #tpu.memory_space<vmem>>, vector<1x16xf32>,
      %broadcast_in_dim3A_1688 = arith.constant 0.000000e+00 : f32
      %broadcast_in_dim3A_1689 = vector.broadcast %broadcast_in_dim3A_1688 : f32 to vector<16xf32>
      %swap3A_1690 = arith.constant 86 : i32
      %swap3A_1691 = arith.index_cast %swap3A_1690 : i32 to index
      %swap3A_1692 = arith.constant 0 : index
      %swap3A_1693 = tpu.vector_load %arg6[%swap3A_1691, %swap3A_1692] {strides = array<i32>} : memref<128x16xf32, #tpu.memory_space<vmem>>, vector<1x16xf32>,
      %swap3A_1694 = vector.shape_cast %swap3A_1693 : vector<1x16xf32> to vector<16xf32>
      %swap3A_1695 = vector.shape_cast %broadcast_in_dim3A_1689 : vector<16xf32> to vector<1x16xf32>
      tpu.vector_store %arg6[%swap3A_1691, %swap3A_1692], %swap3A_1695 {strides = array<i32>} : memref<128x16xf32, #tpu.memory_space<vmem>>, vector<1x16xf32>,
      %broadcast_in_dim3A_1696 = arith.constant 0.000000e+00 : f32
      %broadcast_in_dim3A_1697 = vector.broadcast %broadcast_in_dim3A_1696 : f32 to vector<16xf32>
      %swap3A_1698 = arith.constant 87 : i32
      %swap3A_1699 = arith.index_cast %swap3A_1698 : i32 to index
      %swap3A_1700 = arith.constant 0 : index
      %swap3A_1701 = tpu.vector_load %arg6[%swap3A_1699, %swap3A_1700] {strides = array<i32>} : memref<128x16xf32, #tpu.memory_space<vmem>>, vector<1x16xf32>,
      %swap3A_1702 = vector.shape_cast %swap3A_1701 : vector<1x16xf32> to vector<16xf32>
      %swap3A_1703 = vector.shape_cast %broadcast_in_dim3A_1697 : vector<16xf32> to vector<1x16xf32>
      tpu.vector_store %arg6[%swap3A_1699, %swap3A_1700], %swap3A_1703 {strides = array<i32>} : memref<128x16xf32, #tpu.memory_space<vmem>>, vector<1x16xf32>,
      %broadcast_in_dim3A_1704 = arith.constant 0.000000e+00 : f32
      %broadcast_in_dim3A_1705 = vector.broadcast %broadcast_in_dim3A_1704 : f32 to vector<16xf32>
      %swap3A_1706 = arith.constant 88 : i32
      %swap3A_1707 = arith.index_cast %swap3A_1706 : i32 to index
      %swap3A_1708 = arith.constant 0 : index
      %swap3A_1709 = tpu.vector_load %arg6[%swap3A_1707, %swap3A_1708] {strides = array<i32>} : memref<128x16xf32, #tpu.memory_space<vmem>>, vector<1x16xf32>,
      %swap3A_1710 = vector.shape_cast %swap3A_1709 : vector<1x16xf32> to vector<16xf32>
      %swap3A_1711 = vector.shape_cast %broadcast_in_dim3A_1705 : vector<16xf32> to vector<1x16xf32>
      tpu.vector_store %arg6[%swap3A_1707, %swap3A_1708], %swap3A_1711 {strides = array<i32>} : memref<128x16xf32, #tpu.memory_space<vmem>>, vector<1x16xf32>,
      %broadcast_in_dim3A_1712 = arith.constant 0.000000e+00 : f32
      %broadcast_in_dim3A_1713 = vector.broadcast %broadcast_in_dim3A_1712 : f32 to vector<16xf32>
      %swap3A_1714 = arith.constant 89 : i32
      %swap3A_1715 = arith.index_cast %swap3A_1714 : i32 to index
      %swap3A_1716 = arith.constant 0 : index
      %swap3A_1717 = tpu.vector_load %arg6[%swap3A_1715, %swap3A_1716] {strides = array<i32>} : memref<128x16xf32, #tpu.memory_space<vmem>>, vector<1x16xf32>,
      %swap3A_1718 = vector.shape_cast %swap3A_1717 : vector<1x16xf32> to vector<16xf32>
      %swap3A_1719 = vector.shape_cast %broadcast_in_dim3A_1713 : vector<16xf32> to vector<1x16xf32>
      tpu.vector_store %arg6[%swap3A_1715, %swap3A_1716], %swap3A_1719 {strides = array<i32>} : memref<128x16xf32, #tpu.memory_space<vmem>>, vector<1x16xf32>,
      %broadcast_in_dim3A_1720 = arith.constant 0.000000e+00 : f32
      %broadcast_in_dim3A_1721 = vector.broadcast %broadcast_in_dim3A_1720 : f32 to vector<16xf32>
      %swap3A_1722 = arith.constant 90 : i32
      %swap3A_1723 = arith.index_cast %swap3A_1722 : i32 to index
      %swap3A_1724 = arith.constant 0 : index
      %swap3A_1725 = tpu.vector_load %arg6[%swap3A_1723, %swap3A_1724] {strides = array<i32>} : memref<128x16xf32, #tpu.memory_space<vmem>>, vector<1x16xf32>,
      %swap3A_1726 = vector.shape_cast %swap3A_1725 : vector<1x16xf32> to vector<16xf32>
      %swap3A_1727 = vector.shape_cast %broadcast_in_dim3A_1721 : vector<16xf32> to vector<1x16xf32>
      tpu.vector_store %arg6[%swap3A_1723, %swap3A_1724], %swap3A_1727 {strides = array<i32>} : memref<128x16xf32, #tpu.memory_space<vmem>>, vector<1x16xf32>,
      %broadcast_in_dim3A_1728 = arith.constant 0.000000e+00 : f32
      %broadcast_in_dim3A_1729 = vector.broadcast %broadcast_in_dim3A_1728 : f32 to vector<16xf32>
      %swap3A_1730 = arith.constant 91 : i32
      %swap3A_1731 = arith.index_cast %swap3A_1730 : i32 to index
      %swap3A_1732 = arith.constant 0 : index
      %swap3A_1733 = tpu.vector_load %arg6[%swap3A_1731, %swap3A_1732] {strides = array<i32>} : memref<128x16xf32, #tpu.memory_space<vmem>>, vector<1x16xf32>,
      %swap3A_1734 = vector.shape_cast %swap3A_1733 : vector<1x16xf32> to vector<16xf32>
      %swap3A_1735 = vector.shape_cast %broadcast_in_dim3A_1729 : vector<16xf32> to vector<1x16xf32>
      tpu.vector_store %arg6[%swap3A_1731, %swap3A_1732], %swap3A_1735 {strides = array<i32>} : memref<128x16xf32, #tpu.memory_space<vmem>>, vector<1x16xf32>,
      %broadcast_in_dim3A_1736 = arith.constant 0.000000e+00 : f32
      %broadcast_in_dim3A_1737 = vector.broadcast %broadcast_in_dim3A_1736 : f32 to vector<16xf32>
      %swap3A_1738 = arith.constant 92 : i32
      %swap3A_1739 = arith.index_cast %swap3A_1738 : i32 to index
      %swap3A_1740 = arith.constant 0 : index
      %swap3A_1741 = tpu.vector_load %arg6[%swap3A_1739, %swap3A_1740] {strides = array<i32>} : memref<128x16xf32, #tpu.memory_space<vmem>>, vector<1x16xf32>,
      %swap3A_1742 = vector.shape_cast %swap3A_1741 : vector<1x16xf32> to vector<16xf32>
      %swap3A_1743 = vector.shape_cast %broadcast_in_dim3A_1737 : vector<16xf32> to vector<1x16xf32>
      tpu.vector_store %arg6[%swap3A_1739, %swap3A_1740], %swap3A_1743 {strides = array<i32>} : memref<128x16xf32, #tpu.memory_space<vmem>>, vector<1x16xf32>,
      %broadcast_in_dim3A_1744 = arith.constant 0.000000e+00 : f32
      %broadcast_in_dim3A_1745 = vector.broadcast %broadcast_in_dim3A_1744 : f32 to vector<16xf32>
      %swap3A_1746 = arith.constant 93 : i32
      %swap3A_1747 = arith.index_cast %swap3A_1746 : i32 to index
      %swap3A_1748 = arith.constant 0 : index
      %swap3A_1749 = tpu.vector_load %arg6[%swap3A_1747, %swap3A_1748] {strides = array<i32>} : memref<128x16xf32, #tpu.memory_space<vmem>>, vector<1x16xf32>,
      %swap3A_1750 = vector.shape_cast %swap3A_1749 : vector<1x16xf32> to vector<16xf32>
      %swap3A_1751 = vector.shape_cast %broadcast_in_dim3A_1745 : vector<16xf32> to vector<1x16xf32>
      tpu.vector_store %arg6[%swap3A_1747, %swap3A_1748], %swap3A_1751 {strides = array<i32>} : memref<128x16xf32, #tpu.memory_space<vmem>>, vector<1x16xf32>,
      %broadcast_in_dim3A_1752 = arith.constant 0.000000e+00 : f32
      %broadcast_in_dim3A_1753 = vector.broadcast %broadcast_in_dim3A_1752 : f32 to vector<16xf32>
      %swap3A_1754 = arith.constant 94 : i32
      %swap3A_1755 = arith.index_cast %swap3A_1754 : i32 to index
      %swap3A_1756 = arith.constant 0 : index
      %swap3A_1757 = tpu.vector_load %arg6[%swap3A_1755, %swap3A_1756] {strides = array<i32>} : memref<128x16xf32, #tpu.memory_space<vmem>>, vector<1x16xf32>,
      %swap3A_1758 = vector.shape_cast %swap3A_1757 : vector<1x16xf32> to vector<16xf32>
      %swap3A_1759 = vector.shape_cast %broadcast_in_dim3A_1753 : vector<16xf32> to vector<1x16xf32>
      tpu.vector_store %arg6[%swap3A_1755, %swap3A_1756], %swap3A_1759 {strides = array<i32>} : memref<128x16xf32, #tpu.memory_space<vmem>>, vector<1x16xf32>,
      %broadcast_in_dim3A_1760 = arith.constant 0.000000e+00 : f32
      %broadcast_in_dim3A_1761 = vector.broadcast %broadcast_in_dim3A_1760 : f32 to vector<16xf32>
      %swap3A_1762 = arith.constant 95 : i32
      %swap3A_1763 = arith.index_cast %swap3A_1762 : i32 to index
      %swap3A_1764 = arith.constant 0 : index
      %swap3A_1765 = tpu.vector_load %arg6[%swap3A_1763, %swap3A_1764] {strides = array<i32>} : memref<128x16xf32, #tpu.memory_space<vmem>>, vector<1x16xf32>,
      %swap3A_1766 = vector.shape_cast %swap3A_1765 : vector<1x16xf32> to vector<16xf32>
      %swap3A_1767 = vector.shape_cast %broadcast_in_dim3A_1761 : vector<16xf32> to vector<1x16xf32>
      tpu.vector_store %arg6[%swap3A_1763, %swap3A_1764], %swap3A_1767 {strides = array<i32>} : memref<128x16xf32, #tpu.memory_space<vmem>>, vector<1x16xf32>,
      %broadcast_in_dim3A_1768 = arith.constant 0.000000e+00 : f32
      %broadcast_in_dim3A_1769 = vector.broadcast %broadcast_in_dim3A_1768 : f32 to vector<16xf32>
      %swap3A_1770 = arith.constant 96 : i32
      %swap3A_1771 = arith.index_cast %swap3A_1770 : i32 to index
      %swap3A_1772 = arith.constant 0 : index
      %swap3A_1773 = tpu.vector_load %arg6[%swap3A_1771, %swap3A_1772] {strides = array<i32>} : memref<128x16xf32, #tpu.memory_space<vmem>>, vector<1x16xf32>,
      %swap3A_1774 = vector.shape_cast %swap3A_1773 : vector<1x16xf32> to vector<16xf32>
      %swap3A_1775 = vector.shape_cast %broadcast_in_dim3A_1769 : vector<16xf32> to vector<1x16xf32>
      tpu.vector_store %arg6[%swap3A_1771, %swap3A_1772], %swap3A_1775 {strides = array<i32>} : memref<128x16xf32, #tpu.memory_space<vmem>>, vector<1x16xf32>,
      %broadcast_in_dim3A_1776 = arith.constant 0.000000e+00 : f32
      %broadcast_in_dim3A_1777 = vector.broadcast %broadcast_in_dim3A_1776 : f32 to vector<16xf32>
      %swap3A_1778 = arith.constant 97 : i32
      %swap3A_1779 = arith.index_cast %swap3A_1778 : i32 to index
      %swap3A_1780 = arith.constant 0 : index
      %swap3A_1781 = tpu.vector_load %arg6[%swap3A_1779, %swap3A_1780] {strides = array<i32>} : memref<128x16xf32, #tpu.memory_space<vmem>>, vector<1x16xf32>,
      %swap3A_1782 = vector.shape_cast %swap3A_1781 : vector<1x16xf32> to vector<16xf32>
      %swap3A_1783 = vector.shape_cast %broadcast_in_dim3A_1777 : vector<16xf32> to vector<1x16xf32>
      tpu.vector_store %arg6[%swap3A_1779, %swap3A_1780], %swap3A_1783 {strides = array<i32>} : memref<128x16xf32, #tpu.memory_space<vmem>>, vector<1x16xf32>,
      %broadcast_in_dim3A_1784 = arith.constant 0.000000e+00 : f32
      %broadcast_in_dim3A_1785 = vector.broadcast %broadcast_in_dim3A_1784 : f32 to vector<16xf32>
      %swap3A_1786 = arith.constant 98 : i32
      %swap3A_1787 = arith.index_cast %swap3A_1786 : i32 to index
      %swap3A_1788 = arith.constant 0 : index
      %swap3A_1789 = tpu.vector_load %arg6[%swap3A_1787, %swap3A_1788] {strides = array<i32>} : memref<128x16xf32, #tpu.memory_space<vmem>>, vector<1x16xf32>,
      %swap3A_1790 = vector.shape_cast %swap3A_1789 : vector<1x16xf32> to vector<16xf32>
      %swap3A_1791 = vector.shape_cast %broadcast_in_dim3A_1785 : vector<16xf32> to vector<1x16xf32>
      tpu.vector_store %arg6[%swap3A_1787, %swap3A_1788], %swap3A_1791 {strides = array<i32>} : memref<128x16xf32, #tpu.memory_space<vmem>>, vector<1x16xf32>,
      %broadcast_in_dim3A_1792 = arith.constant 0.000000e+00 : f32
      %broadcast_in_dim3A_1793 = vector.broadcast %broadcast_in_dim3A_1792 : f32 to vector<16xf32>
      %swap3A_1794 = arith.constant 99 : i32
      %swap3A_1795 = arith.index_cast %swap3A_1794 : i32 to index
      %swap3A_1796 = arith.constant 0 : index
      %swap3A_1797 = tpu.vector_load %arg6[%swap3A_1795, %swap3A_1796] {strides = array<i32>} : memref<128x16xf32, #tpu.memory_space<vmem>>, vector<1x16xf32>,
      %swap3A_1798 = vector.shape_cast %swap3A_1797 : vector<1x16xf32> to vector<16xf32>
      %swap3A_1799 = vector.shape_cast %broadcast_in_dim3A_1793 : vector<16xf32> to vector<1x16xf32>
      tpu.vector_store %arg6[%swap3A_1795, %swap3A_1796], %swap3A_1799 {strides = array<i32>} : memref<128x16xf32, #tpu.memory_space<vmem>>, vector<1x16xf32>,
      %broadcast_in_dim3A_1800 = arith.constant 0.000000e+00 : f32
      %broadcast_in_dim3A_1801 = vector.broadcast %broadcast_in_dim3A_1800 : f32 to vector<16xf32>
      %swap3A_1802 = arith.constant 100 : i32
      %swap3A_1803 = arith.index_cast %swap3A_1802 : i32 to index
      %swap3A_1804 = arith.constant 0 : index
      %swap3A_1805 = tpu.vector_load %arg6[%swap3A_1803, %swap3A_1804] {strides = array<i32>} : memref<128x16xf32, #tpu.memory_space<vmem>>, vector<1x16xf32>,
      %swap3A_1806 = vector.shape_cast %swap3A_1805 : vector<1x16xf32> to vector<16xf32>
      %swap3A_1807 = vector.shape_cast %broadcast_in_dim3A_1801 : vector<16xf32> to vector<1x16xf32>
      tpu.vector_store %arg6[%swap3A_1803, %swap3A_1804], %swap3A_1807 {strides = array<i32>} : memref<128x16xf32, #tpu.memory_space<vmem>>, vector<1x16xf32>,
      %broadcast_in_dim3A_1808 = arith.constant 0.000000e+00 : f32
      %broadcast_in_dim3A_1809 = vector.broadcast %broadcast_in_dim3A_1808 : f32 to vector<16xf32>
      %swap3A_1810 = arith.constant 101 : i32
      %swap3A_1811 = arith.index_cast %swap3A_1810 : i32 to index
      %swap3A_1812 = arith.constant 0 : index
      %swap3A_1813 = tpu.vector_load %arg6[%swap3A_1811, %swap3A_1812] {strides = array<i32>} : memref<128x16xf32, #tpu.memory_space<vmem>>, vector<1x16xf32>,
      %swap3A_1814 = vector.shape_cast %swap3A_1813 : vector<1x16xf32> to vector<16xf32>
      %swap3A_1815 = vector.shape_cast %broadcast_in_dim3A_1809 : vector<16xf32> to vector<1x16xf32>
      tpu.vector_store %arg6[%swap3A_1811, %swap3A_1812], %swap3A_1815 {strides = array<i32>} : memref<128x16xf32, #tpu.memory_space<vmem>>, vector<1x16xf32>,
      %broadcast_in_dim3A_1816 = arith.constant 0.000000e+00 : f32
      %broadcast_in_dim3A_1817 = vector.broadcast %broadcast_in_dim3A_1816 : f32 to vector<16xf32>
      %swap3A_1818 = arith.constant 102 : i32
      %swap3A_1819 = arith.index_cast %swap3A_1818 : i32 to index
      %swap3A_1820 = arith.constant 0 : index
      %swap3A_1821 = tpu.vector_load %arg6[%swap3A_1819, %swap3A_1820] {strides = array<i32>} : memref<128x16xf32, #tpu.memory_space<vmem>>, vector<1x16xf32>,
      %swap3A_1822 = vector.shape_cast %swap3A_1821 : vector<1x16xf32> to vector<16xf32>
      %swap3A_1823 = vector.shape_cast %broadcast_in_dim3A_1817 : vector<16xf32> to vector<1x16xf32>
      tpu.vector_store %arg6[%swap3A_1819, %swap3A_1820], %swap3A_1823 {strides = array<i32>} : memref<128x16xf32, #tpu.memory_space<vmem>>, vector<1x16xf32>,
      %broadcast_in_dim3A_1824 = arith.constant 0.000000e+00 : f32
      %broadcast_in_dim3A_1825 = vector.broadcast %broadcast_in_dim3A_1824 : f32 to vector<16xf32>
      %swap3A_1826 = arith.constant 103 : i32
      %swap3A_1827 = arith.index_cast %swap3A_1826 : i32 to index
      %swap3A_1828 = arith.constant 0 : index
      %swap3A_1829 = tpu.vector_load %arg6[%swap3A_1827, %swap3A_1828] {strides = array<i32>} : memref<128x16xf32, #tpu.memory_space<vmem>>, vector<1x16xf32>,
      %swap3A_1830 = vector.shape_cast %swap3A_1829 : vector<1x16xf32> to vector<16xf32>
      %swap3A_1831 = vector.shape_cast %broadcast_in_dim3A_1825 : vector<16xf32> to vector<1x16xf32>
      tpu.vector_store %arg6[%swap3A_1827, %swap3A_1828], %swap3A_1831 {strides = array<i32>} : memref<128x16xf32, #tpu.memory_space<vmem>>, vector<1x16xf32>,
      %broadcast_in_dim3A_1832 = arith.constant 0.000000e+00 : f32
      %broadcast_in_dim3A_1833 = vector.broadcast %broadcast_in_dim3A_1832 : f32 to vector<16xf32>
      %swap3A_1834 = arith.constant 104 : i32
      %swap3A_1835 = arith.index_cast %swap3A_1834 : i32 to index
      %swap3A_1836 = arith.constant 0 : index
      %swap3A_1837 = tpu.vector_load %arg6[%swap3A_1835, %swap3A_1836] {strides = array<i32>} : memref<128x16xf32, #tpu.memory_space<vmem>>, vector<1x16xf32>,
      %swap3A_1838 = vector.shape_cast %swap3A_1837 : vector<1x16xf32> to vector<16xf32>
      %swap3A_1839 = vector.shape_cast %broadcast_in_dim3A_1833 : vector<16xf32> to vector<1x16xf32>
      tpu.vector_store %arg6[%swap3A_1835, %swap3A_1836], %swap3A_1839 {strides = array<i32>} : memref<128x16xf32, #tpu.memory_space<vmem>>, vector<1x16xf32>,
      %broadcast_in_dim3A_1840 = arith.constant 0.000000e+00 : f32
      %broadcast_in_dim3A_1841 = vector.broadcast %broadcast_in_dim3A_1840 : f32 to vector<16xf32>
      %swap3A_1842 = arith.constant 105 : i32
      %swap3A_1843 = arith.index_cast %swap3A_1842 : i32 to index
      %swap3A_1844 = arith.constant 0 : index
      %swap3A_1845 = tpu.vector_load %arg6[%swap3A_1843, %swap3A_1844] {strides = array<i32>} : memref<128x16xf32, #tpu.memory_space<vmem>>, vector<1x16xf32>,
      %swap3A_1846 = vector.shape_cast %swap3A_1845 : vector<1x16xf32> to vector<16xf32>
      %swap3A_1847 = vector.shape_cast %broadcast_in_dim3A_1841 : vector<16xf32> to vector<1x16xf32>
      tpu.vector_store %arg6[%swap3A_1843, %swap3A_1844], %swap3A_1847 {strides = array<i32>} : memref<128x16xf32, #tpu.memory_space<vmem>>, vector<1x16xf32>,
      %broadcast_in_dim3A_1848 = arith.constant 0.000000e+00 : f32
      %broadcast_in_dim3A_1849 = vector.broadcast %broadcast_in_dim3A_1848 : f32 to vector<16xf32>
      %swap3A_1850 = arith.constant 106 : i32
      %swap3A_1851 = arith.index_cast %swap3A_1850 : i32 to index
      %swap3A_1852 = arith.constant 0 : index
      %swap3A_1853 = tpu.vector_load %arg6[%swap3A_1851, %swap3A_1852] {strides = array<i32>} : memref<128x16xf32, #tpu.memory_space<vmem>>, vector<1x16xf32>,
      %swap3A_1854 = vector.shape_cast %swap3A_1853 : vector<1x16xf32> to vector<16xf32>
      %swap3A_1855 = vector.shape_cast %broadcast_in_dim3A_1849 : vector<16xf32> to vector<1x16xf32>
      tpu.vector_store %arg6[%swap3A_1851, %swap3A_1852], %swap3A_1855 {strides = array<i32>} : memref<128x16xf32, #tpu.memory_space<vmem>>, vector<1x16xf32>,
      %broadcast_in_dim3A_1856 = arith.constant 0.000000e+00 : f32
      %broadcast_in_dim3A_1857 = vector.broadcast %broadcast_in_dim3A_1856 : f32 to vector<16xf32>
      %swap3A_1858 = arith.constant 107 : i32
      %swap3A_1859 = arith.index_cast %swap3A_1858 : i32 to index
      %swap3A_1860 = arith.constant 0 : index
      %swap3A_1861 = tpu.vector_load %arg6[%swap3A_1859, %swap3A_1860] {strides = array<i32>} : memref<128x16xf32, #tpu.memory_space<vmem>>, vector<1x16xf32>,
      %swap3A_1862 = vector.shape_cast %swap3A_1861 : vector<1x16xf32> to vector<16xf32>
      %swap3A_1863 = vector.shape_cast %broadcast_in_dim3A_1857 : vector<16xf32> to vector<1x16xf32>
      tpu.vector_store %arg6[%swap3A_1859, %swap3A_1860], %swap3A_1863 {strides = array<i32>} : memref<128x16xf32, #tpu.memory_space<vmem>>, vector<1x16xf32>,
      %broadcast_in_dim3A_1864 = arith.constant 0.000000e+00 : f32
      %broadcast_in_dim3A_1865 = vector.broadcast %broadcast_in_dim3A_1864 : f32 to vector<16xf32>
      %swap3A_1866 = arith.constant 108 : i32
      %swap3A_1867 = arith.index_cast %swap3A_1866 : i32 to index
      %swap3A_1868 = arith.constant 0 : index
      %swap3A_1869 = tpu.vector_load %arg6[%swap3A_1867, %swap3A_1868] {strides = array<i32>} : memref<128x16xf32, #tpu.memory_space<vmem>>, vector<1x16xf32>,
      %swap3A_1870 = vector.shape_cast %swap3A_1869 : vector<1x16xf32> to vector<16xf32>
      %swap3A_1871 = vector.shape_cast %broadcast_in_dim3A_1865 : vector<16xf32> to vector<1x16xf32>
      tpu.vector_store %arg6[%swap3A_1867, %swap3A_1868], %swap3A_1871 {strides = array<i32>} : memref<128x16xf32, #tpu.memory_space<vmem>>, vector<1x16xf32>,
      %broadcast_in_dim3A_1872 = arith.constant 0.000000e+00 : f32
      %broadcast_in_dim3A_1873 = vector.broadcast %broadcast_in_dim3A_1872 : f32 to vector<16xf32>
      %swap3A_1874 = arith.constant 109 : i32
      %swap3A_1875 = arith.index_cast %swap3A_1874 : i32 to index
      %swap3A_1876 = arith.constant 0 : index
      %swap3A_1877 = tpu.vector_load %arg6[%swap3A_1875, %swap3A_1876] {strides = array<i32>} : memref<128x16xf32, #tpu.memory_space<vmem>>, vector<1x16xf32>,
      %swap3A_1878 = vector.shape_cast %swap3A_1877 : vector<1x16xf32> to vector<16xf32>
      %swap3A_1879 = vector.shape_cast %broadcast_in_dim3A_1873 : vector<16xf32> to vector<1x16xf32>
      tpu.vector_store %arg6[%swap3A_1875, %swap3A_1876], %swap3A_1879 {strides = array<i32>} : memref<128x16xf32, #tpu.memory_space<vmem>>, vector<1x16xf32>,
      %broadcast_in_dim3A_1880 = arith.constant 0.000000e+00 : f32
      %broadcast_in_dim3A_1881 = vector.broadcast %broadcast_in_dim3A_1880 : f32 to vector<16xf32>
      %swap3A_1882 = arith.constant 110 : i32
      %swap3A_1883 = arith.index_cast %swap3A_1882 : i32 to index
      %swap3A_1884 = arith.constant 0 : index
      %swap3A_1885 = tpu.vector_load %arg6[%swap3A_1883, %swap3A_1884] {strides = array<i32>} : memref<128x16xf32, #tpu.memory_space<vmem>>, vector<1x16xf32>,
      %swap3A_1886 = vector.shape_cast %swap3A_1885 : vector<1x16xf32> to vector<16xf32>
      %swap3A_1887 = vector.shape_cast %broadcast_in_dim3A_1881 : vector<16xf32> to vector<1x16xf32>
      tpu.vector_store %arg6[%swap3A_1883, %swap3A_1884], %swap3A_1887 {strides = array<i32>} : memref<128x16xf32, #tpu.memory_space<vmem>>, vector<1x16xf32>,
      %broadcast_in_dim3A_1888 = arith.constant 0.000000e+00 : f32
      %broadcast_in_dim3A_1889 = vector.broadcast %broadcast_in_dim3A_1888 : f32 to vector<16xf32>
      %swap3A_1890 = arith.constant 111 : i32
      %swap3A_1891 = arith.index_cast %swap3A_1890 : i32 to index
      %swap3A_1892 = arith.constant 0 : index
      %swap3A_1893 = tpu.vector_load %arg6[%swap3A_1891, %swap3A_1892] {strides = array<i32>} : memref<128x16xf32, #tpu.memory_space<vmem>>, vector<1x16xf32>,
      %swap3A_1894 = vector.shape_cast %swap3A_1893 : vector<1x16xf32> to vector<16xf32>
      %swap3A_1895 = vector.shape_cast %broadcast_in_dim3A_1889 : vector<16xf32> to vector<1x16xf32>
      tpu.vector_store %arg6[%swap3A_1891, %swap3A_1892], %swap3A_1895 {strides = array<i32>} : memref<128x16xf32, #tpu.memory_space<vmem>>, vector<1x16xf32>,
      %broadcast_in_dim3A_1896 = arith.constant 0.000000e+00 : f32
      %broadcast_in_dim3A_1897 = vector.broadcast %broadcast_in_dim3A_1896 : f32 to vector<16xf32>
      %swap3A_1898 = arith.constant 112 : i32
      %swap3A_1899 = arith.index_cast %swap3A_1898 : i32 to index
      %swap3A_1900 = arith.constant 0 : index
      %swap3A_1901 = tpu.vector_load %arg6[%swap3A_1899, %swap3A_1900] {strides = array<i32>} : memref<128x16xf32, #tpu.memory_space<vmem>>, vector<1x16xf32>,
      %swap3A_1902 = vector.shape_cast %swap3A_1901 : vector<1x16xf32> to vector<16xf32>
      %swap3A_1903 = vector.shape_cast %broadcast_in_dim3A_1897 : vector<16xf32> to vector<1x16xf32>
      tpu.vector_store %arg6[%swap3A_1899, %swap3A_1900], %swap3A_1903 {strides = array<i32>} : memref<128x16xf32, #tpu.memory_space<vmem>>, vector<1x16xf32>,
      %broadcast_in_dim3A_1904 = arith.constant 0.000000e+00 : f32
      %broadcast_in_dim3A_1905 = vector.broadcast %broadcast_in_dim3A_1904 : f32 to vector<16xf32>
      %swap3A_1906 = arith.constant 113 : i32
      %swap3A_1907 = arith.index_cast %swap3A_1906 : i32 to index
      %swap3A_1908 = arith.constant 0 : index
      %swap3A_1909 = tpu.vector_load %arg6[%swap3A_1907, %swap3A_1908] {strides = array<i32>} : memref<128x16xf32, #tpu.memory_space<vmem>>, vector<1x16xf32>,
      %swap3A_1910 = vector.shape_cast %swap3A_1909 : vector<1x16xf32> to vector<16xf32>
      %swap3A_1911 = vector.shape_cast %broadcast_in_dim3A_1905 : vector<16xf32> to vector<1x16xf32>
      tpu.vector_store %arg6[%swap3A_1907, %swap3A_1908], %swap3A_1911 {strides = array<i32>} : memref<128x16xf32, #tpu.memory_space<vmem>>, vector<1x16xf32>,
      %broadcast_in_dim3A_1912 = arith.constant 0.000000e+00 : f32
      %broadcast_in_dim3A_1913 = vector.broadcast %broadcast_in_dim3A_1912 : f32 to vector<16xf32>
      %swap3A_1914 = arith.constant 114 : i32
      %swap3A_1915 = arith.index_cast %swap3A_1914 : i32 to index
      %swap3A_1916 = arith.constant 0 : index
      %swap3A_1917 = tpu.vector_load %arg6[%swap3A_1915, %swap3A_1916] {strides = array<i32>} : memref<128x16xf32, #tpu.memory_space<vmem>>, vector<1x16xf32>,
      %swap3A_1918 = vector.shape_cast %swap3A_1917 : vector<1x16xf32> to vector<16xf32>
      %swap3A_1919 = vector.shape_cast %broadcast_in_dim3A_1913 : vector<16xf32> to vector<1x16xf32>
      tpu.vector_store %arg6[%swap3A_1915, %swap3A_1916], %swap3A_1919 {strides = array<i32>} : memref<128x16xf32, #tpu.memory_space<vmem>>, vector<1x16xf32>,
      %broadcast_in_dim3A_1920 = arith.constant 0.000000e+00 : f32
      %broadcast_in_dim3A_1921 = vector.broadcast %broadcast_in_dim3A_1920 : f32 to vector<16xf32>
      %swap3A_1922 = arith.constant 115 : i32
      %swap3A_1923 = arith.index_cast %swap3A_1922 : i32 to index
      %swap3A_1924 = arith.constant 0 : index
      %swap3A_1925 = tpu.vector_load %arg6[%swap3A_1923, %swap3A_1924] {strides = array<i32>} : memref<128x16xf32, #tpu.memory_space<vmem>>, vector<1x16xf32>,
      %swap3A_1926 = vector.shape_cast %swap3A_1925 : vector<1x16xf32> to vector<16xf32>
      %swap3A_1927 = vector.shape_cast %broadcast_in_dim3A_1921 : vector<16xf32> to vector<1x16xf32>
      tpu.vector_store %arg6[%swap3A_1923, %swap3A_1924], %swap3A_1927 {strides = array<i32>} : memref<128x16xf32, #tpu.memory_space<vmem>>, vector<1x16xf32>,
      %broadcast_in_dim3A_1928 = arith.constant 0.000000e+00 : f32
      %broadcast_in_dim3A_1929 = vector.broadcast %broadcast_in_dim3A_1928 : f32 to vector<16xf32>
      %swap3A_1930 = arith.constant 116 : i32
      %swap3A_1931 = arith.index_cast %swap3A_1930 : i32 to index
      %swap3A_1932 = arith.constant 0 : index
      %swap3A_1933 = tpu.vector_load %arg6[%swap3A_1931, %swap3A_1932] {strides = array<i32>} : memref<128x16xf32, #tpu.memory_space<vmem>>, vector<1x16xf32>,
      %swap3A_1934 = vector.shape_cast %swap3A_1933 : vector<1x16xf32> to vector<16xf32>
      %swap3A_1935 = vector.shape_cast %broadcast_in_dim3A_1929 : vector<16xf32> to vector<1x16xf32>
      tpu.vector_store %arg6[%swap3A_1931, %swap3A_1932], %swap3A_1935 {strides = array<i32>} : memref<128x16xf32, #tpu.memory_space<vmem>>, vector<1x16xf32>,
      %broadcast_in_dim3A_1936 = arith.constant 0.000000e+00 : f32
      %broadcast_in_dim3A_1937 = vector.broadcast %broadcast_in_dim3A_1936 : f32 to vector<16xf32>
      %swap3A_1938 = arith.constant 117 : i32
      %swap3A_1939 = arith.index_cast %swap3A_1938 : i32 to index
      %swap3A_1940 = arith.constant 0 : index
      %swap3A_1941 = tpu.vector_load %arg6[%swap3A_1939, %swap3A_1940] {strides = array<i32>} : memref<128x16xf32, #tpu.memory_space<vmem>>, vector<1x16xf32>,
      %swap3A_1942 = vector.shape_cast %swap3A_1941 : vector<1x16xf32> to vector<16xf32>
      %swap3A_1943 = vector.shape_cast %broadcast_in_dim3A_1937 : vector<16xf32> to vector<1x16xf32>
      tpu.vector_store %arg6[%swap3A_1939, %swap3A_1940], %swap3A_1943 {strides = array<i32>} : memref<128x16xf32, #tpu.memory_space<vmem>>, vector<1x16xf32>,
      %broadcast_in_dim3A_1944 = arith.constant 0.000000e+00 : f32
      %broadcast_in_dim3A_1945 = vector.broadcast %broadcast_in_dim3A_1944 : f32 to vector<16xf32>
      %swap3A_1946 = arith.constant 118 : i32
      %swap3A_1947 = arith.index_cast %swap3A_1946 : i32 to index
      %swap3A_1948 = arith.constant 0 : index
      %swap3A_1949 = tpu.vector_load %arg6[%swap3A_1947, %swap3A_1948] {strides = array<i32>} : memref<128x16xf32, #tpu.memory_space<vmem>>, vector<1x16xf32>,
      %swap3A_1950 = vector.shape_cast %swap3A_1949 : vector<1x16xf32> to vector<16xf32>
      %swap3A_1951 = vector.shape_cast %broadcast_in_dim3A_1945 : vector<16xf32> to vector<1x16xf32>
      tpu.vector_store %arg6[%swap3A_1947, %swap3A_1948], %swap3A_1951 {strides = array<i32>} : memref<128x16xf32, #tpu.memory_space<vmem>>, vector<1x16xf32>,
      %broadcast_in_dim3A_1952 = arith.constant 0.000000e+00 : f32
      %broadcast_in_dim3A_1953 = vector.broadcast %broadcast_in_dim3A_1952 : f32 to vector<16xf32>
      %swap3A_1954 = arith.constant 119 : i32
      %swap3A_1955 = arith.index_cast %swap3A_1954 : i32 to index
      %swap3A_1956 = arith.constant 0 : index
      %swap3A_1957 = tpu.vector_load %arg6[%swap3A_1955, %swap3A_1956] {strides = array<i32>} : memref<128x16xf32, #tpu.memory_space<vmem>>, vector<1x16xf32>,
      %swap3A_1958 = vector.shape_cast %swap3A_1957 : vector<1x16xf32> to vector<16xf32>
      %swap3A_1959 = vector.shape_cast %broadcast_in_dim3A_1953 : vector<16xf32> to vector<1x16xf32>
      tpu.vector_store %arg6[%swap3A_1955, %swap3A_1956], %swap3A_1959 {strides = array<i32>} : memref<128x16xf32, #tpu.memory_space<vmem>>, vector<1x16xf32>,
      %broadcast_in_dim3A_1960 = arith.constant 0.000000e+00 : f32
      %broadcast_in_dim3A_1961 = vector.broadcast %broadcast_in_dim3A_1960 : f32 to vector<16xf32>
      %swap3A_1962 = arith.constant 120 : i32
      %swap3A_1963 = arith.index_cast %swap3A_1962 : i32 to index
      %swap3A_1964 = arith.constant 0 : index
      %swap3A_1965 = tpu.vector_load %arg6[%swap3A_1963, %swap3A_1964] {strides = array<i32>} : memref<128x16xf32, #tpu.memory_space<vmem>>, vector<1x16xf32>,
      %swap3A_1966 = vector.shape_cast %swap3A_1965 : vector<1x16xf32> to vector<16xf32>
      %swap3A_1967 = vector.shape_cast %broadcast_in_dim3A_1961 : vector<16xf32> to vector<1x16xf32>
      tpu.vector_store %arg6[%swap3A_1963, %swap3A_1964], %swap3A_1967 {strides = array<i32>} : memref<128x16xf32, #tpu.memory_space<vmem>>, vector<1x16xf32>,
      %broadcast_in_dim3A_1968 = arith.constant 0.000000e+00 : f32
      %broadcast_in_dim3A_1969 = vector.broadcast %broadcast_in_dim3A_1968 : f32 to vector<16xf32>
      %swap3A_1970 = arith.constant 121 : i32
      %swap3A_1971 = arith.index_cast %swap3A_1970 : i32 to index
      %swap3A_1972 = arith.constant 0 : index
      %swap3A_1973 = tpu.vector_load %arg6[%swap3A_1971, %swap3A_1972] {strides = array<i32>} : memref<128x16xf32, #tpu.memory_space<vmem>>, vector<1x16xf32>,
      %swap3A_1974 = vector.shape_cast %swap3A_1973 : vector<1x16xf32> to vector<16xf32>
      %swap3A_1975 = vector.shape_cast %broadcast_in_dim3A_1969 : vector<16xf32> to vector<1x16xf32>
      tpu.vector_store %arg6[%swap3A_1971, %swap3A_1972], %swap3A_1975 {strides = array<i32>} : memref<128x16xf32, #tpu.memory_space<vmem>>, vector<1x16xf32>,
      %broadcast_in_dim3A_1976 = arith.constant 0.000000e+00 : f32
      %broadcast_in_dim3A_1977 = vector.broadcast %broadcast_in_dim3A_1976 : f32 to vector<16xf32>
      %swap3A_1978 = arith.constant 122 : i32
      %swap3A_1979 = arith.index_cast %swap3A_1978 : i32 to index
      %swap3A_1980 = arith.constant 0 : index
      %swap3A_1981 = tpu.vector_load %arg6[%swap3A_1979, %swap3A_1980] {strides = array<i32>} : memref<128x16xf32, #tpu.memory_space<vmem>>, vector<1x16xf32>,
      %swap3A_1982 = vector.shape_cast %swap3A_1981 : vector<1x16xf32> to vector<16xf32>
      %swap3A_1983 = vector.shape_cast %broadcast_in_dim3A_1977 : vector<16xf32> to vector<1x16xf32>
      tpu.vector_store %arg6[%swap3A_1979, %swap3A_1980], %swap3A_1983 {strides = array<i32>} : memref<128x16xf32, #tpu.memory_space<vmem>>, vector<1x16xf32>,
      %broadcast_in_dim3A_1984 = arith.constant 0.000000e+00 : f32
      %broadcast_in_dim3A_1985 = vector.broadcast %broadcast_in_dim3A_1984 : f32 to vector<16xf32>
      %swap3A_1986 = arith.constant 123 : i32
      %swap3A_1987 = arith.index_cast %swap3A_1986 : i32 to index
      %swap3A_1988 = arith.constant 0 : index
      %swap3A_1989 = tpu.vector_load %arg6[%swap3A_1987, %swap3A_1988] {strides = array<i32>} : memref<128x16xf32, #tpu.memory_space<vmem>>, vector<1x16xf32>,
      %swap3A_1990 = vector.shape_cast %swap3A_1989 : vector<1x16xf32> to vector<16xf32>
      %swap3A_1991 = vector.shape_cast %broadcast_in_dim3A_1985 : vector<16xf32> to vector<1x16xf32>
      tpu.vector_store %arg6[%swap3A_1987, %swap3A_1988], %swap3A_1991 {strides = array<i32>} : memref<128x16xf32, #tpu.memory_space<vmem>>, vector<1x16xf32>,
      %broadcast_in_dim3A_1992 = arith.constant 0.000000e+00 : f32
      %broadcast_in_dim3A_1993 = vector.broadcast %broadcast_in_dim3A_1992 : f32 to vector<16xf32>
      %swap3A_1994 = arith.constant 124 : i32
      %swap3A_1995 = arith.index_cast %swap3A_1994 : i32 to index
      %swap3A_1996 = arith.constant 0 : index
      %swap3A_1997 = tpu.vector_load %arg6[%swap3A_1995, %swap3A_1996] {strides = array<i32>} : memref<128x16xf32, #tpu.memory_space<vmem>>, vector<1x16xf32>,
      %swap3A_1998 = vector.shape_cast %swap3A_1997 : vector<1x16xf32> to vector<16xf32>
      %swap3A_1999 = vector.shape_cast %broadcast_in_dim3A_1993 : vector<16xf32> to vector<1x16xf32>
      tpu.vector_store %arg6[%swap3A_1995, %swap3A_1996], %swap3A_1999 {strides = array<i32>} : memref<128x16xf32, #tpu.memory_space<vmem>>, vector<1x16xf32>,
      %broadcast_in_dim3A_2000 = arith.constant 0.000000e+00 : f32
      %broadcast_in_dim3A_2001 = vector.broadcast %broadcast_in_dim3A_2000 : f32 to vector<16xf32>
      %swap3A_2002 = arith.constant 125 : i32
      %swap3A_2003 = arith.index_cast %swap3A_2002 : i32 to index
      %swap3A_2004 = arith.constant 0 : index
      %swap3A_2005 = tpu.vector_load %arg6[%swap3A_2003, %swap3A_2004] {strides = array<i32>} : memref<128x16xf32, #tpu.memory_space<vmem>>, vector<1x16xf32>,
      %swap3A_2006 = vector.shape_cast %swap3A_2005 : vector<1x16xf32> to vector<16xf32>
      %swap3A_2007 = vector.shape_cast %broadcast_in_dim3A_2001 : vector<16xf32> to vector<1x16xf32>
      tpu.vector_store %arg6[%swap3A_2003, %swap3A_2004], %swap3A_2007 {strides = array<i32>} : memref<128x16xf32, #tpu.memory_space<vmem>>, vector<1x16xf32>,
      %broadcast_in_dim3A_2008 = arith.constant 0.000000e+00 : f32
      %broadcast_in_dim3A_2009 = vector.broadcast %broadcast_in_dim3A_2008 : f32 to vector<16xf32>
      %swap3A_2010 = arith.constant 126 : i32
      %swap3A_2011 = arith.index_cast %swap3A_2010 : i32 to index
      %swap3A_2012 = arith.constant 0 : index
      %swap3A_2013 = tpu.vector_load %arg6[%swap3A_2011, %swap3A_2012] {strides = array<i32>} : memref<128x16xf32, #tpu.memory_space<vmem>>, vector<1x16xf32>,
      %swap3A_2014 = vector.shape_cast %swap3A_2013 : vector<1x16xf32> to vector<16xf32>
      %swap3A_2015 = vector.shape_cast %broadcast_in_dim3A_2009 : vector<16xf32> to vector<1x16xf32>
      tpu.vector_store %arg6[%swap3A_2011, %swap3A_2012], %swap3A_2015 {strides = array<i32>} : memref<128x16xf32, #tpu.memory_space<vmem>>, vector<1x16xf32>,
      %broadcast_in_dim3A_2016 = arith.constant 0.000000e+00 : f32
      %broadcast_in_dim3A_2017 = vector.broadcast %broadcast_in_dim3A_2016 : f32 to vector<16xf32>
      %swap3A_2018 = arith.constant 127 : i32
      %swap3A_2019 = arith.index_cast %swap3A_2018 : i32 to index
      %swap3A_2020 = arith.constant 0 : index
      %swap3A_2021 = tpu.vector_load %arg6[%swap3A_2019, %swap3A_2020] {strides = array<i32>} : memref<128x16xf32, #tpu.memory_space<vmem>>, vector<1x16xf32>,
      %swap3A_2022 = vector.shape_cast %swap3A_2021 : vector<1x16xf32> to vector<16xf32>
      %swap3A_2023 = vector.shape_cast %broadcast_in_dim3A_2017 : vector<16xf32> to vector<1x16xf32>
      tpu.vector_store %arg6[%swap3A_2019, %swap3A_2020], %swap3A_2023 {strides = array<i32>} : memref<128x16xf32, #tpu.memory_space<vmem>>, vector<1x16xf32>,
      %mul3A = arith.constant 2500 : i32
      %mul3A_2024 = arith.muli %arg1, %mul3A : i32
      %add3A = arith.constant 0 : i32
      %add3A_2025 = arith.addi %mul3A_2024, %add3A : i32
      %dma_start3A = arith.constant 0 : i32
      %dma_start3A_2026 = tpu.memref_slice %arg3[%add3A_2025, %dma_start3A] : memref<40000x16xf32, #tpu.memory_space<hbm>> -> memref<125x16xf32, #tpu.memory_space<hbm>>
      %dma_start3A_2027 = arith.constant 0 : i32
      %dma_start3A_2028 = tpu.memref_slice %arg3[%add3A_2025, %dma_start3A_2027] : memref<40000x16xf32, #tpu.memory_space<hbm>> -> memref<125x16xf32, #tpu.memory_space<hbm>>
      tpu.enqueue_dma source(%arg4 : memref<125x16xf32, #tpu.memory_space<vmem>>) target(%dma_start3A_2028 : memref<125x16xf32, #tpu.memory_space<hbm>>) target_semaphore(%arg7 : memref<!tpu.dma_semaphore, #tpu.memory_space<semaphore_mem>>)
      %mul3A_2029 = arith.constant 2500 : i32
      %mul3A_2030 = arith.muli %arg1, %mul3A_2029 : i32
      %add3A_2031 = arith.constant 125 : i32
      %add3A_2032 = arith.addi %mul3A_2030, %add3A_2031 : i32
      %dma_start3A_2033 = arith.constant 0 : i32
      %dma_start3A_2034 = tpu.memref_slice %arg3[%add3A_2032, %dma_start3A_2033] : memref<40000x16xf32, #tpu.memory_space<hbm>> -> memref<125x16xf32, #tpu.memory_space<hbm>>
      %dma_start3A_2035 = arith.constant 0 : i32
      %dma_start3A_2036 = tpu.memref_slice %arg3[%add3A_2032, %dma_start3A_2035] : memref<40000x16xf32, #tpu.memory_space<hbm>> -> memref<125x16xf32, #tpu.memory_space<hbm>>
      tpu.enqueue_dma source(%arg4 : memref<125x16xf32, #tpu.memory_space<vmem>>) target(%dma_start3A_2036 : memref<125x16xf32, #tpu.memory_space<hbm>>) target_semaphore(%arg7 : memref<!tpu.dma_semaphore, #tpu.memory_space<semaphore_mem>>)
      %mul3A_2037 = arith.constant 2500 : i32
      %mul3A_2038 = arith.muli %arg1, %mul3A_2037 : i32
      %add3A_2039 = arith.constant 250 : i32
      %add3A_2040 = arith.addi %mul3A_2038, %add3A_2039 : i32
      %dma_start3A_2041 = arith.constant 0 : i32
      %dma_start3A_2042 = tpu.memref_slice %arg3[%add3A_2040, %dma_start3A_2041] : memref<40000x16xf32, #tpu.memory_space<hbm>> -> memref<125x16xf32, #tpu.memory_space<hbm>>
      %dma_start3A_2043 = arith.constant 0 : i32
      %dma_start3A_2044 = tpu.memref_slice %arg3[%add3A_2040, %dma_start3A_2043] : memref<40000x16xf32, #tpu.memory_space<hbm>> -> memref<125x16xf32, #tpu.memory_space<hbm>>
      tpu.enqueue_dma source(%arg4 : memref<125x16xf32, #tpu.memory_space<vmem>>) target(%dma_start3A_2044 : memref<125x16xf32, #tpu.memory_space<hbm>>) target_semaphore(%arg7 : memref<!tpu.dma_semaphore, #tpu.memory_space<semaphore_mem>>)
      %mul3A_2045 = arith.constant 2500 : i32
      %mul3A_2046 = arith.muli %arg1, %mul3A_2045 : i32
      %add3A_2047 = arith.constant 375 : i32
      %add3A_2048 = arith.addi %mul3A_2046, %add3A_2047 : i32
      %dma_start3A_2049 = arith.constant 0 : i32
      %dma_start3A_2050 = tpu.memref_slice %arg3[%add3A_2048, %dma_start3A_2049] : memref<40000x16xf32, #tpu.memory_space<hbm>> -> memref<125x16xf32, #tpu.memory_space<hbm>>
      %dma_start3A_2051 = arith.constant 0 : i32
      %dma_start3A_2052 = tpu.memref_slice %arg3[%add3A_2048, %dma_start3A_2051] : memref<40000x16xf32, #tpu.memory_space<hbm>> -> memref<125x16xf32, #tpu.memory_space<hbm>>
      tpu.enqueue_dma source(%arg4 : memref<125x16xf32, #tpu.memory_space<vmem>>) target(%dma_start3A_2052 : memref<125x16xf32, #tpu.memory_space<hbm>>) target_semaphore(%arg7 : memref<!tpu.dma_semaphore, #tpu.memory_space<semaphore_mem>>)
      %mul3A_2053 = arith.constant 2500 : i32
      %mul3A_2054 = arith.muli %arg1, %mul3A_2053 : i32
      %add3A_2055 = arith.constant 500 : i32
      %add3A_2056 = arith.addi %mul3A_2054, %add3A_2055 : i32
      %dma_start3A_2057 = arith.constant 0 : i32
      %dma_start3A_2058 = tpu.memref_slice %arg3[%add3A_2056, %dma_start3A_2057] : memref<40000x16xf32, #tpu.memory_space<hbm>> -> memref<125x16xf32, #tpu.memory_space<hbm>>
      %dma_start3A_2059 = arith.constant 0 : i32
      %dma_start3A_2060 = tpu.memref_slice %arg3[%add3A_2056, %dma_start3A_2059] : memref<40000x16xf32, #tpu.memory_space<hbm>> -> memref<125x16xf32, #tpu.memory_space<hbm>>
      tpu.enqueue_dma source(%arg4 : memref<125x16xf32, #tpu.memory_space<vmem>>) target(%dma_start3A_2060 : memref<125x16xf32, #tpu.memory_space<hbm>>) target_semaphore(%arg7 : memref<!tpu.dma_semaphore, #tpu.memory_space<semaphore_mem>>)
      %mul3A_2061 = arith.constant 2500 : i32
      %mul3A_2062 = arith.muli %arg1, %mul3A_2061 : i32
      %add3A_2063 = arith.constant 625 : i32
      %add3A_2064 = arith.addi %mul3A_2062, %add3A_2063 : i32
      %dma_start3A_2065 = arith.constant 0 : i32
      %dma_start3A_2066 = tpu.memref_slice %arg3[%add3A_2064, %dma_start3A_2065] : memref<40000x16xf32, #tpu.memory_space<hbm>> -> memref<125x16xf32, #tpu.memory_space<hbm>>
      %dma_start3A_2067 = arith.constant 0 : i32
      %dma_start3A_2068 = tpu.memref_slice %arg3[%add3A_2064, %dma_start3A_2067] : memref<40000x16xf32, #tpu.memory_space<hbm>> -> memref<125x16xf32, #tpu.memory_space<hbm>>
      tpu.enqueue_dma source(%arg4 : memref<125x16xf32, #tpu.memory_space<vmem>>) target(%dma_start3A_2068 : memref<125x16xf32, #tpu.memory_space<hbm>>) target_semaphore(%arg7 : memref<!tpu.dma_semaphore, #tpu.memory_space<semaphore_mem>>)
      %mul3A_2069 = arith.constant 2500 : i32
      %mul3A_2070 = arith.muli %arg1, %mul3A_2069 : i32
      %add3A_2071 = arith.constant 750 : i32
      %add3A_2072 = arith.addi %mul3A_2070, %add3A_2071 : i32
      %dma_start3A_2073 = arith.constant 0 : i32
      %dma_start3A_2074 = tpu.memref_slice %arg3[%add3A_2072, %dma_start3A_2073] : memref<40000x16xf32, #tpu.memory_space<hbm>> -> memref<125x16xf32, #tpu.memory_space<hbm>>
      %dma_start3A_2075 = arith.constant 0 : i32
      %dma_start3A_2076 = tpu.memref_slice %arg3[%add3A_2072, %dma_start3A_2075] : memref<40000x16xf32, #tpu.memory_space<hbm>> -> memref<125x16xf32, #tpu.memory_space<hbm>>
      tpu.enqueue_dma source(%arg4 : memref<125x16xf32, #tpu.memory_space<vmem>>) target(%dma_start3A_2076 : memref<125x16xf32, #tpu.memory_space<hbm>>) target_semaphore(%arg7 : memref<!tpu.dma_semaphore, #tpu.memory_space<semaphore_mem>>)
      %mul3A_2077 = arith.constant 2500 : i32
      %mul3A_2078 = arith.muli %arg1, %mul3A_2077 : i32
      %add3A_2079 = arith.constant 875 : i32
      %add3A_2080 = arith.addi %mul3A_2078, %add3A_2079 : i32
      %dma_start3A_2081 = arith.constant 0 : i32
      %dma_start3A_2082 = tpu.memref_slice %arg3[%add3A_2080, %dma_start3A_2081] : memref<40000x16xf32, #tpu.memory_space<hbm>> -> memref<125x16xf32, #tpu.memory_space<hbm>>
      %dma_start3A_2083 = arith.constant 0 : i32
      %dma_start3A_2084 = tpu.memref_slice %arg3[%add3A_2080, %dma_start3A_2083] : memref<40000x16xf32, #tpu.memory_space<hbm>> -> memref<125x16xf32, #tpu.memory_space<hbm>>
      tpu.enqueue_dma source(%arg4 : memref<125x16xf32, #tpu.memory_space<vmem>>) target(%dma_start3A_2084 : memref<125x16xf32, #tpu.memory_space<hbm>>) target_semaphore(%arg7 : memref<!tpu.dma_semaphore, #tpu.memory_space<semaphore_mem>>)
      %mul3A_2085 = arith.constant 2500 : i32
      %mul3A_2086 = arith.muli %arg1, %mul3A_2085 : i32
      %add3A_2087 = arith.constant 1000 : i32
      %add3A_2088 = arith.addi %mul3A_2086, %add3A_2087 : i32
      %dma_start3A_2089 = arith.constant 0 : i32
      %dma_start3A_2090 = tpu.memref_slice %arg3[%add3A_2088, %dma_start3A_2089] : memref<40000x16xf32, #tpu.memory_space<hbm>> -> memref<125x16xf32, #tpu.memory_space<hbm>>
      %dma_start3A_2091 = arith.constant 0 : i32
      %dma_start3A_2092 = tpu.memref_slice %arg3[%add3A_2088, %dma_start3A_2091] : memref<40000x16xf32, #tpu.memory_space<hbm>> -> memref<125x16xf32, #tpu.memory_space<hbm>>
      tpu.enqueue_dma source(%arg4 : memref<125x16xf32, #tpu.memory_space<vmem>>) target(%dma_start3A_2092 : memref<125x16xf32, #tpu.memory_space<hbm>>) target_semaphore(%arg7 : memref<!tpu.dma_semaphore, #tpu.memory_space<semaphore_mem>>)
      %mul3A_2093 = arith.constant 2500 : i32
      %mul3A_2094 = arith.muli %arg1, %mul3A_2093 : i32
      %add3A_2095 = arith.constant 1125 : i32
      %add3A_2096 = arith.addi %mul3A_2094, %add3A_2095 : i32
      %dma_start3A_2097 = arith.constant 0 : i32
      %dma_start3A_2098 = tpu.memref_slice %arg3[%add3A_2096, %dma_start3A_2097] : memref<40000x16xf32, #tpu.memory_space<hbm>> -> memref<125x16xf32, #tpu.memory_space<hbm>>
      %dma_start3A_2099 = arith.constant 0 : i32
      %dma_start3A_2100 = tpu.memref_slice %arg3[%add3A_2096, %dma_start3A_2099] : memref<40000x16xf32, #tpu.memory_space<hbm>> -> memref<125x16xf32, #tpu.memory_space<hbm>>
      tpu.enqueue_dma source(%arg4 : memref<125x16xf32, #tpu.memory_space<vmem>>) target(%dma_start3A_2100 : memref<125x16xf32, #tpu.memory_space<hbm>>) target_semaphore(%arg7 : memref<!tpu.dma_semaphore, #tpu.memory_space<semaphore_mem>>)
      %mul3A_2101 = arith.constant 2500 : i32
      %mul3A_2102 = arith.muli %arg1, %mul3A_2101 : i32
      %add3A_2103 = arith.constant 1250 : i32
      %add3A_2104 = arith.addi %mul3A_2102, %add3A_2103 : i32
      %dma_start3A_2105 = arith.constant 0 : i32
      %dma_start3A_2106 = tpu.memref_slice %arg3[%add3A_2104, %dma_start3A_2105] : memref<40000x16xf32, #tpu.memory_space<hbm>> -> memref<125x16xf32, #tpu.memory_space<hbm>>
      %dma_start3A_2107 = arith.constant 0 : i32
      %dma_start3A_2108 = tpu.memref_slice %arg3[%add3A_2104, %dma_start3A_2107] : memref<40000x16xf32, #tpu.memory_space<hbm>> -> memref<125x16xf32, #tpu.memory_space<hbm>>
      tpu.enqueue_dma source(%arg4 : memref<125x16xf32, #tpu.memory_space<vmem>>) target(%dma_start3A_2108 : memref<125x16xf32, #tpu.memory_space<hbm>>) target_semaphore(%arg7 : memref<!tpu.dma_semaphore, #tpu.memory_space<semaphore_mem>>)
      %mul3A_2109 = arith.constant 2500 : i32
      %mul3A_2110 = arith.muli %arg1, %mul3A_2109 : i32
      %add3A_2111 = arith.constant 1375 : i32
      %add3A_2112 = arith.addi %mul3A_2110, %add3A_2111 : i32
      %dma_start3A_2113 = arith.constant 0 : i32
      %dma_start3A_2114 = tpu.memref_slice %arg3[%add3A_2112, %dma_start3A_2113] : memref<40000x16xf32, #tpu.memory_space<hbm>> -> memref<125x16xf32, #tpu.memory_space<hbm>>
      %dma_start3A_2115 = arith.constant 0 : i32
      %dma_start3A_2116 = tpu.memref_slice %arg3[%add3A_2112, %dma_start3A_2115] : memref<40000x16xf32, #tpu.memory_space<hbm>> -> memref<125x16xf32, #tpu.memory_space<hbm>>
      tpu.enqueue_dma source(%arg4 : memref<125x16xf32, #tpu.memory_space<vmem>>) target(%dma_start3A_2116 : memref<125x16xf32, #tpu.memory_space<hbm>>) target_semaphore(%arg7 : memref<!tpu.dma_semaphore, #tpu.memory_space<semaphore_mem>>)
      %mul3A_2117 = arith.constant 2500 : i32
      %mul3A_2118 = arith.muli %arg1, %mul3A_2117 : i32
      %add3A_2119 = arith.constant 1500 : i32
      %add3A_2120 = arith.addi %mul3A_2118, %add3A_2119 : i32
      %dma_start3A_2121 = arith.constant 0 : i32
      %dma_start3A_2122 = tpu.memref_slice %arg3[%add3A_2120, %dma_start3A_2121] : memref<40000x16xf32, #tpu.memory_space<hbm>> -> memref<125x16xf32, #tpu.memory_space<hbm>>
      %dma_start3A_2123 = arith.constant 0 : i32
      %dma_start3A_2124 = tpu.memref_slice %arg3[%add3A_2120, %dma_start3A_2123] : memref<40000x16xf32, #tpu.memory_space<hbm>> -> memref<125x16xf32, #tpu.memory_space<hbm>>
      tpu.enqueue_dma source(%arg4 : memref<125x16xf32, #tpu.memory_space<vmem>>) target(%dma_start3A_2124 : memref<125x16xf32, #tpu.memory_space<hbm>>) target_semaphore(%arg7 : memref<!tpu.dma_semaphore, #tpu.memory_space<semaphore_mem>>)
      %mul3A_2125 = arith.constant 2500 : i32
      %mul3A_2126 = arith.muli %arg1, %mul3A_2125 : i32
      %add3A_2127 = arith.constant 1625 : i32
      %add3A_2128 = arith.addi %mul3A_2126, %add3A_2127 : i32
      %dma_start3A_2129 = arith.constant 0 : i32
      %dma_start3A_2130 = tpu.memref_slice %arg3[%add3A_2128, %dma_start3A_2129] : memref<40000x16xf32, #tpu.memory_space<hbm>> -> memref<125x16xf32, #tpu.memory_space<hbm>>
      %dma_start3A_2131 = arith.constant 0 : i32
      %dma_start3A_2132 = tpu.memref_slice %arg3[%add3A_2128, %dma_start3A_2131] : memref<40000x16xf32, #tpu.memory_space<hbm>> -> memref<125x16xf32, #tpu.memory_space<hbm>>
      tpu.enqueue_dma source(%arg4 : memref<125x16xf32, #tpu.memory_space<vmem>>) target(%dma_start3A_2132 : memref<125x16xf32, #tpu.memory_space<hbm>>) target_semaphore(%arg7 : memref<!tpu.dma_semaphore, #tpu.memory_space<semaphore_mem>>)
      %mul3A_2133 = arith.constant 2500 : i32
      %mul3A_2134 = arith.muli %arg1, %mul3A_2133 : i32
      %add3A_2135 = arith.constant 1750 : i32
      %add3A_2136 = arith.addi %mul3A_2134, %add3A_2135 : i32
      %dma_start3A_2137 = arith.constant 0 : i32
      %dma_start3A_2138 = tpu.memref_slice %arg3[%add3A_2136, %dma_start3A_2137] : memref<40000x16xf32, #tpu.memory_space<hbm>> -> memref<125x16xf32, #tpu.memory_space<hbm>>
      %dma_start3A_2139 = arith.constant 0 : i32
      %dma_start3A_2140 = tpu.memref_slice %arg3[%add3A_2136, %dma_start3A_2139] : memref<40000x16xf32, #tpu.memory_space<hbm>> -> memref<125x16xf32, #tpu.memory_space<hbm>>
      tpu.enqueue_dma source(%arg4 : memref<125x16xf32, #tpu.memory_space<vmem>>) target(%dma_start3A_2140 : memref<125x16xf32, #tpu.memory_space<hbm>>) target_semaphore(%arg7 : memref<!tpu.dma_semaphore, #tpu.memory_space<semaphore_mem>>)
      %mul3A_2141 = arith.constant 2500 : i32
      %mul3A_2142 = arith.muli %arg1, %mul3A_2141 : i32
      %add3A_2143 = arith.constant 1875 : i32
      %add3A_2144 = arith.addi %mul3A_2142, %add3A_2143 : i32
      %dma_start3A_2145 = arith.constant 0 : i32
      %dma_start3A_2146 = tpu.memref_slice %arg3[%add3A_2144, %dma_start3A_2145] : memref<40000x16xf32, #tpu.memory_space<hbm>> -> memref<125x16xf32, #tpu.memory_space<hbm>>
      %dma_start3A_2147 = arith.constant 0 : i32
      %dma_start3A_2148 = tpu.memref_slice %arg3[%add3A_2144, %dma_start3A_2147] : memref<40000x16xf32, #tpu.memory_space<hbm>> -> memref<125x16xf32, #tpu.memory_space<hbm>>
      tpu.enqueue_dma source(%arg4 : memref<125x16xf32, #tpu.memory_space<vmem>>) target(%dma_start3A_2148 : memref<125x16xf32, #tpu.memory_space<hbm>>) target_semaphore(%arg7 : memref<!tpu.dma_semaphore, #tpu.memory_space<semaphore_mem>>)
      %mul3A_2149 = arith.constant 2500 : i32
      %mul3A_2150 = arith.muli %arg1, %mul3A_2149 : i32
      %add3A_2151 = arith.constant 2000 : i32
      %add3A_2152 = arith.addi %mul3A_2150, %add3A_2151 : i32
      %dma_start3A_2153 = arith.constant 0 : i32
      %dma_start3A_2154 = tpu.memref_slice %arg3[%add3A_2152, %dma_start3A_2153] : memref<40000x16xf32, #tpu.memory_space<hbm>> -> memref<125x16xf32, #tpu.memory_space<hbm>>
      %dma_start3A_2155 = arith.constant 0 : i32
      %dma_start3A_2156 = tpu.memref_slice %arg3[%add3A_2152, %dma_start3A_2155] : memref<40000x16xf32, #tpu.memory_space<hbm>> -> memref<125x16xf32, #tpu.memory_space<hbm>>
      tpu.enqueue_dma source(%arg4 : memref<125x16xf32, #tpu.memory_space<vmem>>) target(%dma_start3A_2156 : memref<125x16xf32, #tpu.memory_space<hbm>>) target_semaphore(%arg7 : memref<!tpu.dma_semaphore, #tpu.memory_space<semaphore_mem>>)
      %mul3A_2157 = arith.constant 2500 : i32
      %mul3A_2158 = arith.muli %arg1, %mul3A_2157 : i32
      %add3A_2159 = arith.constant 2125 : i32
      %add3A_2160 = arith.addi %mul3A_2158, %add3A_2159 : i32
      %dma_start3A_2161 = arith.constant 0 : i32
      %dma_start3A_2162 = tpu.memref_slice %arg3[%add3A_2160, %dma_start3A_2161] : memref<40000x16xf32, #tpu.memory_space<hbm>> -> memref<125x16xf32, #tpu.memory_space<hbm>>
      %dma_start3A_2163 = arith.constant 0 : i32
      %dma_start3A_2164 = tpu.memref_slice %arg3[%add3A_2160, %dma_start3A_2163] : memref<40000x16xf32, #tpu.memory_space<hbm>> -> memref<125x16xf32, #tpu.memory_space<hbm>>
      tpu.enqueue_dma source(%arg4 : memref<125x16xf32, #tpu.memory_space<vmem>>) target(%dma_start3A_2164 : memref<125x16xf32, #tpu.memory_space<hbm>>) target_semaphore(%arg7 : memref<!tpu.dma_semaphore, #tpu.memory_space<semaphore_mem>>)
      %mul3A_2165 = arith.constant 2500 : i32
      %mul3A_2166 = arith.muli %arg1, %mul3A_2165 : i32
      %add3A_2167 = arith.constant 2250 : i32
      %add3A_2168 = arith.addi %mul3A_2166, %add3A_2167 : i32
      %dma_start3A_2169 = arith.constant 0 : i32
      %dma_start3A_2170 = tpu.memref_slice %arg3[%add3A_2168, %dma_start3A_2169] : memref<40000x16xf32, #tpu.memory_space<hbm>> -> memref<125x16xf32, #tpu.memory_space<hbm>>
      %dma_start3A_2171 = arith.constant 0 : i32
      %dma_start3A_2172 = tpu.memref_slice %arg3[%add3A_2168, %dma_start3A_2171] : memref<40000x16xf32, #tpu.memory_space<hbm>> -> memref<125x16xf32, #tpu.memory_space<hbm>>
      tpu.enqueue_dma source(%arg4 : memref<125x16xf32, #tpu.memory_space<vmem>>) target(%dma_start3A_2172 : memref<125x16xf32, #tpu.memory_space<hbm>>) target_semaphore(%arg7 : memref<!tpu.dma_semaphore, #tpu.memory_space<semaphore_mem>>)
      %mul3A_2173 = arith.constant 2500 : i32
      %mul3A_2174 = arith.muli %arg1, %mul3A_2173 : i32
      %add3A_2175 = arith.constant 2375 : i32
      %add3A_2176 = arith.addi %mul3A_2174, %add3A_2175 : i32
      %dma_start3A_2177 = arith.constant 0 : i32
      %dma_start3A_2178 = tpu.memref_slice %arg3[%add3A_2176, %dma_start3A_2177] : memref<40000x16xf32, #tpu.memory_space<hbm>> -> memref<125x16xf32, #tpu.memory_space<hbm>>
      %dma_start3A_2179 = arith.constant 0 : i32
      %dma_start3A_2180 = tpu.memref_slice %arg3[%add3A_2176, %dma_start3A_2179] : memref<40000x16xf32, #tpu.memory_space<hbm>> -> memref<125x16xf32, #tpu.memory_space<hbm>>
      tpu.enqueue_dma source(%arg4 : memref<125x16xf32, #tpu.memory_space<vmem>>) target(%dma_start3A_2180 : memref<125x16xf32, #tpu.memory_space<hbm>>) target_semaphore(%arg7 : memref<!tpu.dma_semaphore, #tpu.memory_space<semaphore_mem>>)
      %mul3A_2181 = arith.constant 10 : i32
      %mul3A_2182 = arith.muli %arg1, %mul3A_2181 : i32
      "tpu.region"() ({
        %run_scoped3A = tpu.sem_alloc : memref<!tpu.dma_semaphore, #tpu.memory_space<semaphore_mem>>
        %dma_start3A_2402 = arith.constant 0 : i32
        %dma_start3A_2403 = tpu.memref_slice %arg2[%mul3A_2182, %dma_start3A_2402] : memref<160x128xi32, #tpu.memory_space<hbm>> -> memref<10x128xi32, #tpu.memory_space<hbm>>
        %dma_start3A_2404 = arith.constant 0 : i32
        %dma_start3A_2405 = tpu.memref_slice %arg2[%mul3A_2182, %dma_start3A_2404] : memref<160x128xi32, #tpu.memory_space<hbm>> -> memref<10x128xi32, #tpu.memory_space<hbm>>
        tpu.enqueue_dma source(%dma_start3A_2405 : memref<10x128xi32, #tpu.memory_space<hbm>>) target(%arg5 : memref<10x128xi32, #tpu.memory_space<vmem>>) target_semaphore(%run_scoped3A : memref<!tpu.dma_semaphore, #tpu.memory_space<semaphore_mem>>)
        %dma_wait3A_2406 = arith.constant 0 : i32
        %dma_wait3A_2407 = tpu.memref_slice %arg2[%mul3A_2182, %dma_wait3A_2406] : memref<160x128xi32, #tpu.memory_space<hbm>> -> memref<10x128xi32, #tpu.memory_space<hbm>>
        %dma_wait3A_2408 = arith.constant 0 : i32
        %dma_wait3A_2409 = tpu.memref_slice %arg2[%mul3A_2182, %dma_wait3A_2408] : memref<160x128xi32, #tpu.memory_space<hbm>> -> memref<10x128xi32, #tpu.memory_space<hbm>>
        tpu.wait_dma2 semaphore(%run_scoped3A : memref<!tpu.dma_semaphore, #tpu.memory_space<semaphore_mem>>) src(%dma_wait3A_2409 : memref<10x128xi32, #tpu.memory_space<hbm>>) dst(%arg5 : memref<10x128xi32, #tpu.memory_space<vmem>>)
        tpu.yield
      }) : () -> ()
      %dma_wait3A = arith.constant 0 : i32
      %dma_wait3A_2183 = tpu.memref_slice %arg3[%add3A_2025, %dma_wait3A] : memref<40000x16xf32, #tpu.memory_space<hbm>> -> memref<125x16xf32, #tpu.memory_space<hbm>>
      %dma_wait3A_2184 = arith.constant 0 : i32
      %dma_wait3A_2185 = tpu.memref_slice %arg3[%add3A_2025, %dma_wait3A_2184] : memref<40000x16xf32, #tpu.memory_space<hbm>> -> memref<125x16xf32, #tpu.memory_space<hbm>>
      tpu.wait_dma2 semaphore(%arg7 : memref<!tpu.dma_semaphore, #tpu.memory_space<semaphore_mem>>) src(%arg4 : memref<125x16xf32, #tpu.memory_space<vmem>>) dst(%dma_wait3A_2185 : memref<125x16xf32, #tpu.memory_space<hbm>>)
      %dma_wait3A_2186 = arith.constant 0 : i32
      %dma_wait3A_2187 = tpu.memref_slice %arg3[%add3A_2032, %dma_wait3A_2186] : memref<40000x16xf32, #tpu.memory_space<hbm>> -> memref<125x16xf32, #tpu.memory_space<hbm>>
      %dma_wait3A_2188 = arith.constant 0 : i32
      %dma_wait3A_2189 = tpu.memref_slice %arg3[%add3A_2032, %dma_wait3A_2188] : memref<40000x16xf32, #tpu.memory_space<hbm>> -> memref<125x16xf32, #tpu.memory_space<hbm>>
      tpu.wait_dma2 semaphore(%arg7 : memref<!tpu.dma_semaphore, #tpu.memory_space<semaphore_mem>>) src(%arg4 : memref<125x16xf32, #tpu.memory_space<vmem>>) dst(%dma_wait3A_2189 : memref<125x16xf32, #tpu.memory_space<hbm>>)
      %dma_wait3A_2190 = arith.constant 0 : i32
      %dma_wait3A_2191 = tpu.memref_slice %arg3[%add3A_2040, %dma_wait3A_2190] : memref<40000x16xf32, #tpu.memory_space<hbm>> -> memref<125x16xf32, #tpu.memory_space<hbm>>
      %dma_wait3A_2192 = arith.constant 0 : i32
      %dma_wait3A_2193 = tpu.memref_slice %arg3[%add3A_2040, %dma_wait3A_2192] : memref<40000x16xf32, #tpu.memory_space<hbm>> -> memref<125x16xf32, #tpu.memory_space<hbm>>
      tpu.wait_dma2 semaphore(%arg7 : memref<!tpu.dma_semaphore, #tpu.memory_space<semaphore_mem>>) src(%arg4 : memref<125x16xf32, #tpu.memory_space<vmem>>) dst(%dma_wait3A_2193 : memref<125x16xf32, #tpu.memory_space<hbm>>)
      %dma_wait3A_2194 = arith.constant 0 : i32
      %dma_wait3A_2195 = tpu.memref_slice %arg3[%add3A_2048, %dma_wait3A_2194] : memref<40000x16xf32, #tpu.memory_space<hbm>> -> memref<125x16xf32, #tpu.memory_space<hbm>>
      %dma_wait3A_2196 = arith.constant 0 : i32
      %dma_wait3A_2197 = tpu.memref_slice %arg3[%add3A_2048, %dma_wait3A_2196] : memref<40000x16xf32, #tpu.memory_space<hbm>> -> memref<125x16xf32, #tpu.memory_space<hbm>>
      tpu.wait_dma2 semaphore(%arg7 : memref<!tpu.dma_semaphore, #tpu.memory_space<semaphore_mem>>) src(%arg4 : memref<125x16xf32, #tpu.memory_space<vmem>>) dst(%dma_wait3A_2197 : memref<125x16xf32, #tpu.memory_space<hbm>>)
      %dma_wait3A_2198 = arith.constant 0 : i32
      %dma_wait3A_2199 = tpu.memref_slice %arg3[%add3A_2056, %dma_wait3A_2198] : memref<40000x16xf32, #tpu.memory_space<hbm>> -> memref<125x16xf32, #tpu.memory_space<hbm>>
      %dma_wait3A_2200 = arith.constant 0 : i32
      %dma_wait3A_2201 = tpu.memref_slice %arg3[%add3A_2056, %dma_wait3A_2200] : memref<40000x16xf32, #tpu.memory_space<hbm>> -> memref<125x16xf32, #tpu.memory_space<hbm>>
      tpu.wait_dma2 semaphore(%arg7 : memref<!tpu.dma_semaphore, #tpu.memory_space<semaphore_mem>>) src(%arg4 : memref<125x16xf32, #tpu.memory_space<vmem>>) dst(%dma_wait3A_2201 : memref<125x16xf32, #tpu.memory_space<hbm>>)
      %dma_wait3A_2202 = arith.constant 0 : i32
      %dma_wait3A_2203 = tpu.memref_slice %arg3[%add3A_2064, %dma_wait3A_2202] : memref<40000x16xf32, #tpu.memory_space<hbm>> -> memref<125x16xf32, #tpu.memory_space<hbm>>
      %dma_wait3A_2204 = arith.constant 0 : i32
      %dma_wait3A_2205 = tpu.memref_slice %arg3[%add3A_2064, %dma_wait3A_2204] : memref<40000x16xf32, #tpu.memory_space<hbm>> -> memref<125x16xf32, #tpu.memory_space<hbm>>
      tpu.wait_dma2 semaphore(%arg7 : memref<!tpu.dma_semaphore, #tpu.memory_space<semaphore_mem>>) src(%arg4 : memref<125x16xf32, #tpu.memory_space<vmem>>) dst(%dma_wait3A_2205 : memref<125x16xf32, #tpu.memory_space<hbm>>)
      %dma_wait3A_2206 = arith.constant 0 : i32
      %dma_wait3A_2207 = tpu.memref_slice %arg3[%add3A_2072, %dma_wait3A_2206] : memref<40000x16xf32, #tpu.memory_space<hbm>> -> memref<125x16xf32, #tpu.memory_space<hbm>>
      %dma_wait3A_2208 = arith.constant 0 : i32
      %dma_wait3A_2209 = tpu.memref_slice %arg3[%add3A_2072, %dma_wait3A_2208] : memref<40000x16xf32, #tpu.memory_space<hbm>> -> memref<125x16xf32, #tpu.memory_space<hbm>>
      tpu.wait_dma2 semaphore(%arg7 : memref<!tpu.dma_semaphore, #tpu.memory_space<semaphore_mem>>) src(%arg4 : memref<125x16xf32, #tpu.memory_space<vmem>>) dst(%dma_wait3A_2209 : memref<125x16xf32, #tpu.memory_space<hbm>>)
      %dma_wait3A_2210 = arith.constant 0 : i32
      %dma_wait3A_2211 = tpu.memref_slice %arg3[%add3A_2080, %dma_wait3A_2210] : memref<40000x16xf32, #tpu.memory_space<hbm>> -> memref<125x16xf32, #tpu.memory_space<hbm>>
      %dma_wait3A_2212 = arith.constant 0 : i32
      %dma_wait3A_2213 = tpu.memref_slice %arg3[%add3A_2080, %dma_wait3A_2212] : memref<40000x16xf32, #tpu.memory_space<hbm>> -> memref<125x16xf32, #tpu.memory_space<hbm>>
      tpu.wait_dma2 semaphore(%arg7 : memref<!tpu.dma_semaphore, #tpu.memory_space<semaphore_mem>>) src(%arg4 : memref<125x16xf32, #tpu.memory_space<vmem>>) dst(%dma_wait3A_2213 : memref<125x16xf32, #tpu.memory_space<hbm>>)
      %dma_wait3A_2214 = arith.constant 0 : i32
      %dma_wait3A_2215 = tpu.memref_slice %arg3[%add3A_2088, %dma_wait3A_2214] : memref<40000x16xf32, #tpu.memory_space<hbm>> -> memref<125x16xf32, #tpu.memory_space<hbm>>
      %dma_wait3A_2216 = arith.constant 0 : i32
      %dma_wait3A_2217 = tpu.memref_slice %arg3[%add3A_2088, %dma_wait3A_2216] : memref<40000x16xf32, #tpu.memory_space<hbm>> -> memref<125x16xf32, #tpu.memory_space<hbm>>
      tpu.wait_dma2 semaphore(%arg7 : memref<!tpu.dma_semaphore, #tpu.memory_space<semaphore_mem>>) src(%arg4 : memref<125x16xf32, #tpu.memory_space<vmem>>) dst(%dma_wait3A_2217 : memref<125x16xf32, #tpu.memory_space<hbm>>)
      %dma_wait3A_2218 = arith.constant 0 : i32
      %dma_wait3A_2219 = tpu.memref_slice %arg3[%add3A_2096, %dma_wait3A_2218] : memref<40000x16xf32, #tpu.memory_space<hbm>> -> memref<125x16xf32, #tpu.memory_space<hbm>>
      %dma_wait3A_2220 = arith.constant 0 : i32
      %dma_wait3A_2221 = tpu.memref_slice %arg3[%add3A_2096, %dma_wait3A_2220] : memref<40000x16xf32, #tpu.memory_space<hbm>> -> memref<125x16xf32, #tpu.memory_space<hbm>>
      tpu.wait_dma2 semaphore(%arg7 : memref<!tpu.dma_semaphore, #tpu.memory_space<semaphore_mem>>) src(%arg4 : memref<125x16xf32, #tpu.memory_space<vmem>>) dst(%dma_wait3A_2221 : memref<125x16xf32, #tpu.memory_space<hbm>>)
      %dma_wait3A_2222 = arith.constant 0 : i32
      %dma_wait3A_2223 = tpu.memref_slice %arg3[%add3A_2104, %dma_wait3A_2222] : memref<40000x16xf32, #tpu.memory_space<hbm>> -> memref<125x16xf32, #tpu.memory_space<hbm>>
      %dma_wait3A_2224 = arith.constant 0 : i32
      %dma_wait3A_2225 = tpu.memref_slice %arg3[%add3A_2104, %dma_wait3A_2224] : memref<40000x16xf32, #tpu.memory_space<hbm>> -> memref<125x16xf32, #tpu.memory_space<hbm>>
      tpu.wait_dma2 semaphore(%arg7 : memref<!tpu.dma_semaphore, #tpu.memory_space<semaphore_mem>>) src(%arg4 : memref<125x16xf32, #tpu.memory_space<vmem>>) dst(%dma_wait3A_2225 : memref<125x16xf32, #tpu.memory_space<hbm>>)
      %dma_wait3A_2226 = arith.constant 0 : i32
      %dma_wait3A_2227 = tpu.memref_slice %arg3[%add3A_2112, %dma_wait3A_2226] : memref<40000x16xf32, #tpu.memory_space<hbm>> -> memref<125x16xf32, #tpu.memory_space<hbm>>
      %dma_wait3A_2228 = arith.constant 0 : i32
      %dma_wait3A_2229 = tpu.memref_slice %arg3[%add3A_2112, %dma_wait3A_2228] : memref<40000x16xf32, #tpu.memory_space<hbm>> -> memref<125x16xf32, #tpu.memory_space<hbm>>
      tpu.wait_dma2 semaphore(%arg7 : memref<!tpu.dma_semaphore, #tpu.memory_space<semaphore_mem>>) src(%arg4 : memref<125x16xf32, #tpu.memory_space<vmem>>) dst(%dma_wait3A_2229 : memref<125x16xf32, #tpu.memory_space<hbm>>)
      %dma_wait3A_2230 = arith.constant 0 : i32
      %dma_wait3A_2231 = tpu.memref_slice %arg3[%add3A_2120, %dma_wait3A_2230] : memref<40000x16xf32, #tpu.memory_space<hbm>> -> memref<125x16xf32, #tpu.memory_space<hbm>>
      %dma_wait3A_2232 = arith.constant 0 : i32
      %dma_wait3A_2233 = tpu.memref_slice %arg3[%add3A_2120, %dma_wait3A_2232] : memref<40000x16xf32, #tpu.memory_space<hbm>> -> memref<125x16xf32, #tpu.memory_space<hbm>>
      tpu.wait_dma2 semaphore(%arg7 : memref<!tpu.dma_semaphore, #tpu.memory_space<semaphore_mem>>) src(%arg4 : memref<125x16xf32, #tpu.memory_space<vmem>>) dst(%dma_wait3A_2233 : memref<125x16xf32, #tpu.memory_space<hbm>>)
      %dma_wait3A_2234 = arith.constant 0 : i32
      %dma_wait3A_2235 = tpu.memref_slice %arg3[%add3A_2128, %dma_wait3A_2234] : memref<40000x16xf32, #tpu.memory_space<hbm>> -> memref<125x16xf32, #tpu.memory_space<hbm>>
      %dma_wait3A_2236 = arith.constant 0 : i32
      %dma_wait3A_2237 = tpu.memref_slice %arg3[%add3A_2128, %dma_wait3A_2236] : memref<40000x16xf32, #tpu.memory_space<hbm>> -> memref<125x16xf32, #tpu.memory_space<hbm>>
      tpu.wait_dma2 semaphore(%arg7 : memref<!tpu.dma_semaphore, #tpu.memory_space<semaphore_mem>>) src(%arg4 : memref<125x16xf32, #tpu.memory_space<vmem>>) dst(%dma_wait3A_2237 : memref<125x16xf32, #tpu.memory_space<hbm>>)
      %dma_wait3A_2238 = arith.constant 0 : i32
      %dma_wait3A_2239 = tpu.memref_slice %arg3[%add3A_2136, %dma_wait3A_2238] : memref<40000x16xf32, #tpu.memory_space<hbm>> -> memref<125x16xf32, #tpu.memory_space<hbm>>
      %dma_wait3A_2240 = arith.constant 0 : i32
      %dma_wait3A_2241 = tpu.memref_slice %arg3[%add3A_2136, %dma_wait3A_2240] : memref<40000x16xf32, #tpu.memory_space<hbm>> -> memref<125x16xf32, #tpu.memory_space<hbm>>
      tpu.wait_dma2 semaphore(%arg7 : memref<!tpu.dma_semaphore, #tpu.memory_space<semaphore_mem>>) src(%arg4 : memref<125x16xf32, #tpu.memory_space<vmem>>) dst(%dma_wait3A_2241 : memref<125x16xf32, #tpu.memory_space<hbm>>)
      %dma_wait3A_2242 = arith.constant 0 : i32
      %dma_wait3A_2243 = tpu.memref_slice %arg3[%add3A_2144, %dma_wait3A_2242] : memref<40000x16xf32, #tpu.memory_space<hbm>> -> memref<125x16xf32, #tpu.memory_space<hbm>>
      %dma_wait3A_2244 = arith.constant 0 : i32
      %dma_wait3A_2245 = tpu.memref_slice %arg3[%add3A_2144, %dma_wait3A_2244] : memref<40000x16xf32, #tpu.memory_space<hbm>> -> memref<125x16xf32, #tpu.memory_space<hbm>>
      tpu.wait_dma2 semaphore(%arg7 : memref<!tpu.dma_semaphore, #tpu.memory_space<semaphore_mem>>) src(%arg4 : memref<125x16xf32, #tpu.memory_space<vmem>>) dst(%dma_wait3A_2245 : memref<125x16xf32, #tpu.memory_space<hbm>>)
      %dma_wait3A_2246 = arith.constant 0 : i32
      %dma_wait3A_2247 = tpu.memref_slice %arg3[%add3A_2152, %dma_wait3A_2246] : memref<40000x16xf32, #tpu.memory_space<hbm>> -> memref<125x16xf32, #tpu.memory_space<hbm>>
      %dma_wait3A_2248 = arith.constant 0 : i32
      %dma_wait3A_2249 = tpu.memref_slice %arg3[%add3A_2152, %dma_wait3A_2248] : memref<40000x16xf32, #tpu.memory_space<hbm>> -> memref<125x16xf32, #tpu.memory_space<hbm>>
      tpu.wait_dma2 semaphore(%arg7 : memref<!tpu.dma_semaphore, #tpu.memory_space<semaphore_mem>>) src(%arg4 : memref<125x16xf32, #tpu.memory_space<vmem>>) dst(%dma_wait3A_2249 : memref<125x16xf32, #tpu.memory_space<hbm>>)
      %dma_wait3A_2250 = arith.constant 0 : i32
      %dma_wait3A_2251 = tpu.memref_slice %arg3[%add3A_2160, %dma_wait3A_2250] : memref<40000x16xf32, #tpu.memory_space<hbm>> -> memref<125x16xf32, #tpu.memory_space<hbm>>
      %dma_wait3A_2252 = arith.constant 0 : i32
      %dma_wait3A_2253 = tpu.memref_slice %arg3[%add3A_2160, %dma_wait3A_2252] : memref<40000x16xf32, #tpu.memory_space<hbm>> -> memref<125x16xf32, #tpu.memory_space<hbm>>
      tpu.wait_dma2 semaphore(%arg7 : memref<!tpu.dma_semaphore, #tpu.memory_space<semaphore_mem>>) src(%arg4 : memref<125x16xf32, #tpu.memory_space<vmem>>) dst(%dma_wait3A_2253 : memref<125x16xf32, #tpu.memory_space<hbm>>)
      %dma_wait3A_2254 = arith.constant 0 : i32
      %dma_wait3A_2255 = tpu.memref_slice %arg3[%add3A_2168, %dma_wait3A_2254] : memref<40000x16xf32, #tpu.memory_space<hbm>> -> memref<125x16xf32, #tpu.memory_space<hbm>>
      %dma_wait3A_2256 = arith.constant 0 : i32
      %dma_wait3A_2257 = tpu.memref_slice %arg3[%add3A_2168, %dma_wait3A_2256] : memref<40000x16xf32, #tpu.memory_space<hbm>> -> memref<125x16xf32, #tpu.memory_space<hbm>>
      tpu.wait_dma2 semaphore(%arg7 : memref<!tpu.dma_semaphore, #tpu.memory_space<semaphore_mem>>) src(%arg4 : memref<125x16xf32, #tpu.memory_space<vmem>>) dst(%dma_wait3A_2257 : memref<125x16xf32, #tpu.memory_space<hbm>>)
      %dma_wait3A_2258 = arith.constant 0 : i32
      %dma_wait3A_2259 = tpu.memref_slice %arg3[%add3A_2176, %dma_wait3A_2258] : memref<40000x16xf32, #tpu.memory_space<hbm>> -> memref<125x16xf32, #tpu.memory_space<hbm>>
      %dma_wait3A_2260 = arith.constant 0 : i32
      %dma_wait3A_2261 = tpu.memref_slice %arg3[%add3A_2176, %dma_wait3A_2260] : memref<40000x16xf32, #tpu.memory_space<hbm>> -> memref<125x16xf32, #tpu.memory_space<hbm>>
      tpu.wait_dma2 semaphore(%arg7 : memref<!tpu.dma_semaphore, #tpu.memory_space<semaphore_mem>>) src(%arg4 : memref<125x16xf32, #tpu.memory_space<vmem>>) dst(%dma_wait3A_2261 : memref<125x16xf32, #tpu.memory_space<hbm>>)
      %barrier3A = arith.constant 0 : index
      tpu.barrier barrier_id(%barrier3A)
      %dma_start3A_2262 = arith.constant 0 : i32
      %dma_start3A_2263 = arith.constant 0 : i32
      %dma_start3A_2264 = tpu.memref_slice %arg5[%dma_start3A_2262, %dma_start3A_2263] : memref<10x128xi32, #tpu.memory_space<vmem>> -> memref<1x128xi32, #tpu.memory_space<vmem>>
      %dma_start3A_2265 = tpu.memref_squeeze %dma_start3A_2264 : memref<1x128xi32, #tpu.memory_space<vmem>> -> memref<128xi32, #tpu.memory_space<vmem>>
      %dma_start3A_2266 = arith.constant 0 : i32
      %dma_start3A_2267 = arith.constant 0 : i32
      %dma_start3A_2268 = tpu.memref_slice %arg3[%dma_start3A_2266, %dma_start3A_2267] : memref<40000x16xf32, #tpu.memory_space<hbm>> -> memref<40000x16xf32, #tpu.memory_space<hbm>>
      tpu.enqueue_indirect_dma source(%arg6 : memref<128x16xf32, #tpu.memory_space<vmem>>) target(%dma_start3A_2268 : memref<40000x16xf32, #tpu.memory_space<hbm>>) offsets(%dma_start3A_2265 : memref<128xi32, #tpu.memory_space<vmem>>) semaphore(%arg7 : memref<!tpu.dma_semaphore, #tpu.memory_space<semaphore_mem>>)
      %dma_start3A_2269 = arith.constant 1 : i32
      %dma_start3A_2270 = arith.constant 0 : i32
      %dma_start3A_2271 = tpu.memref_slice %arg5[%dma_start3A_2269, %dma_start3A_2270] : memref<10x128xi32, #tpu.memory_space<vmem>> -> memref<1x128xi32, #tpu.memory_space<vmem>>
      %dma_start3A_2272 = tpu.memref_squeeze %dma_start3A_2271 : memref<1x128xi32, #tpu.memory_space<vmem>> -> memref<128xi32, #tpu.memory_space<vmem>>
      %dma_start3A_2273 = arith.constant 0 : i32
      %dma_start3A_2274 = arith.constant 0 : i32
      %dma_start3A_2275 = tpu.memref_slice %arg3[%dma_start3A_2273, %dma_start3A_2274] : memref<40000x16xf32, #tpu.memory_space<hbm>> -> memref<40000x16xf32, #tpu.memory_space<hbm>>
      tpu.enqueue_indirect_dma source(%arg6 : memref<128x16xf32, #tpu.memory_space<vmem>>) target(%dma_start3A_2275 : memref<40000x16xf32, #tpu.memory_space<hbm>>) offsets(%dma_start3A_2272 : memref<128xi32, #tpu.memory_space<vmem>>) semaphore(%arg7 : memref<!tpu.dma_semaphore, #tpu.memory_space<semaphore_mem>>)
      %dma_start3A_2276 = arith.constant 2 : i32
      %dma_start3A_2277 = arith.constant 0 : i32
      %dma_start3A_2278 = tpu.memref_slice %arg5[%dma_start3A_2276, %dma_start3A_2277] : memref<10x128xi32, #tpu.memory_space<vmem>> -> memref<1x128xi32, #tpu.memory_space<vmem>>
      %dma_start3A_2279 = tpu.memref_squeeze %dma_start3A_2278 : memref<1x128xi32, #tpu.memory_space<vmem>> -> memref<128xi32, #tpu.memory_space<vmem>>
      %dma_start3A_2280 = arith.constant 0 : i32
      %dma_start3A_2281 = arith.constant 0 : i32
      %dma_start3A_2282 = tpu.memref_slice %arg3[%dma_start3A_2280, %dma_start3A_2281] : memref<40000x16xf32, #tpu.memory_space<hbm>> -> memref<40000x16xf32, #tpu.memory_space<hbm>>
      tpu.enqueue_indirect_dma source(%arg6 : memref<128x16xf32, #tpu.memory_space<vmem>>) target(%dma_start3A_2282 : memref<40000x16xf32, #tpu.memory_space<hbm>>) offsets(%dma_start3A_2279 : memref<128xi32, #tpu.memory_space<vmem>>) semaphore(%arg7 : memref<!tpu.dma_semaphore, #tpu.memory_space<semaphore_mem>>)
      %dma_start3A_2283 = arith.constant 3 : i32
      %dma_start3A_2284 = arith.constant 0 : i32
      %dma_start3A_2285 = tpu.memref_slice %arg5[%dma_start3A_2283, %dma_start3A_2284] : memref<10x128xi32, #tpu.memory_space<vmem>> -> memref<1x128xi32, #tpu.memory_space<vmem>>
      %dma_start3A_2286 = tpu.memref_squeeze %dma_start3A_2285 : memref<1x128xi32, #tpu.memory_space<vmem>> -> memref<128xi32, #tpu.memory_space<vmem>>
      %dma_start3A_2287 = arith.constant 0 : i32
      %dma_start3A_2288 = arith.constant 0 : i32
      %dma_start3A_2289 = tpu.memref_slice %arg3[%dma_start3A_2287, %dma_start3A_2288] : memref<40000x16xf32, #tpu.memory_space<hbm>> -> memref<40000x16xf32, #tpu.memory_space<hbm>>
      tpu.enqueue_indirect_dma source(%arg6 : memref<128x16xf32, #tpu.memory_space<vmem>>) target(%dma_start3A_2289 : memref<40000x16xf32, #tpu.memory_space<hbm>>) offsets(%dma_start3A_2286 : memref<128xi32, #tpu.memory_space<vmem>>) semaphore(%arg7 : memref<!tpu.dma_semaphore, #tpu.memory_space<semaphore_mem>>)
      %dma_start3A_2290 = arith.constant 4 : i32
      %dma_start3A_2291 = arith.constant 0 : i32
      %dma_start3A_2292 = tpu.memref_slice %arg5[%dma_start3A_2290, %dma_start3A_2291] : memref<10x128xi32, #tpu.memory_space<vmem>> -> memref<1x128xi32, #tpu.memory_space<vmem>>
      %dma_start3A_2293 = tpu.memref_squeeze %dma_start3A_2292 : memref<1x128xi32, #tpu.memory_space<vmem>> -> memref<128xi32, #tpu.memory_space<vmem>>
      %dma_start3A_2294 = arith.constant 0 : i32
      %dma_start3A_2295 = arith.constant 0 : i32
      %dma_start3A_2296 = tpu.memref_slice %arg3[%dma_start3A_2294, %dma_start3A_2295] : memref<40000x16xf32, #tpu.memory_space<hbm>> -> memref<40000x16xf32, #tpu.memory_space<hbm>>
      tpu.enqueue_indirect_dma source(%arg6 : memref<128x16xf32, #tpu.memory_space<vmem>>) target(%dma_start3A_2296 : memref<40000x16xf32, #tpu.memory_space<hbm>>) offsets(%dma_start3A_2293 : memref<128xi32, #tpu.memory_space<vmem>>) semaphore(%arg7 : memref<!tpu.dma_semaphore, #tpu.memory_space<semaphore_mem>>)
      %dma_start3A_2297 = arith.constant 5 : i32
      %dma_start3A_2298 = arith.constant 0 : i32
      %dma_start3A_2299 = tpu.memref_slice %arg5[%dma_start3A_2297, %dma_start3A_2298] : memref<10x128xi32, #tpu.memory_space<vmem>> -> memref<1x128xi32, #tpu.memory_space<vmem>>
      %dma_start3A_2300 = tpu.memref_squeeze %dma_start3A_2299 : memref<1x128xi32, #tpu.memory_space<vmem>> -> memref<128xi32, #tpu.memory_space<vmem>>
      %dma_start3A_2301 = arith.constant 0 : i32
      %dma_start3A_2302 = arith.constant 0 : i32
      %dma_start3A_2303 = tpu.memref_slice %arg3[%dma_start3A_2301, %dma_start3A_2302] : memref<40000x16xf32, #tpu.memory_space<hbm>> -> memref<40000x16xf32, #tpu.memory_space<hbm>>
      tpu.enqueue_indirect_dma source(%arg6 : memref<128x16xf32, #tpu.memory_space<vmem>>) target(%dma_start3A_2303 : memref<40000x16xf32, #tpu.memory_space<hbm>>) offsets(%dma_start3A_2300 : memref<128xi32, #tpu.memory_space<vmem>>) semaphore(%arg7 : memref<!tpu.dma_semaphore, #tpu.memory_space<semaphore_mem>>)
      %dma_start3A_2304 = arith.constant 6 : i32
      %dma_start3A_2305 = arith.constant 0 : i32
      %dma_start3A_2306 = tpu.memref_slice %arg5[%dma_start3A_2304, %dma_start3A_2305] : memref<10x128xi32, #tpu.memory_space<vmem>> -> memref<1x128xi32, #tpu.memory_space<vmem>>
      %dma_start3A_2307 = tpu.memref_squeeze %dma_start3A_2306 : memref<1x128xi32, #tpu.memory_space<vmem>> -> memref<128xi32, #tpu.memory_space<vmem>>
      %dma_start3A_2308 = arith.constant 0 : i32
      %dma_start3A_2309 = arith.constant 0 : i32
      %dma_start3A_2310 = tpu.memref_slice %arg3[%dma_start3A_2308, %dma_start3A_2309] : memref<40000x16xf32, #tpu.memory_space<hbm>> -> memref<40000x16xf32, #tpu.memory_space<hbm>>
      tpu.enqueue_indirect_dma source(%arg6 : memref<128x16xf32, #tpu.memory_space<vmem>>) target(%dma_start3A_2310 : memref<40000x16xf32, #tpu.memory_space<hbm>>) offsets(%dma_start3A_2307 : memref<128xi32, #tpu.memory_space<vmem>>) semaphore(%arg7 : memref<!tpu.dma_semaphore, #tpu.memory_space<semaphore_mem>>)
      %dma_start3A_2311 = arith.constant 7 : i32
      %dma_start3A_2312 = arith.constant 0 : i32
      %dma_start3A_2313 = tpu.memref_slice %arg5[%dma_start3A_2311, %dma_start3A_2312] : memref<10x128xi32, #tpu.memory_space<vmem>> -> memref<1x128xi32, #tpu.memory_space<vmem>>
      %dma_start3A_2314 = tpu.memref_squeeze %dma_start3A_2313 : memref<1x128xi32, #tpu.memory_space<vmem>> -> memref<128xi32, #tpu.memory_space<vmem>>
      %dma_start3A_2315 = arith.constant 0 : i32
      %dma_start3A_2316 = arith.constant 0 : i32
      %dma_start3A_2317 = tpu.memref_slice %arg3[%dma_start3A_2315, %dma_start3A_2316] : memref<40000x16xf32, #tpu.memory_space<hbm>> -> memref<40000x16xf32, #tpu.memory_space<hbm>>
      tpu.enqueue_indirect_dma source(%arg6 : memref<128x16xf32, #tpu.memory_space<vmem>>) target(%dma_start3A_2317 : memref<40000x16xf32, #tpu.memory_space<hbm>>) offsets(%dma_start3A_2314 : memref<128xi32, #tpu.memory_space<vmem>>) semaphore(%arg7 : memref<!tpu.dma_semaphore, #tpu.memory_space<semaphore_mem>>)
      %dma_start3A_2318 = arith.constant 8 : i32
      %dma_start3A_2319 = arith.constant 0 : i32
      %dma_start3A_2320 = tpu.memref_slice %arg5[%dma_start3A_2318, %dma_start3A_2319] : memref<10x128xi32, #tpu.memory_space<vmem>> -> memref<1x128xi32, #tpu.memory_space<vmem>>
      %dma_start3A_2321 = tpu.memref_squeeze %dma_start3A_2320 : memref<1x128xi32, #tpu.memory_space<vmem>> -> memref<128xi32, #tpu.memory_space<vmem>>
      %dma_start3A_2322 = arith.constant 0 : i32
      %dma_start3A_2323 = arith.constant 0 : i32
      %dma_start3A_2324 = tpu.memref_slice %arg3[%dma_start3A_2322, %dma_start3A_2323] : memref<40000x16xf32, #tpu.memory_space<hbm>> -> memref<40000x16xf32, #tpu.memory_space<hbm>>
      tpu.enqueue_indirect_dma source(%arg6 : memref<128x16xf32, #tpu.memory_space<vmem>>) target(%dma_start3A_2324 : memref<40000x16xf32, #tpu.memory_space<hbm>>) offsets(%dma_start3A_2321 : memref<128xi32, #tpu.memory_space<vmem>>) semaphore(%arg7 : memref<!tpu.dma_semaphore, #tpu.memory_space<semaphore_mem>>)
      %dma_start3A_2325 = arith.constant 9 : i32
      %dma_start3A_2326 = arith.constant 0 : i32
      %dma_start3A_2327 = tpu.memref_slice %arg5[%dma_start3A_2325, %dma_start3A_2326] : memref<10x128xi32, #tpu.memory_space<vmem>> -> memref<1x128xi32, #tpu.memory_space<vmem>>
      %dma_start3A_2328 = tpu.memref_squeeze %dma_start3A_2327 : memref<1x128xi32, #tpu.memory_space<vmem>> -> memref<128xi32, #tpu.memory_space<vmem>>
      %dma_start3A_2329 = arith.constant 0 : i32
      %dma_start3A_2330 = arith.constant 0 : i32
      %dma_start3A_2331 = tpu.memref_slice %arg3[%dma_start3A_2329, %dma_start3A_2330] : memref<40000x16xf32, #tpu.memory_space<hbm>> -> memref<40000x16xf32, #tpu.memory_space<hbm>>
      tpu.enqueue_indirect_dma source(%arg6 : memref<128x16xf32, #tpu.memory_space<vmem>>) target(%dma_start3A_2331 : memref<40000x16xf32, #tpu.memory_space<hbm>>) offsets(%dma_start3A_2328 : memref<128xi32, #tpu.memory_space<vmem>>) semaphore(%arg7 : memref<!tpu.dma_semaphore, #tpu.memory_space<semaphore_mem>>)
      %dma_wait3A_2332 = arith.constant 0 : i32
      %dma_wait3A_2333 = arith.constant 0 : i32
      %dma_wait3A_2334 = tpu.memref_slice %arg5[%dma_wait3A_2332, %dma_wait3A_2333] : memref<10x128xi32, #tpu.memory_space<vmem>> -> memref<1x128xi32, #tpu.memory_space<vmem>>
      %dma_wait3A_2335 = tpu.memref_squeeze %dma_wait3A_2334 : memref<1x128xi32, #tpu.memory_space<vmem>> -> memref<128xi32, #tpu.memory_space<vmem>>
      %dma_wait3A_2336 = arith.constant 0 : i32
      %dma_wait3A_2337 = arith.constant 0 : i32
      %dma_wait3A_2338 = tpu.memref_slice %arg3[%dma_wait3A_2336, %dma_wait3A_2337] : memref<40000x16xf32, #tpu.memory_space<hbm>> -> memref<40000x16xf32, #tpu.memory_space<hbm>>
      tpu.wait_indirect_dma semaphore(%arg7 : memref<!tpu.dma_semaphore, #tpu.memory_space<semaphore_mem>>) src(%arg6 : memref<128x16xf32, #tpu.memory_space<vmem>>) dst(%dma_wait3A_2338 : memref<40000x16xf32, #tpu.memory_space<hbm>>)
      %dma_wait3A_2339 = arith.constant 1 : i32
      %dma_wait3A_2340 = arith.constant 0 : i32
      %dma_wait3A_2341 = tpu.memref_slice %arg5[%dma_wait3A_2339, %dma_wait3A_2340] : memref<10x128xi32, #tpu.memory_space<vmem>> -> memref<1x128xi32, #tpu.memory_space<vmem>>
      %dma_wait3A_2342 = tpu.memref_squeeze %dma_wait3A_2341 : memref<1x128xi32, #tpu.memory_space<vmem>> -> memref<128xi32, #tpu.memory_space<vmem>>
      %dma_wait3A_2343 = arith.constant 0 : i32
      %dma_wait3A_2344 = arith.constant 0 : i32
      %dma_wait3A_2345 = tpu.memref_slice %arg3[%dma_wait3A_2343, %dma_wait3A_2344] : memref<40000x16xf32, #tpu.memory_space<hbm>> -> memref<40000x16xf32, #tpu.memory_space<hbm>>
      tpu.wait_indirect_dma semaphore(%arg7 : memref<!tpu.dma_semaphore, #tpu.memory_space<semaphore_mem>>) src(%arg6 : memref<128x16xf32, #tpu.memory_space<vmem>>) dst(%dma_wait3A_2345 : memref<40000x16xf32, #tpu.memory_space<hbm>>)
      %dma_wait3A_2346 = arith.constant 2 : i32
      %dma_wait3A_2347 = arith.constant 0 : i32
      %dma_wait3A_2348 = tpu.memref_slice %arg5[%dma_wait3A_2346, %dma_wait3A_2347] : memref<10x128xi32, #tpu.memory_space<vmem>> -> memref<1x128xi32, #tpu.memory_space<vmem>>
      %dma_wait3A_2349 = tpu.memref_squeeze %dma_wait3A_2348 : memref<1x128xi32, #tpu.memory_space<vmem>> -> memref<128xi32, #tpu.memory_space<vmem>>
      %dma_wait3A_2350 = arith.constant 0 : i32
      %dma_wait3A_2351 = arith.constant 0 : i32
      %dma_wait3A_2352 = tpu.memref_slice %arg3[%dma_wait3A_2350, %dma_wait3A_2351] : memref<40000x16xf32, #tpu.memory_space<hbm>> -> memref<40000x16xf32, #tpu.memory_space<hbm>>
      tpu.wait_indirect_dma semaphore(%arg7 : memref<!tpu.dma_semaphore, #tpu.memory_space<semaphore_mem>>) src(%arg6 : memref<128x16xf32, #tpu.memory_space<vmem>>) dst(%dma_wait3A_2352 : memref<40000x16xf32, #tpu.memory_space<hbm>>)
      %dma_wait3A_2353 = arith.constant 3 : i32
      %dma_wait3A_2354 = arith.constant 0 : i32
      %dma_wait3A_2355 = tpu.memref_slice %arg5[%dma_wait3A_2353, %dma_wait3A_2354] : memref<10x128xi32, #tpu.memory_space<vmem>> -> memref<1x128xi32, #tpu.memory_space<vmem>>
      %dma_wait3A_2356 = tpu.memref_squeeze %dma_wait3A_2355 : memref<1x128xi32, #tpu.memory_space<vmem>> -> memref<128xi32, #tpu.memory_space<vmem>>
      %dma_wait3A_2357 = arith.constant 0 : i32
      %dma_wait3A_2358 = arith.constant 0 : i32
      %dma_wait3A_2359 = tpu.memref_slice %arg3[%dma_wait3A_2357, %dma_wait3A_2358] : memref<40000x16xf32, #tpu.memory_space<hbm>> -> memref<40000x16xf32, #tpu.memory_space<hbm>>
      tpu.wait_indirect_dma semaphore(%arg7 : memref<!tpu.dma_semaphore, #tpu.memory_space<semaphore_mem>>) src(%arg6 : memref<128x16xf32, #tpu.memory_space<vmem>>) dst(%dma_wait3A_2359 : memref<40000x16xf32, #tpu.memory_space<hbm>>)
      %dma_wait3A_2360 = arith.constant 4 : i32
      %dma_wait3A_2361 = arith.constant 0 : i32
      %dma_wait3A_2362 = tpu.memref_slice %arg5[%dma_wait3A_2360, %dma_wait3A_2361] : memref<10x128xi32, #tpu.memory_space<vmem>> -> memref<1x128xi32, #tpu.memory_space<vmem>>
      %dma_wait3A_2363 = tpu.memref_squeeze %dma_wait3A_2362 : memref<1x128xi32, #tpu.memory_space<vmem>> -> memref<128xi32, #tpu.memory_space<vmem>>
      %dma_wait3A_2364 = arith.constant 0 : i32
      %dma_wait3A_2365 = arith.constant 0 : i32
      %dma_wait3A_2366 = tpu.memref_slice %arg3[%dma_wait3A_2364, %dma_wait3A_2365] : memref<40000x16xf32, #tpu.memory_space<hbm>> -> memref<40000x16xf32, #tpu.memory_space<hbm>>
      tpu.wait_indirect_dma semaphore(%arg7 : memref<!tpu.dma_semaphore, #tpu.memory_space<semaphore_mem>>) src(%arg6 : memref<128x16xf32, #tpu.memory_space<vmem>>) dst(%dma_wait3A_2366 : memref<40000x16xf32, #tpu.memory_space<hbm>>)
      %dma_wait3A_2367 = arith.constant 5 : i32
      %dma_wait3A_2368 = arith.constant 0 : i32
      %dma_wait3A_2369 = tpu.memref_slice %arg5[%dma_wait3A_2367, %dma_wait3A_2368] : memref<10x128xi32, #tpu.memory_space<vmem>> -> memref<1x128xi32, #tpu.memory_space<vmem>>
      %dma_wait3A_2370 = tpu.memref_squeeze %dma_wait3A_2369 : memref<1x128xi32, #tpu.memory_space<vmem>> -> memref<128xi32, #tpu.memory_space<vmem>>
      %dma_wait3A_2371 = arith.constant 0 : i32
      %dma_wait3A_2372 = arith.constant 0 : i32
      %dma_wait3A_2373 = tpu.memref_slice %arg3[%dma_wait3A_2371, %dma_wait3A_2372] : memref<40000x16xf32, #tpu.memory_space<hbm>> -> memref<40000x16xf32, #tpu.memory_space<hbm>>
      tpu.wait_indirect_dma semaphore(%arg7 : memref<!tpu.dma_semaphore, #tpu.memory_space<semaphore_mem>>) src(%arg6 : memref<128x16xf32, #tpu.memory_space<vmem>>) dst(%dma_wait3A_2373 : memref<40000x16xf32, #tpu.memory_space<hbm>>)
      %dma_wait3A_2374 = arith.constant 6 : i32
      %dma_wait3A_2375 = arith.constant 0 : i32
      %dma_wait3A_2376 = tpu.memref_slice %arg5[%dma_wait3A_2374, %dma_wait3A_2375] : memref<10x128xi32, #tpu.memory_space<vmem>> -> memref<1x128xi32, #tpu.memory_space<vmem>>
      %dma_wait3A_2377 = tpu.memref_squeeze %dma_wait3A_2376 : memref<1x128xi32, #tpu.memory_space<vmem>> -> memref<128xi32, #tpu.memory_space<vmem>>
      %dma_wait3A_2378 = arith.constant 0 : i32
      %dma_wait3A_2379 = arith.constant 0 : i32
      %dma_wait3A_2380 = tpu.memref_slice %arg3[%dma_wait3A_2378, %dma_wait3A_2379] : memref<40000x16xf32, #tpu.memory_space<hbm>> -> memref<40000x16xf32, #tpu.memory_space<hbm>>
      tpu.wait_indirect_dma semaphore(%arg7 : memref<!tpu.dma_semaphore, #tpu.memory_space<semaphore_mem>>) src(%arg6 : memref<128x16xf32, #tpu.memory_space<vmem>>) dst(%dma_wait3A_2380 : memref<40000x16xf32, #tpu.memory_space<hbm>>)
      %dma_wait3A_2381 = arith.constant 7 : i32
      %dma_wait3A_2382 = arith.constant 0 : i32
      %dma_wait3A_2383 = tpu.memref_slice %arg5[%dma_wait3A_2381, %dma_wait3A_2382] : memref<10x128xi32, #tpu.memory_space<vmem>> -> memref<1x128xi32, #tpu.memory_space<vmem>>
      %dma_wait3A_2384 = tpu.memref_squeeze %dma_wait3A_2383 : memref<1x128xi32, #tpu.memory_space<vmem>> -> memref<128xi32, #tpu.memory_space<vmem>>
      %dma_wait3A_2385 = arith.constant 0 : i32
      %dma_wait3A_2386 = arith.constant 0 : i32
      %dma_wait3A_2387 = tpu.memref_slice %arg3[%dma_wait3A_2385, %dma_wait3A_2386] : memref<40000x16xf32, #tpu.memory_space<hbm>> -> memref<40000x16xf32, #tpu.memory_space<hbm>>
      tpu.wait_indirect_dma semaphore(%arg7 : memref<!tpu.dma_semaphore, #tpu.memory_space<semaphore_mem>>) src(%arg6 : memref<128x16xf32, #tpu.memory_space<vmem>>) dst(%dma_wait3A_2387 : memref<40000x16xf32, #tpu.memory_space<hbm>>)
      %dma_wait3A_2388 = arith.constant 8 : i32
      %dma_wait3A_2389 = arith.constant 0 : i32
      %dma_wait3A_2390 = tpu.memref_slice %arg5[%dma_wait3A_2388, %dma_wait3A_2389] : memref<10x128xi32, #tpu.memory_space<vmem>> -> memref<1x128xi32, #tpu.memory_space<vmem>>
      %dma_wait3A_2391 = tpu.memref_squeeze %dma_wait3A_2390 : memref<1x128xi32, #tpu.memory_space<vmem>> -> memref<128xi32, #tpu.memory_space<vmem>>
      %dma_wait3A_2392 = arith.constant 0 : i32
      %dma_wait3A_2393 = arith.constant 0 : i32
      %dma_wait3A_2394 = tpu.memref_slice %arg3[%dma_wait3A_2392, %dma_wait3A_2393] : memref<40000x16xf32, #tpu.memory_space<hbm>> -> memref<40000x16xf32, #tpu.memory_space<hbm>>
      tpu.wait_indirect_dma semaphore(%arg7 : memref<!tpu.dma_semaphore, #tpu.memory_space<semaphore_mem>>) src(%arg6 : memref<128x16xf32, #tpu.memory_space<vmem>>) dst(%dma_wait3A_2394 : memref<40000x16xf32, #tpu.memory_space<hbm>>)
      %dma_wait3A_2395 = arith.constant 9 : i32
      %dma_wait3A_2396 = arith.constant 0 : i32
      %dma_wait3A_2397 = tpu.memref_slice %arg5[%dma_wait3A_2395, %dma_wait3A_2396] : memref<10x128xi32, #tpu.memory_space<vmem>> -> memref<1x128xi32, #tpu.memory_space<vmem>>
      %dma_wait3A_2398 = tpu.memref_squeeze %dma_wait3A_2397 : memref<1x128xi32, #tpu.memory_space<vmem>> -> memref<128xi32, #tpu.memory_space<vmem>>
      %dma_wait3A_2399 = arith.constant 0 : i32
      %dma_wait3A_2400 = arith.constant 0 : i32
      %dma_wait3A_2401 = tpu.memref_slice %arg3[%dma_wait3A_2399, %dma_wait3A_2400] : memref<40000x16xf32, #tpu.memory_space<hbm>> -> memref<40000x16xf32, #tpu.memory_space<hbm>>
      tpu.wait_indirect_dma semaphore(%arg7 : memref<!tpu.dma_semaphore, #tpu.memory_space<semaphore_mem>>) src(%arg6 : memref<128x16xf32, #tpu.memory_space<vmem>>) dst(%dma_wait3A_2401 : memref<40000x16xf32, #tpu.memory_space<hbm>>)
    } else {
    }
    return
  }
}

module attributes {stable_mosaic.version = 14 : i64} {
  func.func @_mul_body(%arg0: i32, %arg1: i32, %arg2: memref<1x800x4000xf32, #tpu.memory_space<vmem>>, %arg3: memref<1x40x3200xf32, #tpu.memory_space<vmem>>, %arg4: memref<1x800x4000xf32, #tpu.memory_space<vmem>>, %arg5: memref<3200x200xf32, #tpu.memory_space<vmem>>, %arg6: memref<200x4000xf32, #tpu.memory_space<vmem>>, %arg7: memref<800x40xf32, #tpu.memory_space<vmem>>) attributes {dimension_semantics = [#tpu.dimension_semantics<arbitrary>, #tpu.dimension_semantics<arbitrary>], iteration_bounds = array<i64: 5, 3>, scalar_prefetch = 0 : i64, scratch_operands = 3 : i64, tpu.core_type = #tpu.core_type<tc>, window_params = [{transform_indices = @transform_0, window_bounds = array<i64: 1, 800, 4000>}, {transform_indices = @transform_1, window_bounds = array<i64: 1, 40, 3200>}, {transform_indices = @transform_2, window_bounds = array<i64: 1, 800, 4000>}]} {
    %eq3A = arith.constant 0 : i32
    %eq3A_0 = arith.cmpi eq, %arg1, %eq3A : i32
    %eq3A_1 = arith.constant 0 : i32
    %eq3A_2 = arith.cmpi eq, %arg0, %eq3A_1 : i32
    %and3A = arith.andi %eq3A_0, %eq3A_2 : i1
    %convert_element_type3A = arith.extui %and3A : i1 to i32
    %cond3A = arith.constant 0 : i32
    %cond3A_3 = arith.cmpi ne, %convert_element_type3A, %cond3A : i32
    scf.if %cond3A_3 {
      %iota3A = tpu.iota {dimensions = array<i32: 0>} : vector<3200x200xi32>
      %iota3A_32 = tpu.iota {dimensions = array<i32: 1>} : vector<3200x200xi32>
      %mul3A_33 = arith.constant 16 : i32
      %mul3A_34 = vector.broadcast %mul3A_33 : i32 to vector<3200x200xi32>
      %mul3A_35 = arith.muli %iota3A_32, %mul3A_34 : vector<3200x200xi32>
      %eq3A_36 = arith.cmpi eq, %iota3A, %mul3A_35 : vector<3200x200xi32>
      %convert_element_type3A_37 = arith.extui %eq3A_36 : vector<3200x200xi1> to vector<3200x200xi32>
      %convert_element_type3A_38 = arith.sitofp %convert_element_type3A_37 : vector<3200x200xi32> to vector<3200x200xf32>
      %swap3A_39 = arith.constant 0 : index
      %swap3A_40 = arith.constant 0 : index
      %swap3A_41 = vector.load %arg5[%swap3A_39, %swap3A_40] : memref<3200x200xf32, #tpu.memory_space<vmem>>, vector<3200x200xf32>
      tpu.vector_store %arg5[%swap3A_39, %swap3A_40], %convert_element_type3A_38 {strides = array<i32>} : memref<3200x200xf32, #tpu.memory_space<vmem>>, vector<3200x200xf32>,
      %iota3A_42 = tpu.iota {dimensions = array<i32: 0>} : vector<200x4000xi32>
      %iota3A_43 = tpu.iota {dimensions = array<i32: 1>} : vector<200x4000xi32>
      %jit3A = arith.constant 20 : i32
      %div3A = vector.broadcast %jit3A : i32 to vector<200x4000xi32>
      %div3A_44 = arith.divsi %iota3A_43, %div3A : vector<200x4000xi32>
      %sign3A = arith.constant 0 : i32
      %sign3A_45 = vector.broadcast %sign3A : i32 to vector<200x4000xi32>
      %sign3A_46 = arith.cmpi sgt, %iota3A_43, %sign3A_45 : vector<200x4000xi32>
      %sign3A_47 = arith.extui %sign3A_46 : vector<200x4000xi1> to vector<200x4000xi32>
      %sign3A_48 = arith.constant 0 : i32
      %sign3A_49 = vector.broadcast %sign3A_48 : i32 to vector<200x4000xi32>
      %sign3A_50 = arith.cmpi slt, %iota3A_43, %sign3A_49 : vector<200x4000xi32>
      %sign3A_51 = arith.extui %sign3A_50 : vector<200x4000xi1> to vector<200x4000xi32>
      %sign3A_52 = arith.subi %sign3A_47, %sign3A_51 : vector<200x4000xi32>
      %sign3A_53 = arith.constant 0 : i32
      %sign3A_54 = arith.cmpi sgt, %jit3A, %sign3A_53 : i32
      %sign3A_55 = arith.extui %sign3A_54 : i1 to i32
      %sign3A_56 = arith.constant 0 : i32
      %sign3A_57 = arith.cmpi slt, %jit3A, %sign3A_56 : i32
      %sign3A_58 = arith.extui %sign3A_57 : i1 to i32
      %sign3A_59 = arith.subi %sign3A_55, %sign3A_58 : i32
      %ne3A = vector.broadcast %sign3A_59 : i32 to vector<200x4000xi32>
      %ne3A_60 = arith.cmpi ne, %sign3A_52, %ne3A : vector<200x4000xi32>
      %rem3A = vector.broadcast %jit3A : i32 to vector<200x4000xi32>
      %rem3A_61 = arith.remsi %iota3A_43, %rem3A : vector<200x4000xi32>
      %ne3A_62 = arith.constant 0 : i32
      %ne3A_63 = vector.broadcast %ne3A_62 : i32 to vector<200x4000xi32>
      %ne3A_64 = arith.cmpi ne, %rem3A_61, %ne3A_63 : vector<200x4000xi32>
      %and3A_65 = arith.andi %ne3A_60, %ne3A_64 : vector<200x4000xi1>
      %sub3A = arith.constant 1 : i32
      %sub3A_66 = vector.broadcast %sub3A : i32 to vector<200x4000xi32>
      %sub3A_67 = arith.subi %div3A_44, %sub3A_66 : vector<200x4000xi32>
      %select_n3A = arith.select %and3A_65, %sub3A_67, %div3A_44 : vector<200x4000xi1>, vector<200x4000xi32>
      %eq3A_68 = arith.cmpi eq, %iota3A_42, %select_n3A : vector<200x4000xi32>
      %convert_element_type3A_69 = arith.extui %eq3A_68 : vector<200x4000xi1> to vector<200x4000xi32>
      %convert_element_type3A_70 = arith.sitofp %convert_element_type3A_69 : vector<200x4000xi32> to vector<200x4000xf32>
      %swap3A_71 = arith.constant 0 : index
      %swap3A_72 = arith.constant 0 : index
      %swap3A_73 = vector.load %arg6[%swap3A_71, %swap3A_72] : memref<200x4000xf32, #tpu.memory_space<vmem>>, vector<200x4000xf32>
      tpu.vector_store %arg6[%swap3A_71, %swap3A_72], %convert_element_type3A_70 {strides = array<i32>} : memref<200x4000xf32, #tpu.memory_space<vmem>>, vector<200x4000xf32>,
      %iota3A_74 = tpu.iota {dimensions = array<i32: 0>} : vector<800x40xi32>
      %jit3A_75 = arith.constant 20 : i32
      %div3A_76 = vector.broadcast %jit3A_75 : i32 to vector<800x40xi32>
      %div3A_77 = arith.divsi %iota3A_74, %div3A_76 : vector<800x40xi32>
      %sign3A_78 = arith.constant 0 : i32
      %sign3A_79 = vector.broadcast %sign3A_78 : i32 to vector<800x40xi32>
      %sign3A_80 = arith.cmpi sgt, %iota3A_74, %sign3A_79 : vector<800x40xi32>
      %sign3A_81 = arith.extui %sign3A_80 : vector<800x40xi1> to vector<800x40xi32>
      %sign3A_82 = arith.constant 0 : i32
      %sign3A_83 = vector.broadcast %sign3A_82 : i32 to vector<800x40xi32>
      %sign3A_84 = arith.cmpi slt, %iota3A_74, %sign3A_83 : vector<800x40xi32>
      %sign3A_85 = arith.extui %sign3A_84 : vector<800x40xi1> to vector<800x40xi32>
      %sign3A_86 = arith.subi %sign3A_81, %sign3A_85 : vector<800x40xi32>
      %sign3A_87 = arith.constant 0 : i32
      %sign3A_88 = arith.cmpi sgt, %jit3A_75, %sign3A_87 : i32
      %sign3A_89 = arith.extui %sign3A_88 : i1 to i32
      %sign3A_90 = arith.constant 0 : i32
      %sign3A_91 = arith.cmpi slt, %jit3A_75, %sign3A_90 : i32
      %sign3A_92 = arith.extui %sign3A_91 : i1 to i32
      %sign3A_93 = arith.subi %sign3A_89, %sign3A_92 : i32
      %ne3A_94 = vector.broadcast %sign3A_93 : i32 to vector<800x40xi32>
      %ne3A_95 = arith.cmpi ne, %sign3A_86, %ne3A_94 : vector<800x40xi32>
      %rem3A_96 = vector.broadcast %jit3A_75 : i32 to vector<800x40xi32>
      %rem3A_97 = arith.remsi %iota3A_74, %rem3A_96 : vector<800x40xi32>
      %ne3A_98 = arith.constant 0 : i32
      %ne3A_99 = vector.broadcast %ne3A_98 : i32 to vector<800x40xi32>
      %ne3A_100 = arith.cmpi ne, %rem3A_97, %ne3A_99 : vector<800x40xi32>
      %and3A_101 = arith.andi %ne3A_95, %ne3A_100 : vector<800x40xi1>
      %sub3A_102 = arith.constant 1 : i32
      %sub3A_103 = vector.broadcast %sub3A_102 : i32 to vector<800x40xi32>
      %sub3A_104 = arith.subi %div3A_77, %sub3A_103 : vector<800x40xi32>
      %select_n3A_105 = arith.select %and3A_101, %sub3A_104, %div3A_77 : vector<800x40xi1>, vector<800x40xi32>
      %iota3A_106 = tpu.iota {dimensions = array<i32: 1>} : vector<800x40xi32>
      %eq3A_107 = arith.cmpi eq, %select_n3A_105, %iota3A_106 : vector<800x40xi32>
      %convert_element_type3A_108 = arith.extui %eq3A_107 : vector<800x40xi1> to vector<800x40xi32>
      %convert_element_type3A_109 = arith.sitofp %convert_element_type3A_108 : vector<800x40xi32> to vector<800x40xf32>
      %swap3A_110 = arith.constant 0 : index
      %swap3A_111 = arith.constant 0 : index
      %swap3A_112 = vector.load %arg7[%swap3A_110, %swap3A_111] : memref<800x40xf32, #tpu.memory_space<vmem>>, vector<800x40xf32>
      tpu.vector_store %arg7[%swap3A_110, %swap3A_111], %convert_element_type3A_109 {strides = array<i32>} : memref<800x40xf32, #tpu.memory_space<vmem>>, vector<800x40xf32>,
    } else {
    }
    %get3A = arith.constant 0 : index
    %get3A_4 = arith.constant 0 : index
    %get3A_5 = arith.constant 0 : index
    %get3A_6 = vector.load %arg3[%get3A, %get3A_4, %get3A_5] : memref<1x40x3200xf32, #tpu.memory_space<vmem>>, vector<1x40x3200xf32>
    %get3A_7 = vector.shape_cast %get3A_6 : vector<1x40x3200xf32> to vector<40x3200xf32>
    %get3A_8 = arith.constant 0 : index
    %get3A_9 = arith.constant 0 : index
    %get3A_10 = vector.load %arg5[%get3A_8, %get3A_9] : memref<3200x200xf32, #tpu.memory_space<vmem>>, vector<3200x200xf32>
    %dot_general3A = arith.constant dense<0.000000e+00> : vector<40x200xf32>
    %dot_general3A_11 = tpu.matmul %get3A_7, %get3A_10, %dot_general3A {dimension_numbers = #tpu.dot_dimension_numbers<[1], [0], [0], [1], [0, 0, 1, 1], [], []>, transpose_lhs_hint = false} : vector<40x3200xf32>, vector<3200x200xf32>, vector<40x200xf32> -> vector<40x200xf32>
    %get3A_12 = arith.constant 0 : index
    %get3A_13 = arith.constant 0 : index
    %get3A_14 = vector.load %arg6[%get3A_12, %get3A_13] : memref<200x4000xf32, #tpu.memory_space<vmem>>, vector<200x4000xf32>
    %dot_general3A_15 = arith.constant dense<0.000000e+00> : vector<40x4000xf32>
    %dot_general3A_16 = tpu.matmul %dot_general3A_11, %get3A_14, %dot_general3A_15 {dimension_numbers = #tpu.dot_dimension_numbers<[1], [0], [0], [1], [0, 0, 1, 1], [], []>, transpose_lhs_hint = false} : vector<40x200xf32>, vector<200x4000xf32>, vector<40x4000xf32> -> vector<40x4000xf32>
    %get3A_17 = arith.constant 0 : index
    %get3A_18 = arith.constant 0 : index
    %get3A_19 = vector.load %arg7[%get3A_17, %get3A_18] : memref<800x40xf32, #tpu.memory_space<vmem>>, vector<800x40xf32>
    %dot_general3A_20 = arith.constant dense<0.000000e+00> : vector<800x4000xf32>
    %dot_general3A_21 = tpu.matmul %get3A_19, %dot_general3A_16, %dot_general3A_20 {dimension_numbers = #tpu.dot_dimension_numbers<[1], [0], [0], [1], [0, 0, 1, 1], [], []>, transpose_lhs_hint = false} : vector<800x40xf32>, vector<40x4000xf32>, vector<800x4000xf32> -> vector<800x4000xf32>
    %get3A_22 = arith.constant 0 : index
    %get3A_23 = arith.constant 0 : index
    %get3A_24 = arith.constant 0 : index
    %get3A_25 = vector.load %arg2[%get3A_22, %get3A_23, %get3A_24] : memref<1x800x4000xf32, #tpu.memory_space<vmem>>, vector<1x800x4000xf32>
    %get3A_26 = vector.shape_cast %get3A_25 : vector<1x800x4000xf32> to vector<800x4000xf32>
    %mul3A = arith.mulf %get3A_26, %dot_general3A_21 : vector<800x4000xf32>
    %swap3A = arith.constant 0 : index
    %swap3A_27 = arith.constant 0 : index
    %swap3A_28 = arith.constant 0 : index
    %swap3A_29 = vector.load %arg4[%swap3A, %swap3A_27, %swap3A_28] : memref<1x800x4000xf32, #tpu.memory_space<vmem>>, vector<1x800x4000xf32>
    %swap3A_30 = vector.shape_cast %swap3A_29 : vector<1x800x4000xf32> to vector<800x4000xf32>
    %swap3A_31 = vector.shape_cast %mul3A : vector<800x4000xf32> to vector<1x800x4000xf32>
    tpu.vector_store %arg4[%swap3A, %swap3A_27, %swap3A_28], %swap3A_31 {strides = array<i32>} : memref<1x800x4000xf32, #tpu.memory_space<vmem>>, vector<1x800x4000xf32>,
    return
  }
  func.func @transform_0(%arg0: i32, %arg1: i32) -> (i32, i32, i32) {
    %c0_i32 = arith.constant 0 : i32
    %c0_i32_0 = arith.constant 0 : i32
    return %arg1, %arg0, %c0_i32 : i32, i32, i32
  }
  func.func @transform_1(%arg0: i32, %arg1: i32) -> (i32, i32, i32) {
    %c0_i32 = arith.constant 0 : i32
    %c0_i32_0 = arith.constant 0 : i32
    %c0_i32_1 = arith.constant 0 : i32
    return %arg0, %c0_i32, %c0_i32_0 : i32, i32, i32
  }
  func.func @transform_2(%arg0: i32, %arg1: i32) -> (i32, i32, i32) {
    %c0_i32 = arith.constant 0 : i32
    %c0_i32_0 = arith.constant 0 : i32
    return %arg1, %arg0, %c0_i32 : i32, i32, i32
  }
}

</mosaic_0001>

<sc_bundles>
// kernel: kernel.4.cloned.1.call-start
scs
__scs_entry_jumppad:
0x0: {  	(pc) =	sbr.rel $0x88, $3  }
0x1: {  	(tag) =	ssettag $0x0;
	lr =	simm.s32 $0x1  }
0x2: {  	[smem:$0x3F9F] =	sst lr;
	_ =	strace $0xD0000000  }
0x3: {  	_ = 	snop  }
0x4: {  	_ = 	snop  }
0x5: {  	_ = 	snop  }
0x6: {  	_ = 	snop  }
0x7: {  	_ = 	snop  }
__scs_overlays_trampoline_lowered:
0x8: {  	[smem:$0x3FAE] =	sst s0  }
0x9: {  	[smem:$0x3FAF] =	sst s1  }
0xa: {  	[smem:$0x3FB0] =	sst s2  }
0xb: {  	[smem:$0x3FB1] =	sst s3  }
0xc: {  	[smem:$0x3FB2] =	sst s4  }
0xd: {  	[smem:$0x3FB3] =	sst s5  }
0xe: {  	[smem:$0x3FB4] =	sst s6  }
0xf: {  	[smem:$0x3FB5] =	sst s7  }
0x10: {  	[smem:$0x3FB6] =	sst s8  }
0x11: {  	[smem:$0x3FB7] =	sst s9;
	s0 =	simm.s32 @!p0 $0x0  }
0x12: {  	s1 =	sld [smem:$0x3F9D];
	s0 =	simm.s32 @p0 $0x1  }
0x13: {  	[smem:$0x3FB8] =	sst s0;
	s0 =	simm.s32 @!p1 $0x0  }
0x14: {  	s2 =	sld [smem:$0x3F9C];
	s0 =	simm.s32 @p1 $0x1  }
0x15: {  	[smem:$0x3FB9] =	sst s0;
	s0 =	simm.s32 @!p2 $0x0  }
0x16: {  	s3 =	sld [smem:$0x3FDB];
	s0 =	simm.s32 @p2 $0x1  }
0x17: {  	s4 =	simm.s32 $0x1BF5;
	[smem:$0x3FBB] =	sst s0  }
0x18: {  	s0 =	sld [smem:$0x3F9E];
	_ =	swait.ge [sflag:s4], $0x0  }
0x19: {  	s7 =	sld [smem:$0x3F9F]  }
0x1a: {  	s8 =	sadd.s32 $0xFFFFE003, lr  }
0x1b: {  	s9 =	sadd.s32 $0xFFFFFEF7, lr;
	s5 =	simm.s32 $0xFFFFFFFF;
	p2 =	slt.u32 s8, $0xFFFFF086  }
0x1c: {  	p1 =	slt.u32 s9, $0xF7A;
	s5 =	simm.s32 @!p2 $0x0  }
0x1d: {  	s5 =	simm.s32 @p1 $0x1;
	p0 =	seq.s32 s7, s2  }
0x1e: {  	s7 =	smul.u32 @!p0 $0xF7A, s2;
	p2 =	seq.s32 @!p0 s5, $0x0  }
0x1f: {  	s9 =	smul.u32 $0xF7A, s1;
	s8 =	simm.s32 @!p0 $0x1BF5;
	p2 =	por !p2, p0  }
0x20: {  	[sflag:s8] =	ssyncset.s32 @!p0 $0xFFFFF086;
	s6 =	sadd.s32 @!p0 s3, s7;
	s7 =	simm.s32 @!p0 $0x108  }
0x21: {  	s3 =	sadd.s32 s3, s9;
	s6 =	sadd.s32 @!p0 $0x88, s6;
	s7 =	simm.s32 @p2 $0x1082  }
0x22: {  	[simem:s7], [sflag:s8] =	dma.local @!p0 [hbm:s6], $0xF7A  }
0x23: {  	s9 =	sor.u32 $0xD0000000, s2;
	s6 =	simm.s32 $0x108;
	_ =	swait.ge @!p0 [sflag:s8], $0x0  }
0x24: {  	s3 =	sadd.s32 $0x88, s3;
	s6 =	simm.s32 @!p1 $0x1082;
	[sflag:s4] =	ssyncset.s32 $0xFFFFF086  }
0x25: {  	[simem:s6], [sflag:s4] =	dma.local [hbm:s3], $0xF7A  }
0x26: {  	[smem:$0x3F9F] =	sst s1;
	(tag) =	ssettag s2;
	_ =	strace s9  }
0x27: {  	s1 =	sld [smem:$0x3FAF]  }
0x28: {  	s2 =	sld [smem:$0x3FB0]  }
0x29: {  	s4 =	sld [smem:$0x3FB2]  }
0x2a: {  	p0 =	seq.s32 s5, $0x0;
	s5 =	sld [smem:$0x3FB3]  }
0x2b: {  	s6 =	sld [smem:$0x3FB4]  }
0x2c: {  	s7 =	sld [smem:$0x3FB5]  }
0x2d: {  	s3 =	simm.s32 $0x108;
	s8 =	sld [smem:$0x3FB6]  }
0x2e: {  	s3 =	simm.s32 @!p0 $0x1082;
	s9 =	sld [smem:$0x3FB7]  }
0x2f: {  	lr =	sadd.s32 s0, s3;
	s0 =	sld [smem:$0x3FAE]  }
0x30: {  	s3 =	sld [smem:$0x3FB1]  }
0x31: {  	[smem:$0x3FBA] =	sst s10  }
0x32: {  	s10 =	sld [smem:$0x3FB8];
	_ =	sdelay $0x3  }
0x33: {  	p0 =	seq.s32 s10, $0x1;
	s10 =	sld [smem:$0x3FBA];
	_ =	sdelay $0x3  }
0x34: {  	[smem:$0x3FBA] =	sst s10  }
0x35: {  	s10 =	sld [smem:$0x3FB9];
	_ =	sdelay $0x3  }
0x36: {  	p1 =	seq.s32 s10, $0x1;
	s10 =	sld [smem:$0x3FBA];
	_ =	sdelay $0x3  }
0x37: {  	[smem:$0x3FBA] =	sst s10  }
0x38: {  	s10 =	sld [smem:$0x3FBB]  }
0x39: {  	_ = 	snop;
	(pc) =	sbr.ind lr, $3  }
0x3a: {  	_ = 	snop  }
0x3b: {  	_ = 	snop  }
0x3c: {  	p2 =	seq.s32 s10, $0x1;
	s10 =	sld [smem:$0x3FBA]  }
0x3d: {  	_ =	shalt  }
0x3e: {  	_ =	shalt  }
0x3f: {  	_ =	shalt  }
0x40: {  	_ =	shalt  }
0x41: {  	_ =	shalt  }
0x42: {  	_ =	shalt  }
0x43: {  	_ =	shalt  }
0x44: {  	_ =	shalt  }
0x45: {  	_ =	shalt  }
0x46: {  	_ =	shalt  }
0x47: {  	_ =	shalt  }
0x48: {  	_ =	shalt  }
0x49: {  	_ =	shalt  }
0x4a: {  	_ =	shalt  }
0x4b: {  	_ =	shalt  }
0x4c: {  	_ =	shalt  }
0x4d: {  	_ =	shalt  }
0x4e: {  	_ =	shalt  }
0x4f: {  	_ =	shalt  }
0x50: {  	_ =	shalt  }
0x51: {  	_ =	shalt  }
0x52: {  	_ =	shalt  }
0x53: {  	_ =	shalt  }
0x54: {  	_ =	shalt  }
0x55: {  	_ =	shalt  }
0x56: {  	_ =	shalt  }
0x57: {  	_ =	shalt  }
0x58: {  	_ =	shalt  }
0x59: {  	_ =	shalt  }
0x5a: {  	_ =	shalt  }
0x5b: {  	_ =	shalt  }
0x5c: {  	_ =	shalt  }
0x5d: {  	_ =	shalt  }
0x5e: {  	_ =	shalt  }
0x5f: {  	_ =	shalt  }
0x60: {  	_ =	shalt  }
0x61: {  	_ =	shalt  }
0x62: {  	_ =	shalt  }
0x63: {  	_ =	shalt  }
0x64: {  	_ =	shalt  }
0x65: {  	_ =	shalt  }
0x66: {  	_ =	shalt  }
0x67: {  	_ =	shalt  }
0x68: {  	_ =	shalt  }
0x69: {  	_ =	shalt  }
0x6a: {  	_ =	shalt  }
0x6b: {  	_ =	shalt  }
0x6c: {  	_ =	shalt  }
0x6d: {  	_ =	shalt  }
0x6e: {  	_ =	shalt  }
0x6f: {  	_ =	shalt  }
0x70: {  	_ =	shalt  }
0x71: {  	_ =	shalt  }
0x72: {  	_ =	shalt  }
0x73: {  	_ =	shalt  }
0x74: {  	_ =	shalt  }
0x75: {  	_ =	shalt  }
0x76: {  	_ =	shalt  }
0x77: {  	_ =	shalt  }
0x78: {  	_ =	shalt  }
0x79: {  	_ =	shalt  }
0x7a: {  	_ =	shalt  }
0x7b: {  	_ =	shalt  }
0x7c: {  	_ =	shalt  }
0x7d: {  	_ =	shalt  }
0x7e: {  	_ =	shalt  }
0x7f: {  	_ =	shalt  }
0x80: {  	_ =	shalt  }
0x81: {  	_ =	shalt  }
0x82: {  	_ =	shalt  }
0x83: {  	_ =	shalt  }
0x84: {  	_ =	shalt  }
0x85: {  	_ =	shalt  }
0x86: {  	_ =	shalt  }
0x87: {  	_ =	shalt  }
.Lfunc_end0:
.L_simem_size_0:
called_computation_lowered:
.L_overlay_start_0:
0x88: {  	s2 =	sld [smem:$0x3FD9]  }
0x89: {  	s3 =	sld [smem:$0x3FFE];
	_ =	sdelay $0x1  }
0x8a: {  	s1 =	srdreg.scid  }
0x8b: {  	s0 =	sand.u32 $0x1, s1  }
0x8c: {  	s17 =	sshll.u32 s0, $0xA;
	s2 =	sadd.s32 s3, s2  }
0x8d: {  	s2 =	sadd.s32 s2, s17  }
0x8e: {  	[smem:$0x3FC6] =	sst s2  }
0x8f: {  	_ = 	snop  }
0x90: {  	s2 =	sld [smem:$0x3FD0];
	(tm) =	ssettm $0x1  }
0x91: {  	s18 =	sld [smem:$0x3FFB];
	_ =	sdelay $0x3  }
0x92: {  	_ =	strace s18  }
0x93: {  	s3 =	sld [smem:$0x3FFC];
	_ =	sdelay $0x3  }
0x94: {  	_ =	strace s3  }
0x95: {  	s3 =	sld [smem:$0x3FFD];
	_ =	sdelay $0x3  }
0x96: {  	_ =	strace s3  }
0x97: {  	_ =	strace $0x8FFFFFFF  }
0x98: {  	s19 =	sld [smem:$0x3FDB];
	_ =	sdelay $0x1  }
0x99: {  	s4 =	simm.s32 $_scs_section_size  }
0x9a: {  	s5 =	simm.s32 $_size__tile_overlayer_lowered;
	s6 =	simm.s32 $_tile_overlayer_lowered  }
0x9b: {  	s22 =	simm.s32 $0x1BFF;
	s21 =	sshll.u32 s6, $0x1;
	s3 =	sadd.s32 s4, s19  }
0x9c: {  	s7 =	simm.s32 $0x0;
	s20 =	sshll.u32 s5, $0x1;
	s5 =	sadd.s32 s21, s3  }
0x9d: {  	[timem:s7], [sflag:s22] =	dma.local [hbm:s5], s20  }
0x9e: {  	_ =	swait.ge [sflag:s22], s20  }
0x9f: {  	s4 =	ssub.s32 $0x0, s20;
	[sflag:s22] =	ssyncset.done $0x0  }
0xa0: {  	[sflag:s22] =	ssyncadd.s32 s4;
	_ =	sdelay $0x1  }
0xa1: {  	s23 =	simm.s32 $0x1B8B  }
0xa2: {  	_ =	swait.ge [sflag:s23], $0x1  }
0xa3: {  	[sflag:s23] =	ssyncset.done $0x0  }
0xa4: {  	s25 =	simm.s32 $0x1B8E;
	s24 =	sld [smem:$0x3FFE];
	[sflag:s23] =	ssyncadd.s32 $0xFFFFFFFF  }
0xa5: {  	s26 =	simm.s32 $execute0_lowered;
	[smem:$0x3FD2] =	sst s25  }
0xa6: {  	s5 =	sshll.u32 s26, $0x1;
	_ =	strace $0x80000046;
	[dreg:$0x1] =	wrdreg $0xFFFFFFFF  }
0xa7: {  	s28 =	simm.s32 $_size_execute0_lowered;
	s3 =	sadd.s32 s3, s5;
	[dreg:$0x0] =	wrdreg $0x0  }
0xa8: {  	s5 =	sshll.u32 s28, $0x1;
	[dreg:$0x2] =	wrdreg s3  }
0xa9: {  	[dreg:$0x3] =	wrdreg s5  }
0xaa: {  	[dreg:$0x4] =	wrdreg $0xC0  }
0xab: {  	_ =	task [dreg:s7], $0x5FFFF  }
0xac: {  	[dreg:$0x1] =	wrdreg $0xFFFFFFFF  }
0xad: {  	[dreg:$0x0] =	wrdreg $0x60  }
0xae: {  	[dreg:$0x2] =	wrdreg s24  }
0xaf: {  	[dreg:$0x3] =	wrdreg s2  }
0xb0: {  	[dreg:$0x4] =	wrdreg $0x9  }
0xb1: {  	_ =	task.clear_ibuf [dreg:s7], $0x5FFFF;
	_ =	strace $0x90000046  }
0xb2: {  	s29 =	simm.s32 $0x9;
	_ =	strace $0x80000048  }
0xb3: {  	_ =	swait.ge [sflag:s29], $0x1  }
0xb4: {  	[sflag:s29] =	ssyncadd.s32 $0xFFFFFFFF  }
0xb5: {  	_ =	strace $0x90000048  }
0xb6: {  	_ =	sfence  }
0xb7: {  	s30 =	sld [smem:$0x0];
	_ =	sdelay $0x2  }
0xb8: {  	s31 =	sshll.u32 s1, $0xD;
	s1 =	sshrl.u32 s1, $0x2  }
0xb9: {  	s3 =	sand.u32 $0x4000, s31;
	s1 =	sadd.s32 s1, s30  }
0xba: {  	s0 =	sor.u32 s3, s0;
	s1 =	sshll.u32 s1, $0x11  }
0xbb: {  	s0 =	sor.u32 s1, s0  }
0xbc: {  	s0 =	sadd.s32 $0x8F2B, s0  }
0xbd: {  	[sflag:s0] =	ssyncadd.remote.s32 $0x1  }
0xbe: {  	_ =	sfence.sel $0xFFFF  }
0xbf: {  	[dreg:$0x0] =	wrdreg $0xFFFFFFFF;
	(pc) =	sbr.abs _section_cstart, $3  }
0xc0: {  	[dreg:$0x1] =	wrdreg $0xFFFFFFFF  }
0xc1: {  	_ =	task.clear_ibuf [dreg:s7], $0x2FFFF;
	_ =	strace $0x9FFFFFFF  }
0xc2: {  	(tm) =	ssettm $0x7FFFFFFF  }
0xc3: {  	_ =	shalt  }
tec
execute0_lowered:
.L_overlay_start_1:
0x0: {  	(tag) =	ssettag $0x1  }
0x1: {  	s1 =	srdreg.scid  }
0x2: {  	s1 =	sand.u32 $0x1, s1  }
0x3: {  	p0 =	seq.s32 s1, $0x1  }
.Ltmp0:
0x4: {  	_ = 	snop;
	(pc) =	sbr.rel @p0 .LBB2_2-.Ltmp0, $4  }
0x5: {  	s4 =	rddreg [dreg:$0x0]  }
0x6: {  	s2 =	rddreg [dreg:$0x1];
	s3 =	simm.s32 $0x0  }
0x7: {  	[smem:$0x7FF] =	sst s3  }
0x8: {  	s0 =	rddreg [dreg:$0x2];
	_ =	strace $0x80000047;
	s1 =	stileid.u32  }
0x9: {  	v0 =	vimm.f32 $1.000000000e+00  }
0xa: {  	[tilespmem:$0x0] =	vst v0  }
0xb: {  	[tilespmem:$0x10] =	vst v0  }
0xc: {  	[tilespmem:$0x20] =	vst v0  }
0xd: {  	[tilespmem:$0x30] =	vst v0  }
0xe: {  	[tilespmem:$0x40] =	vst v0  }
0xf: {  	[tilespmem:$0x50] =	vst v0  }
0x10: {  	[tilespmem:$0x60] =	vst v0  }
0x11: {  	[tilespmem:$0x70] =	vst v0  }
0x12: {  	[tilespmem:$0x80] =	vst v0  }
0x13: {  	[tilespmem:$0x90] =	vst v0  }
0x14: {  	[tilespmem:$0xA0] =	vst v0  }
0x15: {  	[tilespmem:$0xB0] =	vst v0  }
0x16: {  	[tilespmem:$0xC0] =	vst v0  }
0x17: {  	[tilespmem:$0xD0] =	vst v0  }
0x18: {  	[tilespmem:$0xE0] =	vst v0  }
0x19: {  	[tilespmem:$0xF0] =	vst v0  }
0x1a: {  	[tilespmem:$0x100] =	vst v0  }
0x1b: {  	[tilespmem:$0x110] =	vst v0  }
0x1c: {  	[tilespmem:$0x120] =	vst v0  }
0x1d: {  	[tilespmem:$0x130] =	vst v0  }
0x1e: {  	[tilespmem:$0x140] =	vst v0  }
0x1f: {  	[tilespmem:$0x150] =	vst v0  }
0x20: {  	[tilespmem:$0x160] =	vst v0  }
0x21: {  	[tilespmem:$0x170] =	vst v0  }
0x22: {  	[tilespmem:$0x180] =	vst v0  }
0x23: {  	[tilespmem:$0x190] =	vst v0  }
0x24: {  	[tilespmem:$0x1A0] =	vst v0  }
0x25: {  	[tilespmem:$0x1B0] =	vst v0  }
0x26: {  	[tilespmem:$0x1C0] =	vst v0  }
0x27: {  	[tilespmem:$0x1D0] =	vst v0  }
0x28: {  	[tilespmem:$0x1E0] =	vst v0  }
0x29: {  	[tilespmem:$0x1F0] =	vst v0  }
0x2a: {  	[tilespmem:$0x200] =	vst v0  }
0x2b: {  	[tilespmem:$0x210] =	vst v0  }
0x2c: {  	[tilespmem:$0x220] =	vst v0  }
0x2d: {  	[tilespmem:$0x230] =	vst v0  }
0x2e: {  	[tilespmem:$0x240] =	vst v0  }
0x2f: {  	[tilespmem:$0x250] =	vst v0  }
0x30: {  	[tilespmem:$0x260] =	vst v0  }
0x31: {  	[tilespmem:$0x270] =	vst v0  }
0x32: {  	[tilespmem:$0x280] =	vst v0  }
0x33: {  	[tilespmem:$0x290] =	vst v0  }
0x34: {  	[tilespmem:$0x2A0] =	vst v0  }
0x35: {  	[tilespmem:$0x2B0] =	vst v0  }
0x36: {  	[tilespmem:$0x2C0] =	vst v0  }
0x37: {  	[tilespmem:$0x2D0] =	vst v0  }
0x38: {  	[tilespmem:$0x2E0] =	vst v0  }
0x39: {  	[tilespmem:$0x2F0] =	vst v0  }
0x3a: {  	[tilespmem:$0x300] =	vst v0  }
0x3b: {  	[tilespmem:$0x310] =	vst v0  }
0x3c: {  	[tilespmem:$0x320] =	vst v0  }
0x3d: {  	[tilespmem:$0x330] =	vst v0  }
0x3e: {  	[tilespmem:$0x340] =	vst v0  }
0x3f: {  	[tilespmem:$0x350] =	vst v0  }
0x40: {  	[tilespmem:$0x360] =	vst v0  }
0x41: {  	[tilespmem:$0x370] =	vst v0  }
0x42: {  	[tilespmem:$0x380] =	vst v0  }
0x43: {  	[tilespmem:$0x390] =	vst v0  }
0x44: {  	[tilespmem:$0x3A0] =	vst v0  }
0x45: {  	[tilespmem:$0x3B0] =	vst v0  }
0x46: {  	[tilespmem:$0x3C0] =	vst v0  }
0x47: {  	[tilespmem:$0x3D0] =	vst v0  }
0x48: {  	[tilespmem:$0x3E0] =	vst v0  }
0x49: {  	[tilespmem:$0x3F0] =	vst v0  }
0x4a: {  	[tilespmem:$0x400] =	vst v0  }
0x4b: {  	[tilespmem:$0x410] =	vst v0  }
0x4c: {  	[tilespmem:$0x420] =	vst v0  }
0x4d: {  	[tilespmem:$0x430] =	vst v0  }
0x4e: {  	[tilespmem:$0x440] =	vst v0  }
0x4f: {  	[tilespmem:$0x450] =	vst v0  }
0x50: {  	[tilespmem:$0x460] =	vst v0  }
0x51: {  	[tilespmem:$0x470] =	vst v0  }
0x52: {  	[tilespmem:$0x480] =	vst v0  }
0x53: {  	[tilespmem:$0x490] =	vst v0  }
0x54: {  	[tilespmem:$0x4A0] =	vst v0  }
0x55: {  	[tilespmem:$0x4B0] =	vst v0  }
0x56: {  	[tilespmem:$0x4C0] =	vst v0  }
0x57: {  	[tilespmem:$0x4D0] =	vst v0  }
0x58: {  	[tilespmem:$0x4E0] =	vst v0  }
0x59: {  	[tilespmem:$0x4F0] =	vst v0  }
0x5a: {  	[tilespmem:$0x500] =	vst v0  }
0x5b: {  	[tilespmem:$0x510] =	vst v0  }
0x5c: {  	[tilespmem:$0x520] =	vst v0  }
0x5d: {  	[tilespmem:$0x530] =	vst v0  }
0x5e: {  	[tilespmem:$0x540] =	vst v0  }
0x5f: {  	[tilespmem:$0x550] =	vst v0  }
0x60: {  	[tilespmem:$0x560] =	vst v0  }
0x61: {  	[tilespmem:$0x570] =	vst v0  }
0x62: {  	[tilespmem:$0x580] =	vst v0  }
0x63: {  	[tilespmem:$0x590] =	vst v0  }
0x64: {  	[tilespmem:$0x5A0] =	vst v0  }
0x65: {  	[tilespmem:$0x5B0] =	vst v0  }
0x66: {  	[tilespmem:$0x5C0] =	vst v0  }
0x67: {  	[tilespmem:$0x5D0] =	vst v0  }
0x68: {  	[tilespmem:$0x5E0] =	vst v0  }
0x69: {  	[tilespmem:$0x5F0] =	vst v0  }
0x6a: {  	[tilespmem:$0x600] =	vst v0  }
0x6b: {  	[tilespmem:$0x610] =	vst v0  }
0x6c: {  	[tilespmem:$0x620] =	vst v0  }
0x6d: {  	[tilespmem:$0x630] =	vst v0  }
0x6e: {  	[tilespmem:$0x640] =	vst v0  }
0x6f: {  	[tilespmem:$0x650] =	vst v0  }
0x70: {  	[tilespmem:$0x660] =	vst v0  }
0x71: {  	[tilespmem:$0x670] =	vst v0  }
0x72: {  	[tilespmem:$0x680] =	vst v0  }
0x73: {  	[tilespmem:$0x690] =	vst v0  }
0x74: {  	[tilespmem:$0x6A0] =	vst v0  }
0x75: {  	[tilespmem:$0x6B0] =	vst v0  }
0x76: {  	[tilespmem:$0x6C0] =	vst v0  }
0x77: {  	[tilespmem:$0x6D0] =	vst v0  }
0x78: {  	[tilespmem:$0x6E0] =	vst v0  }
0x79: {  	[tilespmem:$0x6F0] =	vst v0  }
0x7a: {  	[tilespmem:$0x700] =	vst v0  }
0x7b: {  	[tilespmem:$0x710] =	vst v0  }
0x7c: {  	[tilespmem:$0x720] =	vst v0  }
0x7d: {  	[tilespmem:$0x730] =	vst v0  }
0x7e: {  	[tilespmem:$0x740] =	vst v0  }
0x7f: {  	[tilespmem:$0x750] =	vst v0  }
0x80: {  	[tilespmem:$0x760] =	vst v0  }
0x81: {  	[tilespmem:$0x770] =	vst v0  }
0x82: {  	[tilespmem:$0x780] =	vst v0  }
0x83: {  	[tilespmem:$0x790] =	vst v0  }
0x84: {  	[tilespmem:$0x7A0] =	vst v0  }
0x85: {  	[tilespmem:$0x7B0] =	vst v0  }
0x86: {  	v63 =	vimm.f32 $0.0e+00;
	[tilespmem:$0x7C0] =	vst v0  }
0x87: {  	[tilespmem:$0xCD0] =	vst v63  }
0x88: {  	[tilespmem:$0xCE0] =	vst v63  }
0x89: {  	[tilespmem:$0xCF0] =	vst v63  }
0x8a: {  	[tilespmem:$0xD00] =	vst v63  }
0x8b: {  	[tilespmem:$0xD10] =	vst v63  }
0x8c: {  	[tilespmem:$0xD20] =	vst v63  }
0x8d: {  	[tilespmem:$0xD30] =	vst v63  }
0x8e: {  	[tilespmem:$0xD40] =	vst v63  }
0x8f: {  	[tilespmem:$0xD50] =	vst v63  }
0x90: {  	[tilespmem:$0xD60] =	vst v63  }
0x91: {  	[tilespmem:$0xD70] =	vst v63  }
0x92: {  	[tilespmem:$0xD80] =	vst v63  }
0x93: {  	[tilespmem:$0xD90] =	vst v63  }
0x94: {  	[tilespmem:$0xDA0] =	vst v63  }
0x95: {  	[tilespmem:$0xDB0] =	vst v63  }
0x96: {  	[tilespmem:$0xDC0] =	vst v63  }
0x97: {  	[tilespmem:$0xDD0] =	vst v63  }
0x98: {  	[tilespmem:$0xDE0] =	vst v63  }
0x99: {  	[tilespmem:$0xDF0] =	vst v63  }
0x9a: {  	[tilespmem:$0xE00] =	vst v63  }
0x9b: {  	[tilespmem:$0xE10] =	vst v63  }
0x9c: {  	[tilespmem:$0xE20] =	vst v63  }
0x9d: {  	[tilespmem:$0xE30] =	vst v63  }
0x9e: {  	[tilespmem:$0xE40] =	vst v63  }
0x9f: {  	[tilespmem:$0xE50] =	vst v63  }
0xa0: {  	[tilespmem:$0xE60] =	vst v63  }
0xa1: {  	[tilespmem:$0xE70] =	vst v63  }
0xa2: {  	[tilespmem:$0xE80] =	vst v63  }
0xa3: {  	[tilespmem:$0xE90] =	vst v63  }
0xa4: {  	[tilespmem:$0xEA0] =	vst v63  }
0xa5: {  	[tilespmem:$0xEB0] =	vst v63  }
0xa6: {  	[tilespmem:$0xEC0] =	vst v63  }
0xa7: {  	[tilespmem:$0xED0] =	vst v63  }
0xa8: {  	[tilespmem:$0xEE0] =	vst v63  }
0xa9: {  	[tilespmem:$0xEF0] =	vst v63  }
0xaa: {  	[tilespmem:$0xF00] =	vst v63  }
0xab: {  	[tilespmem:$0xF10] =	vst v63  }
0xac: {  	[tilespmem:$0xF20] =	vst v63  }
0xad: {  	[tilespmem:$0xF30] =	vst v63  }
0xae: {  	[tilespmem:$0xF40] =	vst v63  }
0xaf: {  	[tilespmem:$0xF50] =	vst v63  }
0xb0: {  	[tilespmem:$0xF60] =	vst v63  }
0xb1: {  	[tilespmem:$0xF70] =	vst v63  }
0xb2: {  	[tilespmem:$0xF80] =	vst v63  }
0xb3: {  	[tilespmem:$0xF90] =	vst v63  }
0xb4: {  	[tilespmem:$0xFA0] =	vst v63  }
0xb5: {  	[tilespmem:$0xFB0] =	vst v63  }
0xb6: {  	[tilespmem:$0xFC0] =	vst v63  }
0xb7: {  	[tilespmem:$0xFD0] =	vst v63  }
0xb8: {  	[tilespmem:$0xFE0] =	vst v63  }
0xb9: {  	[tilespmem:$0xFF0] =	vst v63  }
0xba: {  	[tilespmem:$0x1000] =	vst v63  }
0xbb: {  	[tilespmem:$0x1010] =	vst v63  }
0xbc: {  	[tilespmem:$0x1020] =	vst v63  }
0xbd: {  	[tilespmem:$0x1030] =	vst v63  }
0xbe: {  	[tilespmem:$0x1040] =	vst v63  }
0xbf: {  	[tilespmem:$0x1050] =	vst v63  }
0xc0: {  	[tilespmem:$0x1060] =	vst v63  }
0xc1: {  	[tilespmem:$0x1070] =	vst v63  }
0xc2: {  	[tilespmem:$0x1080] =	vst v63  }
0xc3: {  	[tilespmem:$0x1090] =	vst v63  }
0xc4: {  	[tilespmem:$0x10A0] =	vst v63  }
0xc5: {  	[tilespmem:$0x10B0] =	vst v63  }
0xc6: {  	[tilespmem:$0x10C0] =	vst v63  }
0xc7: {  	[tilespmem:$0x10D0] =	vst v63  }
0xc8: {  	[tilespmem:$0x10E0] =	vst v63  }
0xc9: {  	[tilespmem:$0x10F0] =	vst v63  }
0xca: {  	[tilespmem:$0x1100] =	vst v63  }
0xcb: {  	[tilespmem:$0x1110] =	vst v63  }
0xcc: {  	[tilespmem:$0x1120] =	vst v63  }
0xcd: {  	[tilespmem:$0x1130] =	vst v63  }
0xce: {  	[tilespmem:$0x1140] =	vst v63  }
0xcf: {  	[tilespmem:$0x1150] =	vst v63  }
0xd0: {  	[tilespmem:$0x1160] =	vst v63  }
0xd1: {  	[tilespmem:$0x1170] =	vst v63  }
0xd2: {  	[tilespmem:$0x1180] =	vst v63  }
0xd3: {  	[tilespmem:$0x1190] =	vst v63  }
0xd4: {  	[tilespmem:$0x11A0] =	vst v63  }
0xd5: {  	[tilespmem:$0x11B0] =	vst v63  }
0xd6: {  	[tilespmem:$0x11C0] =	vst v63  }
0xd7: {  	[tilespmem:$0x11D0] =	vst v63  }
0xd8: {  	[tilespmem:$0x11E0] =	vst v63  }
0xd9: {  	[tilespmem:$0x11F0] =	vst v63  }
0xda: {  	[tilespmem:$0x1200] =	vst v63  }
0xdb: {  	[tilespmem:$0x1210] =	vst v63  }
0xdc: {  	[tilespmem:$0x1220] =	vst v63  }
0xdd: {  	[tilespmem:$0x1230] =	vst v63  }
0xde: {  	[tilespmem:$0x1240] =	vst v63  }
0xdf: {  	[tilespmem:$0x1250] =	vst v63  }
0xe0: {  	[tilespmem:$0x1260] =	vst v63  }
0xe1: {  	[tilespmem:$0x1270] =	vst v63  }
0xe2: {  	[tilespmem:$0x1280] =	vst v63  }
0xe3: {  	[tilespmem:$0x1290] =	vst v63  }
0xe4: {  	[tilespmem:$0x12A0] =	vst v63  }
0xe5: {  	[tilespmem:$0x12B0] =	vst v63  }
0xe6: {  	[tilespmem:$0x12C0] =	vst v63  }
0xe7: {  	[tilespmem:$0x12D0] =	vst v63  }
0xe8: {  	[tilespmem:$0x12E0] =	vst v63  }
0xe9: {  	[tilespmem:$0x12F0] =	vst v63  }
0xea: {  	[tilespmem:$0x1300] =	vst v63  }
0xeb: {  	[tilespmem:$0x1310] =	vst v63  }
0xec: {  	[tilespmem:$0x1320] =	vst v63  }
0xed: {  	[tilespmem:$0x1330] =	vst v63  }
0xee: {  	[tilespmem:$0x1340] =	vst v63  }
0xef: {  	[tilespmem:$0x1350] =	vst v63  }
0xf0: {  	[tilespmem:$0x1360] =	vst v63  }
0xf1: {  	[tilespmem:$0x1370] =	vst v63  }
0xf2: {  	[tilespmem:$0x1380] =	vst v63  }
0xf3: {  	[tilespmem:$0x1390] =	vst v63  }
0xf4: {  	[tilespmem:$0x13A0] =	vst v63  }
0xf5: {  	[tilespmem:$0x13B0] =	vst v63  }
0xf6: {  	[tilespmem:$0x13C0] =	vst v63  }
0xf7: {  	[tilespmem:$0x13D0] =	vst v63  }
0xf8: {  	[tilespmem:$0x13E0] =	vst v63  }
0xf9: {  	[tilespmem:$0x13F0] =	vst v63  }
0xfa: {  	[tilespmem:$0x1400] =	vst v63  }
0xfb: {  	[tilespmem:$0x1410] =	vst v63  }
0xfc: {  	[tilespmem:$0x1420] =	vst v63  }
0xfd: {  	[tilespmem:$0x1430] =	vst v63  }
0xfe: {  	[tilespmem:$0x1440] =	vst v63  }
0xff: {  	[tilespmem:$0x1450] =	vst v63  }
0x100: {  	[tilespmem:$0x1460] =	vst v63  }
0x101: {  	[tilespmem:$0x1470] =	vst v63  }
0x102: {  	[tilespmem:$0x1480] =	vst v63  }
0x103: {  	s5 =	smul.u32 $0x9C40, s1;
	[tilespmem:$0x1490] =	vst v63  }
0x104: {  	s6 =	smul.u32 $0x1388, s1;
	[tilespmem:$0x14A0] =	vst v63  }
0x105: {  	[tilespmem:$0x14B0] =	vst v63;
	s5 =	sshrl.u32 s5, $0x3  }
0x106: {  	[tilespmem:$0x14C0] =	vst v63;
	s6 =	sadd.s32 s2, s6;
	s5 =	sadd.s32 s2, s5  }
0x107: {  	[hbm4b:s6+s3] =	stream.linear.scatter [tilespmem:s3], [sflag:$0x1], $0x7D0, $0x38;
	[tilespmem:$0x14D0] =	vst v63  }
0x108: {  	s21 =	sadd.s32 $0xFA, s5  }
0x109: {  	[hbm4b:s21+s3] =	stream.linear.scatter [tilespmem:s3], [sflag:$0x1], $0x7D0, $0x38;
	[tilespmem:$0x14D0] =	vst v63  }
0x10a: {  	s22 =	sadd.s32 $0x1F4, s5  }
0x10b: {  	[hbm4b:s22+s3] =	stream.linear.scatter [tilespmem:s3], [sflag:$0x1], $0x7D0, $0x38;
	[tilespmem:$0x14D0] =	vst v63  }
0x10c: {  	s23 =	sadd.s32 $0x2EE, s5  }
0x10d: {  	[hbm4b:s23+s3] =	stream.linear.scatter [tilespmem:s3], [sflag:$0x1], $0x7D0, $0x38;
	[tilespmem:$0x14D0] =	vst v63  }
0x10e: {  	s24 =	sadd.s32 $0x3E8, s5  }
0x10f: {  	[hbm4b:s24+s3] =	stream.linear.scatter [tilespmem:s3], [sflag:$0x1], $0x7D0, $0x38;
	[tilespmem:$0x14D0] =	vst v63  }
0x110: {  	s25 =	sadd.s32 $0x4E2, s5  }
0x111: {  	[hbm4b:s25+s3] =	stream.linear.scatter [tilespmem:s3], [sflag:$0x1], $0x7D0, $0x38;
	[tilespmem:$0x14D0] =	vst v63  }
0x112: {  	s26 =	sadd.s32 $0x5DC, s5  }
0x113: {  	[hbm4b:s26+s3] =	stream.linear.scatter [tilespmem:s3], [sflag:$0x1], $0x7D0, $0x38;
	[tilespmem:$0x14D0] =	vst v63  }
0x114: {  	s28 =	sadd.s32 $0x6D6, s5  }
0x115: {  	[hbm4b:s28+s3] =	stream.linear.scatter [tilespmem:s3], [sflag:$0x1], $0x7D0, $0x38;
	[tilespmem:$0x14D0] =	vst v63  }
0x116: {  	s29 =	sadd.s32 $0x7D0, s5  }
0x117: {  	[hbm4b:s29+s3] =	stream.linear.scatter [tilespmem:s3], [sflag:$0x1], $0x7D0, $0x38;
	[tilespmem:$0x14D0] =	vst v63  }
0x118: {  	s30 =	sadd.s32 $0x8CA, s5  }
0x119: {  	[hbm4b:s30+s3] =	stream.linear.scatter [tilespmem:s3], [sflag:$0x1], $0x7D0, $0x38;
	[tilespmem:$0x14D0] =	vst v63  }
0x11a: {  	s31 =	sadd.s32 $0x9C4, s5  }
0x11b: {  	[hbm4b:s31+s3] =	stream.linear.scatter [tilespmem:s3], [sflag:$0x1], $0x7D0, $0x38;
	[tilespmem:$0x14D0] =	vst v63  }
0x11c: {  	s7 =	sadd.s32 $0xABE, s5  }
0x11d: {  	[hbm4b:s7+s3] =	stream.linear.scatter [tilespmem:s3], [sflag:$0x1], $0x7D0, $0x38;
	[tilespmem:$0x14D0] =	vst v63  }
0x11e: {  	s8 =	sadd.s32 $0xBB8, s5  }
0x11f: {  	[hbm4b:s8+s3] =	stream.linear.scatter [tilespmem:s3], [sflag:$0x1], $0x7D0, $0x38;
	[tilespmem:$0x14D0] =	vst v63  }
0x120: {  	s9 =	sadd.s32 $0xCB2, s5  }
0x121: {  	[hbm4b:s9+s3] =	stream.linear.scatter [tilespmem:s3], [sflag:$0x1], $0x7D0, $0x38;
	[tilespmem:$0x14D0] =	vst v63  }
0x122: {  	s10 =	sadd.s32 $0xDAC, s5  }
0x123: {  	[hbm4b:s10+s3] =	stream.linear.scatter [tilespmem:s3], [sflag:$0x1], $0x7D0, $0x38;
	[tilespmem:$0x14D0] =	vst v63  }
0x124: {  	s11 =	sadd.s32 $0xEA6, s5  }
0x125: {  	[hbm4b:s11+s3] =	stream.linear.scatter [tilespmem:s3], [sflag:$0x1], $0x7D0, $0x38;
	[tilespmem:$0x14D0] =	vst v63  }
0x126: {  	s12 =	sadd.s32 $0xFA0, s5  }
0x127: {  	[hbm4b:s12+s3] =	stream.linear.scatter [tilespmem:s3], [sflag:$0x1], $0x7D0, $0x38;
	[tilespmem:$0x14D0] =	vst v63  }
0x128: {  	s13 =	sadd.s32 $0x109A, s5  }
0x129: {  	[hbm4b:s13+s3] =	stream.linear.scatter [tilespmem:s3], [sflag:$0x1], $0x7D0, $0x38;
	[tilespmem:$0x14D0] =	vst v63  }
0x12a: {  	s14 =	sadd.s32 $0x1194, s5  }
0x12b: {  	[hbm4b:s14+s3] =	stream.linear.scatter [tilespmem:s3], [sflag:$0x1], $0x7D0, $0x38;
	[tilespmem:$0x14D0] =	vst v63  }
0x12c: {  	s4 =	sadd.s32 $0x400, s4;
	s15 =	smul.u32 $0xA0, s1;
	s5 =	sadd.s32 $0x128E, s5  }
0x12d: {  	[hbm4b:s5+s3] =	stream.linear.scatter [tilespmem:s3], [sflag:$0x1], $0x7D0, $0x38;
	[tilespmem:$0x14D0] =	vst v63  }
0x12e: {  	s17 =	simm.s32 $0x7D0;
	s18 =	simm.s32 $0x2;
	s16 =	sadd.s32 s4, s15  }
0x12f: {  	[tilespmem:s17], [sflag:$0x2] =	stream.linear.gather [hbm4b:s16+s3], $0x500, $0x38;
	[tilespmem:$0x14D0] =	vst v63  }
0x130: {  	_ =	swait.ge [sflag:s18], $0x500  }
0x131: {  	[sflag:s18] =	ssyncset.done $0x0  }
0x132: {  	s19 =	simm.s32 $0x1;
	[sflag:s18] =	ssyncadd.s32 $0xFFFFFB00  }
0x133: {  	_ =	swait.ge [sflag:s19], $0x7D0  }
0x134: {  	[sflag:s19] =	ssyncset.done $0x0  }
0x135: {  	[sflag:s19] =	ssyncadd.s32 $0xFFFFF830  }
0x136: {  	_ =	swait.ge [sflag:s19], $0x7D0  }
0x137: {  	[sflag:s19] =	ssyncset.done $0x0  }
0x138: {  	[sflag:s19] =	ssyncadd.s32 $0xFFFFF830  }
0x139: {  	_ =	swait.ge [sflag:s19], $0x7D0  }
0x13a: {  	[sflag:s19] =	ssyncset.done $0x0  }
0x13b: {  	[sflag:s19] =	ssyncadd.s32 $0xFFFFF830  }
0x13c: {  	_ =	swait.ge [sflag:s19], $0x7D0  }
0x13d: {  	[sflag:s19] =	ssyncset.done $0x0  }
0x13e: {  	[sflag:s19] =	ssyncadd.s32 $0xFFFFF830  }
0x13f: {  	_ =	swait.ge [sflag:s19], $0x7D0  }
0x140: {  	[sflag:s19] =	ssyncset.done $0x0  }
0x141: {  	[sflag:s19] =	ssyncadd.s32 $0xFFFFF830  }
0x142: {  	_ =	swait.ge [sflag:s19], $0x7D0  }
0x143: {  	[sflag:s19] =	ssyncset.done $0x0  }
0x144: {  	[sflag:s19] =	ssyncadd.s32 $0xFFFFF830  }
0x145: {  	_ =	swait.ge [sflag:s19], $0x7D0  }
0x146: {  	[sflag:s19] =	ssyncset.done $0x0  }
0x147: {  	[sflag:s19] =	ssyncadd.s32 $0xFFFFF830  }
0x148: {  	_ =	swait.ge [sflag:s19], $0x7D0  }
0x149: {  	[sflag:s19] =	ssyncset.done $0x0  }
0x14a: {  	[sflag:s19] =	ssyncadd.s32 $0xFFFFF830  }
0x14b: {  	_ =	swait.ge [sflag:s19], $0x7D0  }
0x14c: {  	[sflag:s19] =	ssyncset.done $0x0  }
0x14d: {  	[sflag:s19] =	ssyncadd.s32 $0xFFFFF830  }
0x14e: {  	_ =	swait.ge [sflag:s19], $0x7D0  }
0x14f: {  	[sflag:s19] =	ssyncset.done $0x0  }
0x150: {  	[sflag:s19] =	ssyncadd.s32 $0xFFFFF830  }
0x151: {  	_ =	swait.ge [sflag:s19], $0x7D0  }
0x152: {  	[sflag:s19] =	ssyncset.done $0x0  }
0x153: {  	[sflag:s19] =	ssyncadd.s32 $0xFFFFF830  }
0x154: {  	_ =	swait.ge [sflag:s19], $0x7D0  }
0x155: {  	[sflag:s19] =	ssyncset.done $0x0  }
0x156: {  	[sflag:s19] =	ssyncadd.s32 $0xFFFFF830  }
0x157: {  	_ =	swait.ge [sflag:s19], $0x7D0  }
0x158: {  	[sflag:s19] =	ssyncset.done $0x0  }
0x159: {  	[sflag:s19] =	ssyncadd.s32 $0xFFFFF830  }
0x15a: {  	_ =	swait.ge [sflag:s19], $0x7D0  }
0x15b: {  	[sflag:s19] =	ssyncset.done $0x0  }
0x15c: {  	[sflag:s19] =	ssyncadd.s32 $0xFFFFF830  }
0x15d: {  	_ =	swait.ge [sflag:s19], $0x7D0  }
0x15e: {  	[sflag:s19] =	ssyncset.done $0x0  }
0x15f: {  	[sflag:s19] =	ssyncadd.s32 $0xFFFFF830  }
0x160: {  	_ =	swait.ge [sflag:s19], $0x7D0  }
0x161: {  	[sflag:s19] =	ssyncset.done $0x0  }
0x162: {  	[sflag:s19] =	ssyncadd.s32 $0xFFFFF830  }
0x163: {  	_ =	swait.ge [sflag:s19], $0x7D0  }
0x164: {  	[sflag:s19] =	ssyncset.done $0x0  }
0x165: {  	[sflag:s19] =	ssyncadd.s32 $0xFFFFF830  }
0x166: {  	_ =	swait.ge [sflag:s19], $0x7D0  }
0x167: {  	[sflag:s19] =	ssyncset.done $0x0  }
0x168: {  	[sflag:s19] =	ssyncadd.s32 $0xFFFFF830  }
0x169: {  	_ =	swait.ge [sflag:s19], $0x7D0  }
0x16a: {  	[sflag:s19] =	ssyncset.done $0x0  }
0x16b: {  	[sflag:s19] =	ssyncadd.s32 $0xFFFFF830  }
0x16c: {  	_ =	swait.ge [sflag:s19], $0x7D0  }
0x16d: {  	[sflag:s19] =	ssyncset.done $0x0  }
0x16e: {  	[sflag:s19] =	ssyncadd.s32 $0xFFFFF830  }
0x16f: {  	s20 =	simm.s32 $0x80;
	s21 =	simm.s32 $0xCD0;
	[bflag:$0x0] =	sbarrier.arrive $0xFFFF  }
0x170: {  	[hbm4b:s2+s20] =	stream.indirect.scatter [tilespmem:s21], [sflag:$0x1], $0x10, s17, s20, $0xb8;
	[tilespmem:$0x14D0] =	vst v63  }
0x171: {  	s22 =	simm.s32 $0x850  }
0x172: {  	[hbm4b:s2+s20] =	stream.indirect.scatter [tilespmem:s21], [sflag:$0x1], $0x10, s22, s20, $0xb8;
	[tilespmem:$0x14D0] =	vst v63  }
0x173: {  	s23 =	simm.s32 $0x8D0  }
0x174: {  	[hbm4b:s2+s20] =	stream.indirect.scatter [tilespmem:s21], [sflag:$0x1], $0x10, s23, s20, $0xb8;
	[tilespmem:$0x14D0] =	vst v63  }
0x175: {  	s24 =	simm.s32 $0x950  }
0x176: {  	[hbm4b:s2+s20] =	stream.indirect.scatter [tilespmem:s21], [sflag:$0x1], $0x10, s24, s20, $0xb8;
	[tilespmem:$0x14D0] =	vst v63  }
0x177: {  	s25 =	simm.s32 $0x9D0  }
0x178: {  	[hbm4b:s2+s20] =	stream.indirect.scatter [tilespmem:s21], [sflag:$0x1], $0x10, s25, s20, $0xb8;
	[tilespmem:$0x14D0] =	vst v63  }
0x179: {  	s26 =	simm.s32 $0xA50  }
0x17a: {  	[hbm4b:s2+s20] =	stream.indirect.scatter [tilespmem:s21], [sflag:$0x1], $0x10, s26, s20, $0xb8;
	[tilespmem:$0x14D0] =	vst v63  }
0x17b: {  	s28 =	simm.s32 $0xAD0  }
0x17c: {  	[hbm4b:s2+s20] =	stream.indirect.scatter [tilespmem:s21], [sflag:$0x1], $0x10, s28, s20, $0xb8;
	[tilespmem:$0x14D0] =	vst v63  }
0x17d: {  	s29 =	simm.s32 $0xB50  }
0x17e: {  	[hbm4b:s2+s20] =	stream.indirect.scatter [tilespmem:s21], [sflag:$0x1], $0x10, s29, s20, $0xb8;
	[tilespmem:$0x14D0] =	vst v63  }
0x17f: {  	s30 =	simm.s32 $0xBD0  }
0x180: {  	[hbm4b:s2+s20] =	stream.indirect.scatter [tilespmem:s21], [sflag:$0x1], $0x10, s30, s20, $0xb8;
	[tilespmem:$0x14D0] =	vst v63  }
0x181: {  	s31 =	simm.s32 $0xC50  }
0x182: {  	[hbm4b:s2+s20] =	stream.indirect.scatter [tilespmem:s21], [sflag:$0x1], $0x10, s31, s20, $0xb8;
	[tilespmem:$0x14D0] =	vst v63  }
0x183: {  	_ =	swait.ge [sflag:s19], $0x800  }
0x184: {  	[sflag:s19] =	ssyncset.done $0x0  }
0x185: {  	[sflag:s19] =	ssyncadd.s32 $0xFFFFF800  }
0x186: {  	_ =	swait.ge [sflag:s19], $0x800  }
0x187: {  	[sflag:s19] =	ssyncset.done $0x0  }
0x188: {  	[sflag:s19] =	ssyncadd.s32 $0xFFFFF800  }
0x189: {  	_ =	swait.ge [sflag:s19], $0x800  }
0x18a: {  	[sflag:s19] =	ssyncset.done $0x0  }
0x18b: {  	[sflag:s19] =	ssyncadd.s32 $0xFFFFF800  }
0x18c: {  	_ =	swait.ge [sflag:s19], $0x800  }
0x18d: {  	[sflag:s19] =	ssyncset.done $0x0  }
0x18e: {  	[sflag:s19] =	ssyncadd.s32 $0xFFFFF800  }
0x18f: {  	_ =	swait.ge [sflag:s19], $0x800  }
0x190: {  	[sflag:s19] =	ssyncset.done $0x0  }
0x191: {  	[sflag:s19] =	ssyncadd.s32 $0xFFFFF800  }
0x192: {  	_ =	swait.ge [sflag:s19], $0x800  }
0x193: {  	[sflag:s19] =	ssyncset.done $0x0  }
0x194: {  	[sflag:s19] =	ssyncadd.s32 $0xFFFFF800  }
0x195: {  	_ =	swait.ge [sflag:s19], $0x800  }
0x196: {  	[sflag:s19] =	ssyncset.done $0x0  }
0x197: {  	[sflag:s19] =	ssyncadd.s32 $0xFFFFF800  }
0x198: {  	_ =	swait.ge [sflag:s19], $0x800  }
0x199: {  	[sflag:s19] =	ssyncset.done $0x0  }
0x19a: {  	[sflag:s19] =	ssyncadd.s32 $0xFFFFF800  }
0x19b: {  	_ =	swait.ge [sflag:s19], $0x800  }
0x19c: {  	[sflag:s19] =	ssyncset.done $0x0  }
0x19d: {  	[sflag:s19] =	ssyncadd.s32 $0xFFFFF800  }
0x19e: {  	_ =	swait.ge [sflag:s19], $0x800  }
0x19f: {  	[sflag:s19] =	ssyncset.done $0x0  }
0x1a0: {  	[sflag:s19] =	ssyncadd.s32 $0xFFFFF800  }
.LBB2_2:
0x1a1: {  	_ =	sfence.sel $0x180000  }
0x1a2: {  	[bflag:$0x0] =	sbarrier.arrive $0xFFFF  }
0x1a3: {  	p0 =	sne.s32 s1, $0x0;
	_ =	strace $0x90000047  }
0x1a4: {  	s0 =	sadd.s32 @!p0 $0x100000, s0;
	[bflag:$0x2] =	sbarrier.arrive $0xFFFF  }
0x1a5: {  	[sflag:s0] =	ssyncadd.tile.s32 @!p0 $0x1;
	_ =	shalt  }
.Lfunc_end2:
_tile_overlayer_lowered:
.L_overlay_start_2:
0x1a6: {  	(tag) =	ssettag $0x2  }
0x1a7: {  	s0 =	rddreg [dreg:$0x0];
	s2 =	stileid.u32  }
0x1a8: {  	s1 =	rddreg [dreg:$0x1];
	p0 =	sne.s32 s2, $0x0  }
0x1a9: {  	s3 =	rddreg [dreg:$0x2];
	[bflag:$0x3] =	sbarrier.arrive $0xFFFF;
	s2 =	simm.s32 @!p0 $0x1C02  }
0x1aa: {  	[timem:s3], [sflag:s2] =	dma.local @!p0 [hbm:s0], s1  }
0x1ab: {  	s0 =	simm.s32 @!p0 $0x2  }
0x1ac: {  	_ =	swait.ge @!p0 [sflag:s0], s1  }
0x1ad: {  	s1 =	ssub.s32 @!p0 $0x0, s1;
	[sflag:s0] =	ssyncset.done @!p0 $0x0  }
0x1ae: {  	[sflag:s0] =	ssyncadd.s32 @!p0 s1  }
0x1af: {  	[bflag:$0x3] =	sbarrier.arrive $0xFFFF  }
0x1b0: {  	_ =	shalt  }

</sc_bundles>
